<compile_context>
chip_gen: v7x
topology: tpu7x:2x2x1
jax: 0.10.2.dev20260603
libtpu: 0.0.44.dev20260713+nightly
codegen_flags: <defaults>
</compile_context>

<pallas_src>
import functools

import jax
import jax.numpy as jnp
from jax import lax
from jax.experimental import pallas as pl
from jax.experimental.pallas import tpu as pltpu
from jax.experimental.pallas import tpu_sc as plsc

N = 10000
E = 320000
D = 128

NC = 2
NS = 16
NW = NC * NS
CHUNK = 128
NCHUNK = 80
EPW = NCHUNK * CHUNK
ROWS_MAIN = 632
ROWS_LAST = 520


def _sc_segsum_body(h_hbm, src_hbm, dst_hbm, p0_hbm, p1_hbm,
                    acc, si0, si1, si2, di0, di1, di2, rb0, rb1, rb2,
                    ss0, ss1, ss2, ds0, ds1, ds2, gs0, gs1, gs2,
                    cs0, cs1, cs2, zsem):
    sib = (si0, si1, si2)
    dib = (di0, di1, di2)
    rbs = (rb0, rb1, rb2)
    ssem = (ss0, ss1, ss2)
    dsem = (ds0, ds1, ds2)
    gsem = (gs0, gs1, gs2)
    csem = (cs0, cs1, cs2)
    c = lax.axis_index("c")
    s = lax.axis_index("s")
    w = s * NC + c
    base = w * EPW
    nck = jnp.minimum(NCHUNK, (E - base) // CHUNK)
    row0 = s * ROWS_MAIN

    def si_src(j):
        return src_hbm.at[pl.ds(base + j * CHUNK, CHUNK)]

    def di_src(j):
        return dst_hbm.at[pl.ds(base + j * CHUNK, CHUNK)]

    for u in range(3):
        pltpu.async_copy(si_src(u), sib[u], ssem[u])
    for u in range(2):
        pltpu.async_copy(di_src(u), dib[u], dsem[u])

    z16 = jnp.zeros((16,), jnp.float32)

    def _zrow(r, carry):
        for q in range(D // 16):
            rb2[r, pl.ds(q * 16, 16)] = z16
        return carry

    lax.fori_loop(0, CHUNK, _zrow, 0)
    for k in range(4):
        pltpu.async_copy(rb2, acc.at[pl.ds(row0 + k * CHUNK, CHUNK)], zsem)

    @pl.when(s < NS - 1)
    def _():
        pltpu.async_copy(rb2.at[pl.ds(0, ROWS_MAIN - 4 * CHUNK)],
                         acc.at[pl.ds(row0 + 4 * CHUNK,
                                      ROWS_MAIN - 4 * CHUNK)], zsem)

    @pl.when(s == NS - 1)
    def _():
        pltpu.async_copy(rb2.at[pl.ds(0, ROWS_LAST - 4 * CHUNK)],
                         acc.at[pl.ds(row0 + 4 * CHUNK,
                                      ROWS_LAST - 4 * CHUNK)], zsem)

    pltpu.make_async_copy(si_src(0), si0, ss0).wait()
    pltpu.async_copy(h_hbm.at[si0], rb0, gs0)
    pltpu.make_async_copy(si_src(1), si1, ss1).wait()
    pltpu.async_copy(h_hbm.at[si1], rb1, gs1)

    for k in range(4):
        pltpu.make_async_copy(rb2, acc.at[pl.ds(row0 + k * CHUNK, CHUNK)],
                              zsem).wait()

    @pl.when(s < NS - 1)
    def _():
        pltpu.make_async_copy(rb2.at[pl.ds(0, ROWS_MAIN - 4 * CHUNK)],
                              acc.at[pl.ds(row0 + 4 * CHUNK,
                                           ROWS_MAIN - 4 * CHUNK)],
                              zsem).wait()

    @pl.when(s == NS - 1)
    def _():
        pltpu.make_async_copy(rb2.at[pl.ds(0, ROWS_LAST - 4 * CHUNK)],
                              acc.at[pl.ds(row0 + 4 * CHUNK,
                                           ROWS_LAST - 4 * CHUNK)],
                              zsem).wait()

    plsc.subcore_barrier()

    def _slot_ops(i, u, first):
        pltpu.make_async_copy(h_hbm.at[sib[u]], rbs[u], gsem[u]).wait()
        pltpu.make_async_copy(di_src(i), dib[u], dsem[u]).wait()
        pltpu.async_copy(rbs[u], acc.at[dib[u]], csem[u], add=True)
        if not first:
            pltpu.make_async_copy(rbs[(u + 2) % 3], acc.at[dib[(u + 2) % 3]],
                                  csem[(u + 2) % 3]).wait()

        @pl.when(i + 3 < nck)
        def _():
            pltpu.async_copy(si_src(i + 3), sib[u], ssem[u])

        @pl.when(i + 2 < nck)
        def _():
            pltpu.async_copy(di_src(i + 2), dib[(u + 2) % 3],
                             dsem[(u + 2) % 3])
            pltpu.make_async_copy(si_src(i + 2), sib[(u + 2) % 3],
                                  ssem[(u + 2) % 3]).wait()
            pltpu.async_copy(h_hbm.at[sib[(u + 2) % 3]], rbs[(u + 2) % 3],
                             gsem[(u + 2) % 3])

    _slot_ops(0, 0, True)
    _slot_ops(1, 1, False)
    _slot_ops(2, 2, False)

    def _body(p, carry):
        for u in range(3):
            i = p * 3 + u

            @pl.when(i < nck)
            def _():
                _slot_ops(i, u, False)
        return carry

    lax.fori_loop(1, (NCHUNK // 3) + 1, _body, 0)
    pltpu.make_async_copy(rbs[1], acc.at[dib[1]], csem[1]).wait()
    plsc.subcore_barrier()

    def _writeout(dst_hbm_out):
        @pl.when(s < NS - 1)
        def _():
            pltpu.sync_copy(acc.at[pl.ds(row0, ROWS_MAIN)],
                            dst_hbm_out.at[pl.ds(row0, ROWS_MAIN)])

        @pl.when(s == NS - 1)
        def _():
            pltpu.sync_copy(acc.at[pl.ds(row0, ROWS_LAST)],
                            dst_hbm_out.at[pl.ds(row0, ROWS_LAST)])

    @pl.when(c == 0)
    def _():
        _writeout(p0_hbm)

    @pl.when(c == 1)
    def _():
        _writeout(p1_hbm)


_sc_segsum = functools.partial(
    pl.kernel,
    out_type=(jax.ShapeDtypeStruct((N, D), jnp.float32),
              jax.ShapeDtypeStruct((N, D), jnp.float32)),
    mesh=plsc.VectorSubcoreMesh(core_axis_name="c", subcore_axis_name="s"),
    scratch_types=[
        pltpu.VMEM_SHARED((N, D), jnp.float32),
        pltpu.VMEM((CHUNK,), jnp.int32),
        pltpu.VMEM((CHUNK,), jnp.int32),
        pltpu.VMEM((CHUNK,), jnp.int32),
        pltpu.VMEM((CHUNK,), jnp.int32),
        pltpu.VMEM((CHUNK,), jnp.int32),
        pltpu.VMEM((CHUNK,), jnp.int32),
        pltpu.VMEM((CHUNK, D), jnp.float32),
        pltpu.VMEM((CHUNK, D), jnp.float32),
        pltpu.VMEM((CHUNK, D), jnp.float32),
        pltpu.SemaphoreType.DMA,
        pltpu.SemaphoreType.DMA,
        pltpu.SemaphoreType.DMA,
        pltpu.SemaphoreType.DMA,
        pltpu.SemaphoreType.DMA,
        pltpu.SemaphoreType.DMA,
        pltpu.SemaphoreType.DMA,
        pltpu.SemaphoreType.DMA,
        pltpu.SemaphoreType.DMA,
        pltpu.SemaphoreType.DMA,
        pltpu.SemaphoreType.DMA,
        pltpu.SemaphoreType.DMA,
        pltpu.SemaphoreType.DMA,
    ],
)(_sc_segsum_body)


BLK = 2000


def _combine_mm_body(p0_ref, p1_ref, skip_ref, w_ref, b_ref, o_ref):
    agg = jnp.dot(p0_ref[...] + p1_ref[...], w_ref[...],
                  preferred_element_type=jnp.float32) + b_ref[...]
    o_ref[...] = jnp.maximum(agg, 0.0) + skip_ref[...]


def _tc_combine_matmul(p0, p1, skip, w, b):
    return pl.pallas_call(
        _combine_mm_body,
        grid=(N // BLK,),
        in_specs=[
            pl.BlockSpec((BLK, D), lambda i: (i, 0)),
            pl.BlockSpec((BLK, D), lambda i: (i, 0)),
            pl.BlockSpec((BLK, D), lambda i: (i, 0)),
            pl.BlockSpec((D, D), lambda i: (0, 0)),
            pl.BlockSpec((1, D), lambda i: (0, 0)),
        ],
        out_specs=pl.BlockSpec((BLK, D), lambda i: (i, 0)),
        out_shape=jax.ShapeDtypeStruct((N, D), jnp.float32),
    )(p0, p1, skip, w, b.reshape(1, D))


def kernel(x, edge_index, W1, b1, W2, b2):
    src = edge_index[0]
    dst = edge_index[1]
    p0, p1 = _sc_segsum(x, src, dst)
    s = _tc_combine_matmul(p0, p1, x, W1, b1)
    q0, q1 = _sc_segsum(s, src, dst)
    return _tc_combine_matmul(q0, q1, s, W2, b2)

# --- scband reference (transcript-rebuilt; emitter-appended) ---
"""Pipeline reference for scband-gnnmodel-90134183674653 (READ-ONLY COPY).

The authoritative reference and input builder live on the scoring server;
editing this copy changes nothing except your own understanding.
"""

import jax, jax.numpy as jnp
import numpy as np

N = 10000
E = 320000
D = 128


def setup_inputs(seed: int = 0) -> dict:
    key = jax.random.key(seed)
    k1, k2, k3, k4, k5, k6 = jax.random.split(key, 6)
    x = jax.random.normal(k1, (N, D), dtype=jnp.float32)
    edge_index = jax.random.randint(k2, (2, E), 0, N, dtype=jnp.int32)
    W1 = jax.random.normal(k3, (D, D), dtype=jnp.float32) * (1.0 / np.sqrt(D))
    b1 = jnp.zeros((D,), dtype=jnp.float32)
    W2 = jax.random.normal(k4, (D, D), dtype=jnp.float32) * (1.0 / np.sqrt(D))
    b2 = jnp.zeros((D,), dtype=jnp.float32)
    return {"x": x, "edge_index": edge_index, "W1": W1, "b1": b1, "W2": W2, "b2": b2}


def reference(x, edge_index, W1, b1, W2, b2):
    # 2-layer GNN supernet instantiation: agg='sum' (Sum_AGG: propagate of x_j
    # with scatter-add by dst), combine via linear transform, act='relu',
    # layer_connect='skip_sum'. Pool is identity (node-level output).
    n = x.shape[0]
    src = edge_index[0]
    dst = edge_index[1]

    # layer 1
    h = x @ W1 + b1
    msg = jnp.take(h, src, axis=0)              # gather x_j (source node features)
    agg = jax.ops.segment_sum(msg, dst, num_segments=n)  # aggr='add'
    h = jax.nn.relu(agg) + x                    # act + skip_sum

    # layer 2
    h2 = h @ W2 + b2
    msg2 = jnp.take(h2, src, axis=0)
    agg2 = jax.ops.segment_sum(msg2, dst, num_segments=n)
    out = jax.nn.relu(agg2) + h                 # act + skip_sum
    return out

if __name__ == "__main__":
    import jax
    _d = setup_inputs()
    print(jax.jit(kernel)(*tuple(_d.values())))

</pallas_src>

<mosaic_0001>
#map = affine_map<(d0, d1) -> (0, 0)>
#map1 = affine_map<(d0, d1) -> (0)>
module attributes {stable_mosaic.version = 14 : i64} {
  func.func @_sc_segsum_body(%arg0: i32, %arg1: i32, %arg2: memref<10000x128xf32, #tpu.memory_space<hbm>>, %arg3: memref<320000xi32, #tpu.memory_space<hbm>>, %arg4: memref<320000xi32, #tpu.memory_space<hbm>>, %arg5: memref<10000x128xf32, #tpu.memory_space<hbm>>, %arg6: memref<10000x128xf32, #tpu.memory_space<hbm>>, %arg7: memref<10000x128xf32, #tpu.memory_space<vmem_shared>>, %arg8: memref<128xi32, #tpu.memory_space<vmem>>, %arg9: memref<128xi32, #tpu.memory_space<vmem>>, %arg10: memref<128xi32, #tpu.memory_space<vmem>>, %arg11: memref<128xi32, #tpu.memory_space<vmem>>, %arg12: memref<128xi32, #tpu.memory_space<vmem>>, %arg13: memref<128xi32, #tpu.memory_space<vmem>>, %arg14: memref<128x128xf32, #tpu.memory_space<vmem>>, %arg15: memref<128x128xf32, #tpu.memory_space<vmem>>, %arg16: memref<128x128xf32, #tpu.memory_space<vmem>>, %arg17: memref<!tpu.dma_semaphore, #tpu.memory_space<semaphore_mem>>, %arg18: memref<!tpu.dma_semaphore, #tpu.memory_space<semaphore_mem>>, %arg19: memref<!tpu.dma_semaphore, #tpu.memory_space<semaphore_mem>>, %arg20: memref<!tpu.dma_semaphore, #tpu.memory_space<semaphore_mem>>, %arg21: memref<!tpu.dma_semaphore, #tpu.memory_space<semaphore_mem>>, %arg22: memref<!tpu.dma_semaphore, #tpu.memory_space<semaphore_mem>>, %arg23: memref<!tpu.dma_semaphore, #tpu.memory_space<semaphore_mem>>, %arg24: memref<!tpu.dma_semaphore, #tpu.memory_space<semaphore_mem>>, %arg25: memref<!tpu.dma_semaphore, #tpu.memory_space<semaphore_mem>>, %arg26: memref<!tpu.dma_semaphore, #tpu.memory_space<semaphore_mem>>, %arg27: memref<!tpu.dma_semaphore, #tpu.memory_space<semaphore_mem>>, %arg28: memref<!tpu.dma_semaphore, #tpu.memory_space<semaphore_mem>>, %arg29: memref<!tpu.dma_semaphore, #tpu.memory_space<semaphore_mem>>) attributes {dimension_semantics = [#tpu.dimension_semantics<core_parallel>, #tpu.dimension_semantics<subcore_parallel>], iteration_bounds = array<i64: 2, 16>, scalar_prefetch = 0 : i64, scratch_operands = 23 : i64, tpu.core_type = #tpu.core_type<sc_vector_subcore>, window_params = [{transform_indices = #map}, {transform_indices = #map1}, {transform_indices = #map1}, {transform_indices = #map}, {transform_indices = #map}]} {
    %mul3A = arith.constant 2 : i32
    %mul3A_0 = arith.muli %arg1, %mul3A : i32
    %add3A = arith.addi %mul3A_0, %arg0 : i32
    %mul3A_1 = arith.constant 10240 : i32
    %mul3A_2 = arith.muli %add3A, %mul3A_1 : i32
    %sub3A = arith.constant 320000 : i32
    %sub3A_3 = arith.subi %sub3A, %mul3A_2 : i32
    %jit3A = arith.constant 128 : i32
    %div3A = arith.divsi %sub3A_3, %jit3A : i32
    %sign3A = arith.constant 0 : i32
    %sign3A_4 = arith.cmpi sgt, %sub3A_3, %sign3A : i32
    %sign3A_5 = arith.extui %sign3A_4 : i1 to i32
    %sign3A_6 = arith.constant 0 : i32
    %sign3A_7 = arith.cmpi slt, %sub3A_3, %sign3A_6 : i32
    %sign3A_8 = arith.extui %sign3A_7 : i1 to i32
    %sign3A_9 = arith.subi %sign3A_5, %sign3A_8 : i32
    %sign3A_10 = arith.constant 0 : i32
    %sign3A_11 = arith.cmpi sgt, %jit3A, %sign3A_10 : i32
    %sign3A_12 = arith.extui %sign3A_11 : i1 to i32
    %sign3A_13 = arith.constant 0 : i32
    %sign3A_14 = arith.cmpi slt, %jit3A, %sign3A_13 : i32
    %sign3A_15 = arith.extui %sign3A_14 : i1 to i32
    %sign3A_16 = arith.subi %sign3A_12, %sign3A_15 : i32
    %ne3A = arith.cmpi ne, %sign3A_9, %sign3A_16 : i32
    %rem3A = arith.remsi %sub3A_3, %jit3A : i32
    %ne3A_17 = arith.constant 0 : i32
    %ne3A_18 = arith.cmpi ne, %rem3A, %ne3A_17 : i32
    %and3A = arith.andi %ne3A, %ne3A_18 : i1
    %sub3A_19 = arith.constant 1 : i32
    %sub3A_20 = arith.subi %div3A, %sub3A_19 : i32
    %select_n3A = arith.select %and3A, %sub3A_20, %div3A : i32
    %min3A = arith.constant 80 : i32
    %min3A_21 = arith.minsi %min3A, %select_n3A : i32
    %mul3A_22 = arith.constant 632 : i32
    %mul3A_23 = arith.muli %arg1, %mul3A_22 : i32
    %add3A_24 = arith.constant 0 : i32
    %add3A_25 = arith.addi %mul3A_2, %add3A_24 : i32
    %dma_start3A = tpu.memref_slice %arg3[%add3A_25] : memref<320000xi32, #tpu.memory_space<hbm>> -> memref<128xi32, #tpu.memory_space<hbm>>
    %dma_start3A_26 = tpu.memref_slice %arg3[%add3A_25] : memref<320000xi32, #tpu.memory_space<hbm>> -> memref<128xi32, #tpu.memory_space<hbm>>
    tpu.enqueue_dma source(%dma_start3A_26 : memref<128xi32, #tpu.memory_space<hbm>>) target(%arg8 : memref<128xi32, #tpu.memory_space<vmem>>) target_semaphore(%arg17 : memref<!tpu.dma_semaphore, #tpu.memory_space<semaphore_mem>>)
    %add3A_27 = arith.constant 128 : i32
    %add3A_28 = arith.addi %mul3A_2, %add3A_27 : i32
    %dma_start3A_29 = tpu.memref_slice %arg3[%add3A_28] : memref<320000xi32, #tpu.memory_space<hbm>> -> memref<128xi32, #tpu.memory_space<hbm>>
    %dma_start3A_30 = tpu.memref_slice %arg3[%add3A_28] : memref<320000xi32, #tpu.memory_space<hbm>> -> memref<128xi32, #tpu.memory_space<hbm>>
    tpu.enqueue_dma source(%dma_start3A_30 : memref<128xi32, #tpu.memory_space<hbm>>) target(%arg9 : memref<128xi32, #tpu.memory_space<vmem>>) target_semaphore(%arg18 : memref<!tpu.dma_semaphore, #tpu.memory_space<semaphore_mem>>)
    %add3A_31 = arith.constant 256 : i32
    %add3A_32 = arith.addi %mul3A_2, %add3A_31 : i32
    %dma_start3A_33 = tpu.memref_slice %arg3[%add3A_32] : memref<320000xi32, #tpu.memory_space<hbm>> -> memref<128xi32, #tpu.memory_space<hbm>>
    %dma_start3A_34 = tpu.memref_slice %arg3[%add3A_32] : memref<320000xi32, #tpu.memory_space<hbm>> -> memref<128xi32, #tpu.memory_space<hbm>>
    tpu.enqueue_dma source(%dma_start3A_34 : memref<128xi32, #tpu.memory_space<hbm>>) target(%arg10 : memref<128xi32, #tpu.memory_space<vmem>>) target_semaphore(%arg19 : memref<!tpu.dma_semaphore, #tpu.memory_space<semaphore_mem>>)
    %add3A_35 = arith.constant 0 : i32
    %add3A_36 = arith.addi %mul3A_2, %add3A_35 : i32
    %dma_start3A_37 = tpu.memref_slice %arg4[%add3A_36] : memref<320000xi32, #tpu.memory_space<hbm>> -> memref<128xi32, #tpu.memory_space<hbm>>
    %dma_start3A_38 = tpu.memref_slice %arg4[%add3A_36] : memref<320000xi32, #tpu.memory_space<hbm>> -> memref<128xi32, #tpu.memory_space<hbm>>
    tpu.enqueue_dma source(%dma_start3A_38 : memref<128xi32, #tpu.memory_space<hbm>>) target(%arg11 : memref<128xi32, #tpu.memory_space<vmem>>) target_semaphore(%arg20 : memref<!tpu.dma_semaphore, #tpu.memory_space<semaphore_mem>>)
    %add3A_39 = arith.constant 128 : i32
    %add3A_40 = arith.addi %mul3A_2, %add3A_39 : i32
    %dma_start3A_41 = tpu.memref_slice %arg4[%add3A_40] : memref<320000xi32, #tpu.memory_space<hbm>> -> memref<128xi32, #tpu.memory_space<hbm>>
    %dma_start3A_42 = tpu.memref_slice %arg4[%add3A_40] : memref<320000xi32, #tpu.memory_space<hbm>> -> memref<128xi32, #tpu.memory_space<hbm>>
    tpu.enqueue_dma source(%dma_start3A_42 : memref<128xi32, #tpu.memory_space<hbm>>) target(%arg12 : memref<128xi32, #tpu.memory_space<vmem>>) target_semaphore(%arg21 : memref<!tpu.dma_semaphore, #tpu.memory_space<semaphore_mem>>)
    %broadcast_in_dim3A = arith.constant 0.000000e+00 : f32
    %broadcast_in_dim3A_43 = vector.broadcast %broadcast_in_dim3A : f32 to vector<16xf32>
    %scan3A = arith.constant 0 : i32
    %scan3A_44 = arith.constant 0 : i32
    %scan3A_45 = arith.constant 128 : i32
    %scan3A_46 = arith.addi %scan3A_44, %scan3A_45 : i32
    %scan3A_47 = arith.constant 1 : i32
    scf.for %scan3A_211 = %scan3A_44 to %scan3A_46 step %scan3A_47  : i32 {
      %swap3A = arith.index_cast %scan3A_211 : i32 to index
      %swap3A_212 = arith.constant 0 : index
      %swap3A_213 = tpu.vector_load %arg16[%swap3A, %swap3A_212] {strides = array<i32>} : memref<128x128xf32, #tpu.memory_space<vmem>>, vector<1x16xf32>,
      %swap3A_214 = vector.shape_cast %swap3A_213 : vector<1x16xf32> to vector<16xf32>
      %swap3A_215 = vector.shape_cast %broadcast_in_dim3A_43 : vector<16xf32> to vector<1x16xf32>
      tpu.vector_store %arg16[%swap3A, %swap3A_212], %swap3A_215 {strides = array<i32>} : memref<128x128xf32, #tpu.memory_space<vmem>>, vector<1x16xf32>,
      %swap3A_216 = arith.index_cast %scan3A_211 : i32 to index
      %swap3A_217 = arith.constant 16 : index
      %swap3A_218 = tpu.vector_load %arg16[%swap3A_216, %swap3A_217] {strides = array<i32>} : memref<128x128xf32, #tpu.memory_space<vmem>>, vector<1x16xf32>,
      %swap3A_219 = vector.shape_cast %swap3A_218 : vector<1x16xf32> to vector<16xf32>
      %swap3A_220 = vector.shape_cast %broadcast_in_dim3A_43 : vector<16xf32> to vector<1x16xf32>
      tpu.vector_store %arg16[%swap3A_216, %swap3A_217], %swap3A_220 {strides = array<i32>} : memref<128x128xf32, #tpu.memory_space<vmem>>, vector<1x16xf32>,
      %swap3A_221 = arith.index_cast %scan3A_211 : i32 to index
      %swap3A_222 = arith.constant 32 : index
      %swap3A_223 = tpu.vector_load %arg16[%swap3A_221, %swap3A_222] {strides = array<i32>} : memref<128x128xf32, #tpu.memory_space<vmem>>, vector<1x16xf32>,
      %swap3A_224 = vector.shape_cast %swap3A_223 : vector<1x16xf32> to vector<16xf32>
      %swap3A_225 = vector.shape_cast %broadcast_in_dim3A_43 : vector<16xf32> to vector<1x16xf32>
      tpu.vector_store %arg16[%swap3A_221, %swap3A_222], %swap3A_225 {strides = array<i32>} : memref<128x128xf32, #tpu.memory_space<vmem>>, vector<1x16xf32>,
      %swap3A_226 = arith.index_cast %scan3A_211 : i32 to index
      %swap3A_227 = arith.constant 48 : index
      %swap3A_228 = tpu.vector_load %arg16[%swap3A_226, %swap3A_227] {strides = array<i32>} : memref<128x128xf32, #tpu.memory_space<vmem>>, vector<1x16xf32>,
      %swap3A_229 = vector.shape_cast %swap3A_228 : vector<1x16xf32> to vector<16xf32>
      %swap3A_230 = vector.shape_cast %broadcast_in_dim3A_43 : vector<16xf32> to vector<1x16xf32>
      tpu.vector_store %arg16[%swap3A_226, %swap3A_227], %swap3A_230 {strides = array<i32>} : memref<128x128xf32, #tpu.memory_space<vmem>>, vector<1x16xf32>,
      %swap3A_231 = arith.index_cast %scan3A_211 : i32 to index
      %swap3A_232 = arith.constant 64 : index
      %swap3A_233 = tpu.vector_load %arg16[%swap3A_231, %swap3A_232] {strides = array<i32>} : memref<128x128xf32, #tpu.memory_space<vmem>>, vector<1x16xf32>,
      %swap3A_234 = vector.shape_cast %swap3A_233 : vector<1x16xf32> to vector<16xf32>
      %swap3A_235 = vector.shape_cast %broadcast_in_dim3A_43 : vector<16xf32> to vector<1x16xf32>
      tpu.vector_store %arg16[%swap3A_231, %swap3A_232], %swap3A_235 {strides = array<i32>} : memref<128x128xf32, #tpu.memory_space<vmem>>, vector<1x16xf32>,
      %swap3A_236 = arith.index_cast %scan3A_211 : i32 to index
      %swap3A_237 = arith.constant 80 : index
      %swap3A_238 = tpu.vector_load %arg16[%swap3A_236, %swap3A_237] {strides = array<i32>} : memref<128x128xf32, #tpu.memory_space<vmem>>, vector<1x16xf32>,
      %swap3A_239 = vector.shape_cast %swap3A_238 : vector<1x16xf32> to vector<16xf32>
      %swap3A_240 = vector.shape_cast %broadcast_in_dim3A_43 : vector<16xf32> to vector<1x16xf32>
      tpu.vector_store %arg16[%swap3A_236, %swap3A_237], %swap3A_240 {strides = array<i32>} : memref<128x128xf32, #tpu.memory_space<vmem>>, vector<1x16xf32>,
      %swap3A_241 = arith.index_cast %scan3A_211 : i32 to index
      %swap3A_242 = arith.constant 96 : index
      %swap3A_243 = tpu.vector_load %arg16[%swap3A_241, %swap3A_242] {strides = array<i32>} : memref<128x128xf32, #tpu.memory_space<vmem>>, vector<1x16xf32>,
      %swap3A_244 = vector.shape_cast %swap3A_243 : vector<1x16xf32> to vector<16xf32>
      %swap3A_245 = vector.shape_cast %broadcast_in_dim3A_43 : vector<16xf32> to vector<1x16xf32>
      tpu.vector_store %arg16[%swap3A_241, %swap3A_242], %swap3A_245 {strides = array<i32>} : memref<128x128xf32, #tpu.memory_space<vmem>>, vector<1x16xf32>,
      %swap3A_246 = arith.index_cast %scan3A_211 : i32 to index
      %swap3A_247 = arith.constant 112 : index
      %swap3A_248 = tpu.vector_load %arg16[%swap3A_246, %swap3A_247] {strides = array<i32>} : memref<128x128xf32, #tpu.memory_space<vmem>>, vector<1x16xf32>,
      %swap3A_249 = vector.shape_cast %swap3A_248 : vector<1x16xf32> to vector<16xf32>
      %swap3A_250 = vector.shape_cast %broadcast_in_dim3A_43 : vector<16xf32> to vector<1x16xf32>
      tpu.vector_store %arg16[%swap3A_246, %swap3A_247], %swap3A_250 {strides = array<i32>} : memref<128x128xf32, #tpu.memory_space<vmem>>, vector<1x16xf32>,
    }
    %scan3A_48 = arith.constant 128 : i32
    %add3A_49 = arith.constant 0 : i32
    %add3A_50 = arith.addi %mul3A_23, %add3A_49 : i32
    %dma_start3A_51 = arith.constant 0 : i32
    %dma_start3A_52 = tpu.memref_slice %arg7[%add3A_50, %dma_start3A_51] : memref<10000x128xf32, #tpu.memory_space<vmem_shared>> -> memref<128x128xf32, #tpu.memory_space<vmem_shared>>
    %dma_start3A_53 = arith.constant 0 : i32
    %dma_start3A_54 = tpu.memref_slice %arg7[%add3A_50, %dma_start3A_53] : memref<10000x128xf32, #tpu.memory_space<vmem_shared>> -> memref<128x128xf32, #tpu.memory_space<vmem_shared>>
    tpu.enqueue_dma source(%arg16 : memref<128x128xf32, #tpu.memory_space<vmem>>) target(%dma_start3A_54 : memref<128x128xf32, #tpu.memory_space<vmem_shared>>) target_semaphore(%arg29 : memref<!tpu.dma_semaphore, #tpu.memory_space<semaphore_mem>>)
    %add3A_55 = arith.constant 128 : i32
    %add3A_56 = arith.addi %mul3A_23, %add3A_55 : i32
    %dma_start3A_57 = arith.constant 0 : i32
    %dma_start3A_58 = tpu.memref_slice %arg7[%add3A_56, %dma_start3A_57] : memref<10000x128xf32, #tpu.memory_space<vmem_shared>> -> memref<128x128xf32, #tpu.memory_space<vmem_shared>>
    %dma_start3A_59 = arith.constant 0 : i32
    %dma_start3A_60 = tpu.memref_slice %arg7[%add3A_56, %dma_start3A_59] : memref<10000x128xf32, #tpu.memory_space<vmem_shared>> -> memref<128x128xf32, #tpu.memory_space<vmem_shared>>
    tpu.enqueue_dma source(%arg16 : memref<128x128xf32, #tpu.memory_space<vmem>>) target(%dma_start3A_60 : memref<128x128xf32, #tpu.memory_space<vmem_shared>>) target_semaphore(%arg29 : memref<!tpu.dma_semaphore, #tpu.memory_space<semaphore_mem>>)
    %add3A_61 = arith.constant 256 : i32
    %add3A_62 = arith.addi %mul3A_23, %add3A_61 : i32
    %dma_start3A_63 = arith.constant 0 : i32
    %dma_start3A_64 = tpu.memref_slice %arg7[%add3A_62, %dma_start3A_63] : memref<10000x128xf32, #tpu.memory_space<vmem_shared>> -> memref<128x128xf32, #tpu.memory_space<vmem_shared>>
    %dma_start3A_65 = arith.constant 0 : i32
    %dma_start3A_66 = tpu.memref_slice %arg7[%add3A_62, %dma_start3A_65] : memref<10000x128xf32, #tpu.memory_space<vmem_shared>> -> memref<128x128xf32, #tpu.memory_space<vmem_shared>>
    tpu.enqueue_dma source(%arg16 : memref<128x128xf32, #tpu.memory_space<vmem>>) target(%dma_start3A_66 : memref<128x128xf32, #tpu.memory_space<vmem_shared>>) target_semaphore(%arg29 : memref<!tpu.dma_semaphore, #tpu.memory_space<semaphore_mem>>)
    %add3A_67 = arith.constant 384 : i32
    %add3A_68 = arith.addi %mul3A_23, %add3A_67 : i32
    %dma_start3A_69 = arith.constant 0 : i32
    %dma_start3A_70 = tpu.memref_slice %arg7[%add3A_68, %dma_start3A_69] : memref<10000x128xf32, #tpu.memory_space<vmem_shared>> -> memref<128x128xf32, #tpu.memory_space<vmem_shared>>
    %dma_start3A_71 = arith.constant 0 : i32
    %dma_start3A_72 = tpu.memref_slice %arg7[%add3A_68, %dma_start3A_71] : memref<10000x128xf32, #tpu.memory_space<vmem_shared>> -> memref<128x128xf32, #tpu.memory_space<vmem_shared>>
    tpu.enqueue_dma source(%arg16 : memref<128x128xf32, #tpu.memory_space<vmem>>) target(%dma_start3A_72 : memref<128x128xf32, #tpu.memory_space<vmem_shared>>) target_semaphore(%arg29 : memref<!tpu.dma_semaphore, #tpu.memory_space<semaphore_mem>>)
    %lt3A = arith.constant 15 : i32
    %lt3A_73 = arith.cmpi slt, %arg1, %lt3A : i32
    %convert_element_type3A = arith.extui %lt3A_73 : i1 to i32
    %cond3A = arith.constant 0 : i32
    %cond3A_74 = arith.cmpi ne, %convert_element_type3A, %cond3A : i32
    scf.if %cond3A_74 {
      %add3A_211 = arith.constant 512 : i32
      %add3A_212 = arith.addi %mul3A_23, %add3A_211 : i32
      %dma_start3A_213 = arith.constant 0 : i32
      %dma_start3A_214 = arith.constant 0 : i32
      %dma_start3A_215 = tpu.memref_slice %arg16[%dma_start3A_213, %dma_start3A_214] : memref<128x128xf32, #tpu.memory_space<vmem>> -> memref<120x128xf32, #tpu.memory_space<vmem>>
      %dma_start3A_216 = arith.constant 0 : i32
      %dma_start3A_217 = tpu.memref_slice %arg7[%add3A_212, %dma_start3A_216] : memref<10000x128xf32, #tpu.memory_space<vmem_shared>> -> memref<120x128xf32, #tpu.memory_space<vmem_shared>>
      %dma_start3A_218 = arith.constant 0 : i32
      %dma_start3A_219 = tpu.memref_slice %arg7[%add3A_212, %dma_start3A_218] : memref<10000x128xf32, #tpu.memory_space<vmem_shared>> -> memref<120x128xf32, #tpu.memory_space<vmem_shared>>
      %dma_start3A_220 = arith.constant 0 : i32
      %dma_start3A_221 = arith.constant 0 : i32
      %dma_start3A_222 = tpu.memref_slice %arg16[%dma_start3A_220, %dma_start3A_221] : memref<128x128xf32, #tpu.memory_space<vmem>> -> memref<120x128xf32, #tpu.memory_space<vmem>>
      tpu.enqueue_dma source(%dma_start3A_222 : memref<120x128xf32, #tpu.memory_space<vmem>>) target(%dma_start3A_219 : memref<120x128xf32, #tpu.memory_space<vmem_shared>>) target_semaphore(%arg29 : memref<!tpu.dma_semaphore, #tpu.memory_space<semaphore_mem>>)
    } else {
    }
    %eq3A = arith.constant 15 : i32
    %eq3A_75 = arith.cmpi eq, %arg1, %eq3A : i32
    %convert_element_type3A_76 = arith.extui %eq3A_75 : i1 to i32
    %cond3A_77 = arith.constant 0 : i32
    %cond3A_78 = arith.cmpi ne, %convert_element_type3A_76, %cond3A_77 : i32
    scf.if %cond3A_78 {
      %add3A_211 = arith.constant 512 : i32
      %add3A_212 = arith.addi %mul3A_23, %add3A_211 : i32
      %dma_start3A_213 = arith.constant 0 : i32
      %dma_start3A_214 = arith.constant 0 : i32
      %dma_start3A_215 = tpu.memref_slice %arg16[%dma_start3A_213, %dma_start3A_214] : memref<128x128xf32, #tpu.memory_space<vmem>> -> memref<8x128xf32, #tpu.memory_space<vmem>>
      %dma_start3A_216 = arith.constant 0 : i32
      %dma_start3A_217 = tpu.memref_slice %arg7[%add3A_212, %dma_start3A_216] : memref<10000x128xf32, #tpu.memory_space<vmem_shared>> -> memref<8x128xf32, #tpu.memory_space<vmem_shared>>
      %dma_start3A_218 = arith.constant 0 : i32
      %dma_start3A_219 = tpu.memref_slice %arg7[%add3A_212, %dma_start3A_218] : memref<10000x128xf32, #tpu.memory_space<vmem_shared>> -> memref<8x128xf32, #tpu.memory_space<vmem_shared>>
      %dma_start3A_220 = arith.constant 0 : i32
      %dma_start3A_221 = arith.constant 0 : i32
      %dma_start3A_222 = tpu.memref_slice %arg16[%dma_start3A_220, %dma_start3A_221] : memref<128x128xf32, #tpu.memory_space<vmem>> -> memref<8x128xf32, #tpu.memory_space<vmem>>
      tpu.enqueue_dma source(%dma_start3A_222 : memref<8x128xf32, #tpu.memory_space<vmem>>) target(%dma_start3A_219 : memref<8x128xf32, #tpu.memory_space<vmem_shared>>) target_semaphore(%arg29 : memref<!tpu.dma_semaphore, #tpu.memory_space<semaphore_mem>>)
    } else {
    }
    %add3A_79 = arith.constant 0 : i32
    %add3A_80 = arith.addi %mul3A_2, %add3A_79 : i32
    %dma_wait3A = tpu.memref_slice %arg3[%add3A_80] : memref<320000xi32, #tpu.memory_space<hbm>> -> memref<128xi32, #tpu.memory_space<hbm>>
    %dma_wait3A_81 = tpu.memref_slice %arg3[%add3A_80] : memref<320000xi32, #tpu.memory_space<hbm>> -> memref<128xi32, #tpu.memory_space<hbm>>
    tpu.wait_dma2 semaphore(%arg17 : memref<!tpu.dma_semaphore, #tpu.memory_space<semaphore_mem>>) src(%dma_wait3A_81 : memref<128xi32, #tpu.memory_space<hbm>>) dst(%arg8 : memref<128xi32, #tpu.memory_space<vmem>>)
    %dma_start3A_82 = arith.constant 0 : i32
    %dma_start3A_83 = arith.constant 0 : i32
    %dma_start3A_84 = tpu.memref_slice %arg2[%dma_start3A_82, %dma_start3A_83] : memref<10000x128xf32, #tpu.memory_space<hbm>> -> memref<10000x128xf32, #tpu.memory_space<hbm>>
    tpu.enqueue_indirect_dma source(%dma_start3A_84 : memref<10000x128xf32, #tpu.memory_space<hbm>>) target(%arg14 : memref<128x128xf32, #tpu.memory_space<vmem>>) offsets(%arg8 : memref<128xi32, #tpu.memory_space<vmem>>) semaphore(%arg23 : memref<!tpu.dma_semaphore, #tpu.memory_space<semaphore_mem>>)
    %add3A_85 = arith.constant 128 : i32
    %add3A_86 = arith.addi %mul3A_2, %add3A_85 : i32
    %dma_wait3A_87 = tpu.memref_slice %arg3[%add3A_86] : memref<320000xi32, #tpu.memory_space<hbm>> -> memref<128xi32, #tpu.memory_space<hbm>>
    %dma_wait3A_88 = tpu.memref_slice %arg3[%add3A_86] : memref<320000xi32, #tpu.memory_space<hbm>> -> memref<128xi32, #tpu.memory_space<hbm>>
    tpu.wait_dma2 semaphore(%arg18 : memref<!tpu.dma_semaphore, #tpu.memory_space<semaphore_mem>>) src(%dma_wait3A_88 : memref<128xi32, #tpu.memory_space<hbm>>) dst(%arg9 : memref<128xi32, #tpu.memory_space<vmem>>)
    %dma_start3A_89 = arith.constant 0 : i32
    %dma_start3A_90 = arith.constant 0 : i32
    %dma_start3A_91 = tpu.memref_slice %arg2[%dma_start3A_89, %dma_start3A_90] : memref<10000x128xf32, #tpu.memory_space<hbm>> -> memref<10000x128xf32, #tpu.memory_space<hbm>>
    tpu.enqueue_indirect_dma source(%dma_start3A_91 : memref<10000x128xf32, #tpu.memory_space<hbm>>) target(%arg15 : memref<128x128xf32, #tpu.memory_space<vmem>>) offsets(%arg9 : memref<128xi32, #tpu.memory_space<vmem>>) semaphore(%arg24 : memref<!tpu.dma_semaphore, #tpu.memory_space<semaphore_mem>>)
    %add3A_92 = arith.constant 0 : i32
    %add3A_93 = arith.addi %mul3A_23, %add3A_92 : i32
    %dma_wait3A_94 = arith.constant 0 : i32
    %dma_wait3A_95 = tpu.memref_slice %arg7[%add3A_93, %dma_wait3A_94] : memref<10000x128xf32, #tpu.memory_space<vmem_shared>> -> memref<128x128xf32, #tpu.memory_space<vmem_shared>>
    %dma_wait3A_96 = arith.constant 0 : i32
    %dma_wait3A_97 = tpu.memref_slice %arg7[%add3A_93, %dma_wait3A_96] : memref<10000x128xf32, #tpu.memory_space<vmem_shared>> -> memref<128x128xf32, #tpu.memory_space<vmem_shared>>
    tpu.wait_dma2 semaphore(%arg29 : memref<!tpu.dma_semaphore, #tpu.memory_space<semaphore_mem>>) src(%arg16 : memref<128x128xf32, #tpu.memory_space<vmem>>) dst(%dma_wait3A_97 : memref<128x128xf32, #tpu.memory_space<vmem_shared>>)
    %add3A_98 = arith.constant 128 : i32
    %add3A_99 = arith.addi %mul3A_23, %add3A_98 : i32
    %dma_wait3A_100 = arith.constant 0 : i32
    %dma_wait3A_101 = tpu.memref_slice %arg7[%add3A_99, %dma_wait3A_100] : memref<10000x128xf32, #tpu.memory_space<vmem_shared>> -> memref<128x128xf32, #tpu.memory_space<vmem_shared>>
    %dma_wait3A_102 = arith.constant 0 : i32
    %dma_wait3A_103 = tpu.memref_slice %arg7[%add3A_99, %dma_wait3A_102] : memref<10000x128xf32, #tpu.memory_space<vmem_shared>> -> memref<128x128xf32, #tpu.memory_space<vmem_shared>>
    tpu.wait_dma2 semaphore(%arg29 : memref<!tpu.dma_semaphore, #tpu.memory_space<semaphore_mem>>) src(%arg16 : memref<128x128xf32, #tpu.memory_space<vmem>>) dst(%dma_wait3A_103 : memref<128x128xf32, #tpu.memory_space<vmem_shared>>)
    %add3A_104 = arith.constant 256 : i32
    %add3A_105 = arith.addi %mul3A_23, %add3A_104 : i32
    %dma_wait3A_106 = arith.constant 0 : i32
    %dma_wait3A_107 = tpu.memref_slice %arg7[%add3A_105, %dma_wait3A_106] : memref<10000x128xf32, #tpu.memory_space<vmem_shared>> -> memref<128x128xf32, #tpu.memory_space<vmem_shared>>
    %dma_wait3A_108 = arith.constant 0 : i32
    %dma_wait3A_109 = tpu.memref_slice %arg7[%add3A_105, %dma_wait3A_108] : memref<10000x128xf32, #tpu.memory_space<vmem_shared>> -> memref<128x128xf32, #tpu.memory_space<vmem_shared>>
    tpu.wait_dma2 semaphore(%arg29 : memref<!tpu.dma_semaphore, #tpu.memory_space<semaphore_mem>>) src(%arg16 : memref<128x128xf32, #tpu.memory_space<vmem>>) dst(%dma_wait3A_109 : memref<128x128xf32, #tpu.memory_space<vmem_shared>>)
    %add3A_110 = arith.constant 384 : i32
    %add3A_111 = arith.addi %mul3A_23, %add3A_110 : i32
    %dma_wait3A_112 = arith.constant 0 : i32
    %dma_wait3A_113 = tpu.memref_slice %arg7[%add3A_111, %dma_wait3A_112] : memref<10000x128xf32, #tpu.memory_space<vmem_shared>> -> memref<128x128xf32, #tpu.memory_space<vmem_shared>>
    %dma_wait3A_114 = arith.constant 0 : i32
    %dma_wait3A_115 = tpu.memref_slice %arg7[%add3A_111, %dma_wait3A_114] : memref<10000x128xf32, #tpu.memory_space<vmem_shared>> -> memref<128x128xf32, #tpu.memory_space<vmem_shared>>
    tpu.wait_dma2 semaphore(%arg29 : memref<!tpu.dma_semaphore, #tpu.memory_space<semaphore_mem>>) src(%arg16 : memref<128x128xf32, #tpu.memory_space<vmem>>) dst(%dma_wait3A_115 : memref<128x128xf32, #tpu.memory_space<vmem_shared>>)
    %lt3A_116 = arith.constant 15 : i32
    %lt3A_117 = arith.cmpi slt, %arg1, %lt3A_116 : i32
    %convert_element_type3A_118 = arith.extui %lt3A_117 : i1 to i32
    %cond3A_119 = arith.constant 0 : i32
    %cond3A_120 = arith.cmpi ne, %convert_element_type3A_118, %cond3A_119 : i32
    scf.if %cond3A_120 {
      %add3A_211 = arith.constant 512 : i32
      %add3A_212 = arith.addi %mul3A_23, %add3A_211 : i32
      %dma_wait3A_213 = arith.constant 0 : i32
      %dma_wait3A_214 = arith.constant 0 : i32
      %dma_wait3A_215 = tpu.memref_slice %arg16[%dma_wait3A_213, %dma_wait3A_214] : memref<128x128xf32, #tpu.memory_space<vmem>> -> memref<120x128xf32, #tpu.memory_space<vmem>>
      %dma_wait3A_216 = arith.constant 0 : i32
      %dma_wait3A_217 = tpu.memref_slice %arg7[%add3A_212, %dma_wait3A_216] : memref<10000x128xf32, #tpu.memory_space<vmem_shared>> -> memref<120x128xf32, #tpu.memory_space<vmem_shared>>
      %dma_wait3A_218 = arith.constant 0 : i32
      %dma_wait3A_219 = tpu.memref_slice %arg7[%add3A_212, %dma_wait3A_218] : memref<10000x128xf32, #tpu.memory_space<vmem_shared>> -> memref<120x128xf32, #tpu.memory_space<vmem_shared>>
      %dma_wait3A_220 = arith.constant 0 : i32
      %dma_wait3A_221 = arith.constant 0 : i32
      %dma_wait3A_222 = tpu.memref_slice %arg16[%dma_wait3A_220, %dma_wait3A_221] : memref<128x128xf32, #tpu.memory_space<vmem>> -> memref<120x128xf32, #tpu.memory_space<vmem>>
      tpu.wait_dma2 semaphore(%arg29 : memref<!tpu.dma_semaphore, #tpu.memory_space<semaphore_mem>>) src(%dma_wait3A_222 : memref<120x128xf32, #tpu.memory_space<vmem>>) dst(%dma_wait3A_219 : memref<120x128xf32, #tpu.memory_space<vmem_shared>>)
    } else {
    }
    %eq3A_121 = arith.constant 15 : i32
    %eq3A_122 = arith.cmpi eq, %arg1, %eq3A_121 : i32
    %convert_element_type3A_123 = arith.extui %eq3A_122 : i1 to i32
    %cond3A_124 = arith.constant 0 : i32
    %cond3A_125 = arith.cmpi ne, %convert_element_type3A_123, %cond3A_124 : i32
    scf.if %cond3A_125 {
      %add3A_211 = arith.constant 512 : i32
      %add3A_212 = arith.addi %mul3A_23, %add3A_211 : i32
      %dma_wait3A_213 = arith.constant 0 : i32
      %dma_wait3A_214 = arith.constant 0 : i32
      %dma_wait3A_215 = tpu.memref_slice %arg16[%dma_wait3A_213, %dma_wait3A_214] : memref<128x128xf32, #tpu.memory_space<vmem>> -> memref<8x128xf32, #tpu.memory_space<vmem>>
      %dma_wait3A_216 = arith.constant 0 : i32
      %dma_wait3A_217 = tpu.memref_slice %arg7[%add3A_212, %dma_wait3A_216] : memref<10000x128xf32, #tpu.memory_space<vmem_shared>> -> memref<8x128xf32, #tpu.memory_space<vmem_shared>>
      %dma_wait3A_218 = arith.constant 0 : i32
      %dma_wait3A_219 = tpu.memref_slice %arg7[%add3A_212, %dma_wait3A_218] : memref<10000x128xf32, #tpu.memory_space<vmem_shared>> -> memref<8x128xf32, #tpu.memory_space<vmem_shared>>
      %dma_wait3A_220 = arith.constant 0 : i32
      %dma_wait3A_221 = arith.constant 0 : i32
      %dma_wait3A_222 = tpu.memref_slice %arg16[%dma_wait3A_220, %dma_wait3A_221] : memref<128x128xf32, #tpu.memory_space<vmem>> -> memref<8x128xf32, #tpu.memory_space<vmem>>
      tpu.wait_dma2 semaphore(%arg29 : memref<!tpu.dma_semaphore, #tpu.memory_space<semaphore_mem>>) src(%dma_wait3A_222 : memref<8x128xf32, #tpu.memory_space<vmem>>) dst(%dma_wait3A_219 : memref<8x128xf32, #tpu.memory_space<vmem_shared>>)
    } else {
    }
    %barrier3A = arith.constant 0 : index
    tpu.barrier barrier_id(%barrier3A)
    %dma_wait3A_126 = arith.constant 0 : i32
    %dma_wait3A_127 = arith.constant 0 : i32
    %dma_wait3A_128 = tpu.memref_slice %arg2[%dma_wait3A_126, %dma_wait3A_127] : memref<10000x128xf32, #tpu.memory_space<hbm>> -> memref<10000x128xf32, #tpu.memory_space<hbm>>
    tpu.wait_indirect_dma semaphore(%arg23 : memref<!tpu.dma_semaphore, #tpu.memory_space<semaphore_mem>>) src(%dma_wait3A_128 : memref<10000x128xf32, #tpu.memory_space<hbm>>) dst(%arg14 : memref<128x128xf32, #tpu.memory_space<vmem>>)
    %add3A_129 = arith.constant 0 : i32
    %add3A_130 = arith.addi %mul3A_2, %add3A_129 : i32
    %dma_wait3A_131 = tpu.memref_slice %arg4[%add3A_130] : memref<320000xi32, #tpu.memory_space<hbm>> -> memref<128xi32, #tpu.memory_space<hbm>>
    %dma_wait3A_132 = tpu.memref_slice %arg4[%add3A_130] : memref<320000xi32, #tpu.memory_space<hbm>> -> memref<128xi32, #tpu.memory_space<hbm>>
    tpu.wait_dma2 semaphore(%arg20 : memref<!tpu.dma_semaphore, #tpu.memory_space<semaphore_mem>>) src(%dma_wait3A_132 : memref<128xi32, #tpu.memory_space<hbm>>) dst(%arg11 : memref<128xi32, #tpu.memory_space<vmem>>)
    %dma_start3A_133 = arith.constant 0 : i32
    %dma_start3A_134 = arith.constant 0 : i32
    %dma_start3A_135 = tpu.memref_slice %arg7[%dma_start3A_133, %dma_start3A_134] : memref<10000x128xf32, #tpu.memory_space<vmem_shared>> -> memref<10000x128xf32, #tpu.memory_space<vmem_shared>>
    tpu.enqueue_indirect_dma source(%arg14 : memref<128x128xf32, #tpu.memory_space<vmem>>) target(%dma_start3A_135 : memref<10000x128xf32, #tpu.memory_space<vmem_shared>>) offsets(%arg11 : memref<128xi32, #tpu.memory_space<vmem>>) semaphore(%arg26 : memref<!tpu.dma_semaphore, #tpu.memory_space<semaphore_mem>>) {add = true}
    %gt3A = arith.constant 3 : i32
    %gt3A_136 = arith.cmpi sgt, %min3A_21, %gt3A : i32
    %convert_element_type3A_137 = arith.extui %gt3A_136 : i1 to i32
    %cond3A_138 = arith.constant 0 : i32
    %cond3A_139 = arith.cmpi ne, %convert_element_type3A_137, %cond3A_138 : i32
    scf.if %cond3A_139 {
      %add3A_211 = arith.constant 384 : i32
      %add3A_212 = arith.addi %mul3A_2, %add3A_211 : i32
      %dma_start3A_213 = tpu.memref_slice %arg3[%add3A_212] : memref<320000xi32, #tpu.memory_space<hbm>> -> memref<128xi32, #tpu.memory_space<hbm>>
      %dma_start3A_214 = tpu.memref_slice %arg3[%add3A_212] : memref<320000xi32, #tpu.memory_space<hbm>> -> memref<128xi32, #tpu.memory_space<hbm>>
      tpu.enqueue_dma source(%dma_start3A_214 : memref<128xi32, #tpu.memory_space<hbm>>) target(%arg8 : memref<128xi32, #tpu.memory_space<vmem>>) target_semaphore(%arg17 : memref<!tpu.dma_semaphore, #tpu.memory_space<semaphore_mem>>)
    } else {
    }
    %gt3A_140 = arith.constant 2 : i32
    %gt3A_141 = arith.cmpi sgt, %min3A_21, %gt3A_140 : i32
    %convert_element_type3A_142 = arith.extui %gt3A_141 : i1 to i32
    %cond3A_143 = arith.constant 0 : i32
    %cond3A_144 = arith.cmpi ne, %convert_element_type3A_142, %cond3A_143 : i32
    scf.if %cond3A_144 {
      %add3A_211 = arith.constant 256 : i32
      %add3A_212 = arith.addi %mul3A_2, %add3A_211 : i32
      %dma_start3A_213 = tpu.memref_slice %arg4[%add3A_212] : memref<320000xi32, #tpu.memory_space<hbm>> -> memref<128xi32, #tpu.memory_space<hbm>>
      %dma_start3A_214 = tpu.memref_slice %arg4[%add3A_212] : memref<320000xi32, #tpu.memory_space<hbm>> -> memref<128xi32, #tpu.memory_space<hbm>>
      tpu.enqueue_dma source(%dma_start3A_214 : memref<128xi32, #tpu.memory_space<hbm>>) target(%arg13 : memref<128xi32, #tpu.memory_space<vmem>>) target_semaphore(%arg22 : memref<!tpu.dma_semaphore, #tpu.memory_space<semaphore_mem>>)
      %add3A_215 = arith.constant 256 : i32
      %add3A_216 = arith.addi %mul3A_2, %add3A_215 : i32
      %dma_wait3A_217 = tpu.memref_slice %arg3[%add3A_216] : memref<320000xi32, #tpu.memory_space<hbm>> -> memref<128xi32, #tpu.memory_space<hbm>>
      %dma_wait3A_218 = tpu.memref_slice %arg3[%add3A_216] : memref<320000xi32, #tpu.memory_space<hbm>> -> memref<128xi32, #tpu.memory_space<hbm>>
      tpu.wait_dma2 semaphore(%arg19 : memref<!tpu.dma_semaphore, #tpu.memory_space<semaphore_mem>>) src(%dma_wait3A_218 : memref<128xi32, #tpu.memory_space<hbm>>) dst(%arg10 : memref<128xi32, #tpu.memory_space<vmem>>)
      %dma_start3A_219 = arith.constant 0 : i32
      %dma_start3A_220 = arith.constant 0 : i32
      %dma_start3A_221 = tpu.memref_slice %arg2[%dma_start3A_219, %dma_start3A_220] : memref<10000x128xf32, #tpu.memory_space<hbm>> -> memref<10000x128xf32, #tpu.memory_space<hbm>>
      tpu.enqueue_indirect_dma source(%dma_start3A_221 : memref<10000x128xf32, #tpu.memory_space<hbm>>) target(%arg16 : memref<128x128xf32, #tpu.memory_space<vmem>>) offsets(%arg10 : memref<128xi32, #tpu.memory_space<vmem>>) semaphore(%arg25 : memref<!tpu.dma_semaphore, #tpu.memory_space<semaphore_mem>>)
    } else {
    }
    %dma_wait3A_145 = arith.constant 0 : i32
    %dma_wait3A_146 = arith.constant 0 : i32
    %dma_wait3A_147 = tpu.memref_slice %arg2[%dma_wait3A_145, %dma_wait3A_146] : memref<10000x128xf32, #tpu.memory_space<hbm>> -> memref<10000x128xf32, #tpu.memory_space<hbm>>
    tpu.wait_indirect_dma semaphore(%arg24 : memref<!tpu.dma_semaphore, #tpu.memory_space<semaphore_mem>>) src(%dma_wait3A_147 : memref<10000x128xf32, #tpu.memory_space<hbm>>) dst(%arg15 : memref<128x128xf32, #tpu.memory_space<vmem>>)
    %add3A_148 = arith.constant 128 : i32
    %add3A_149 = arith.addi %mul3A_2, %add3A_148 : i32
    %dma_wait3A_150 = tpu.memref_slice %arg4[%add3A_149] : memref<320000xi32, #tpu.memory_space<hbm>> -> memref<128xi32, #tpu.memory_space<hbm>>
    %dma_wait3A_151 = tpu.memref_slice %arg4[%add3A_149] : memref<320000xi32, #tpu.memory_space<hbm>> -> memref<128xi32, #tpu.memory_space<hbm>>
    tpu.wait_dma2 semaphore(%arg21 : memref<!tpu.dma_semaphore, #tpu.memory_space<semaphore_mem>>) src(%dma_wait3A_151 : memref<128xi32, #tpu.memory_space<hbm>>) dst(%arg12 : memref<128xi32, #tpu.memory_space<vmem>>)
    %dma_start3A_152 = arith.constant 0 : i32
    %dma_start3A_153 = arith.constant 0 : i32
    %dma_start3A_154 = tpu.memref_slice %arg7[%dma_start3A_152, %dma_start3A_153] : memref<10000x128xf32, #tpu.memory_space<vmem_shared>> -> memref<10000x128xf32, #tpu.memory_space<vmem_shared>>
    tpu.enqueue_indirect_dma source(%arg15 : memref<128x128xf32, #tpu.memory_space<vmem>>) target(%dma_start3A_154 : memref<10000x128xf32, #tpu.memory_space<vmem_shared>>) offsets(%arg12 : memref<128xi32, #tpu.memory_space<vmem>>) semaphore(%arg27 : memref<!tpu.dma_semaphore, #tpu.memory_space<semaphore_mem>>) {add = true}
    %dma_wait3A_155 = arith.constant 0 : i32
    %dma_wait3A_156 = arith.constant 0 : i32
    %dma_wait3A_157 = tpu.memref_slice %arg7[%dma_wait3A_155, %dma_wait3A_156] : memref<10000x128xf32, #tpu.memory_space<vmem_shared>> -> memref<10000x128xf32, #tpu.memory_space<vmem_shared>>
    tpu.wait_indirect_dma semaphore(%arg26 : memref<!tpu.dma_semaphore, #tpu.memory_space<semaphore_mem>>) src(%arg14 : memref<128x128xf32, #tpu.memory_space<vmem>>) dst(%dma_wait3A_157 : memref<10000x128xf32, #tpu.memory_space<vmem_shared>>)
    %gt3A_158 = arith.constant 4 : i32
    %gt3A_159 = arith.cmpi sgt, %min3A_21, %gt3A_158 : i32
    %convert_element_type3A_160 = arith.extui %gt3A_159 : i1 to i32
    %cond3A_161 = arith.constant 0 : i32
    %cond3A_162 = arith.cmpi ne, %convert_element_type3A_160, %cond3A_161 : i32
    scf.if %cond3A_162 {
      %add3A_211 = arith.constant 512 : i32
      %add3A_212 = arith.addi %mul3A_2, %add3A_211 : i32
      %dma_start3A_213 = tpu.memref_slice %arg3[%add3A_212] : memref<320000xi32, #tpu.memory_space<hbm>> -> memref<128xi32, #tpu.memory_space<hbm>>
      %dma_start3A_214 = tpu.memref_slice %arg3[%add3A_212] : memref<320000xi32, #tpu.memory_space<hbm>> -> memref<128xi32, #tpu.memory_space<hbm>>
      tpu.enqueue_dma source(%dma_start3A_214 : memref<128xi32, #tpu.memory_space<hbm>>) target(%arg9 : memref<128xi32, #tpu.memory_space<vmem>>) target_semaphore(%arg18 : memref<!tpu.dma_semaphore, #tpu.memory_space<semaphore_mem>>)
    } else {
    }
    %gt3A_163 = arith.constant 3 : i32
    %gt3A_164 = arith.cmpi sgt, %min3A_21, %gt3A_163 : i32
    %convert_element_type3A_165 = arith.extui %gt3A_164 : i1 to i32
    %cond3A_166 = arith.constant 0 : i32
    %cond3A_167 = arith.cmpi ne, %convert_element_type3A_165, %cond3A_166 : i32
    scf.if %cond3A_167 {
      %add3A_211 = arith.constant 384 : i32
      %add3A_212 = arith.addi %mul3A_2, %add3A_211 : i32
      %dma_start3A_213 = tpu.memref_slice %arg4[%add3A_212] : memref<320000xi32, #tpu.memory_space<hbm>> -> memref<128xi32, #tpu.memory_space<hbm>>
      %dma_start3A_214 = tpu.memref_slice %arg4[%add3A_212] : memref<320000xi32, #tpu.memory_space<hbm>> -> memref<128xi32, #tpu.memory_space<hbm>>
      tpu.enqueue_dma source(%dma_start3A_214 : memref<128xi32, #tpu.memory_space<hbm>>) target(%arg11 : memref<128xi32, #tpu.memory_space<vmem>>) target_semaphore(%arg20 : memref<!tpu.dma_semaphore, #tpu.memory_space<semaphore_mem>>)
      %add3A_215 = arith.constant 384 : i32
      %add3A_216 = arith.addi %mul3A_2, %add3A_215 : i32
      %dma_wait3A_217 = tpu.memref_slice %arg3[%add3A_216] : memref<320000xi32, #tpu.memory_space<hbm>> -> memref<128xi32, #tpu.memory_space<hbm>>
      %dma_wait3A_218 = tpu.memref_slice %arg3[%add3A_216] : memref<320000xi32, #tpu.memory_space<hbm>> -> memref<128xi32, #tpu.memory_space<hbm>>
      tpu.wait_dma2 semaphore(%arg17 : memref<!tpu.dma_semaphore, #tpu.memory_space<semaphore_mem>>) src(%dma_wait3A_218 : memref<128xi32, #tpu.memory_space<hbm>>) dst(%arg8 : memref<128xi32, #tpu.memory_space<vmem>>)
      %dma_start3A_219 = arith.constant 0 : i32
      %dma_start3A_220 = arith.constant 0 : i32
      %dma_start3A_221 = tpu.memref_slice %arg2[%dma_start3A_219, %dma_start3A_220] : memref<10000x128xf32, #tpu.memory_space<hbm>> -> memref<10000x128xf32, #tpu.memory_space<hbm>>
      tpu.enqueue_indirect_dma source(%dma_start3A_221 : memref<10000x128xf32, #tpu.memory_space<hbm>>) target(%arg14 : memref<128x128xf32, #tpu.memory_space<vmem>>) offsets(%arg8 : memref<128xi32, #tpu.memory_space<vmem>>) semaphore(%arg23 : memref<!tpu.dma_semaphore, #tpu.memory_space<semaphore_mem>>)
    } else {
    }
    %dma_wait3A_168 = arith.constant 0 : i32
    %dma_wait3A_169 = arith.constant 0 : i32
    %dma_wait3A_170 = tpu.memref_slice %arg2[%dma_wait3A_168, %dma_wait3A_169] : memref<10000x128xf32, #tpu.memory_space<hbm>> -> memref<10000x128xf32, #tpu.memory_space<hbm>>
    tpu.wait_indirect_dma semaphore(%arg25 : memref<!tpu.dma_semaphore, #tpu.memory_space<semaphore_mem>>) src(%dma_wait3A_170 : memref<10000x128xf32, #tpu.memory_space<hbm>>) dst(%arg16 : memref<128x128xf32, #tpu.memory_space<vmem>>)
    %add3A_171 = arith.constant 256 : i32
    %add3A_172 = arith.addi %mul3A_2, %add3A_171 : i32
    %dma_wait3A_173 = tpu.memref_slice %arg4[%add3A_172] : memref<320000xi32, #tpu.memory_space<hbm>> -> memref<128xi32, #tpu.memory_space<hbm>>
    %dma_wait3A_174 = tpu.memref_slice %arg4[%add3A_172] : memref<320000xi32, #tpu.memory_space<hbm>> -> memref<128xi32, #tpu.memory_space<hbm>>
    tpu.wait_dma2 semaphore(%arg22 : memref<!tpu.dma_semaphore, #tpu.memory_space<semaphore_mem>>) src(%dma_wait3A_174 : memref<128xi32, #tpu.memory_space<hbm>>) dst(%arg13 : memref<128xi32, #tpu.memory_space<vmem>>)
    %dma_start3A_175 = arith.constant 0 : i32
    %dma_start3A_176 = arith.constant 0 : i32
    %dma_start3A_177 = tpu.memref_slice %arg7[%dma_start3A_175, %dma_start3A_176] : memref<10000x128xf32, #tpu.memory_space<vmem_shared>> -> memref<10000x128xf32, #tpu.memory_space<vmem_shared>>
    tpu.enqueue_indirect_dma source(%arg16 : memref<128x128xf32, #tpu.memory_space<vmem>>) target(%dma_start3A_177 : memref<10000x128xf32, #tpu.memory_space<vmem_shared>>) offsets(%arg13 : memref<128xi32, #tpu.memory_space<vmem>>) semaphore(%arg28 : memref<!tpu.dma_semaphore, #tpu.memory_space<semaphore_mem>>) {add = true}
    %dma_wait3A_178 = arith.constant 0 : i32
    %dma_wait3A_179 = arith.constant 0 : i32
    %dma_wait3A_180 = tpu.memref_slice %arg7[%dma_wait3A_178, %dma_wait3A_179] : memref<10000x128xf32, #tpu.memory_space<vmem_shared>> -> memref<10000x128xf32, #tpu.memory_space<vmem_shared>>
    tpu.wait_indirect_dma semaphore(%arg27 : memref<!tpu.dma_semaphore, #tpu.memory_space<semaphore_mem>>) src(%arg15 : memref<128x128xf32, #tpu.memory_space<vmem>>) dst(%dma_wait3A_180 : memref<10000x128xf32, #tpu.memory_space<vmem_shared>>)
    %gt3A_181 = arith.constant 5 : i32
    %gt3A_182 = arith.cmpi sgt, %min3A_21, %gt3A_181 : i32
    %convert_element_type3A_183 = arith.extui %gt3A_182 : i1 to i32
    %cond3A_184 = arith.constant 0 : i32
    %cond3A_185 = arith.cmpi ne, %convert_element_type3A_183, %cond3A_184 : i32
    scf.if %cond3A_185 {
      %add3A_211 = arith.constant 640 : i32
      %add3A_212 = arith.addi %mul3A_2, %add3A_211 : i32
      %dma_start3A_213 = tpu.memref_slice %arg3[%add3A_212] : memref<320000xi32, #tpu.memory_space<hbm>> -> memref<128xi32, #tpu.memory_space<hbm>>
      %dma_start3A_214 = tpu.memref_slice %arg3[%add3A_212] : memref<320000xi32, #tpu.memory_space<hbm>> -> memref<128xi32, #tpu.memory_space<hbm>>
      tpu.enqueue_dma source(%dma_start3A_214 : memref<128xi32, #tpu.memory_space<hbm>>) target(%arg10 : memref<128xi32, #tpu.memory_space<vmem>>) target_semaphore(%arg19 : memref<!tpu.dma_semaphore, #tpu.memory_space<semaphore_mem>>)
    } else {
    }
    %gt3A_186 = arith.constant 4 : i32
    %gt3A_187 = arith.cmpi sgt, %min3A_21, %gt3A_186 : i32
    %convert_element_type3A_188 = arith.extui %gt3A_187 : i1 to i32
    %cond3A_189 = arith.constant 0 : i32
    %cond3A_190 = arith.cmpi ne, %convert_element_type3A_188, %cond3A_189 : i32
    scf.if %cond3A_190 {
      %add3A_211 = arith.constant 512 : i32
      %add3A_212 = arith.addi %mul3A_2, %add3A_211 : i32
      %dma_start3A_213 = tpu.memref_slice %arg4[%add3A_212] : memref<320000xi32, #tpu.memory_space<hbm>> -> memref<128xi32, #tpu.memory_space<hbm>>
      %dma_start3A_214 = tpu.memref_slice %arg4[%add3A_212] : memref<320000xi32, #tpu.memory_space<hbm>> -> memref<128xi32, #tpu.memory_space<hbm>>
      tpu.enqueue_dma source(%dma_start3A_214 : memref<128xi32, #tpu.memory_space<hbm>>) target(%arg12 : memref<128xi32, #tpu.memory_space<vmem>>) target_semaphore(%arg21 : memref<!tpu.dma_semaphore, #tpu.memory_space<semaphore_mem>>)
      %add3A_215 = arith.constant 512 : i32
      %add3A_216 = arith.addi %mul3A_2, %add3A_215 : i32
      %dma_wait3A_217 = tpu.memref_slice %arg3[%add3A_216] : memref<320000xi32, #tpu.memory_space<hbm>> -> memref<128xi32, #tpu.memory_space<hbm>>
      %dma_wait3A_218 = tpu.memref_slice %arg3[%add3A_216] : memref<320000xi32, #tpu.memory_space<hbm>> -> memref<128xi32, #tpu.memory_space<hbm>>
      tpu.wait_dma2 semaphore(%arg18 : memref<!tpu.dma_semaphore, #tpu.memory_space<semaphore_mem>>) src(%dma_wait3A_218 : memref<128xi32, #tpu.memory_space<hbm>>) dst(%arg9 : memref<128xi32, #tpu.memory_space<vmem>>)
      %dma_start3A_219 = arith.constant 0 : i32
      %dma_start3A_220 = arith.constant 0 : i32
      %dma_start3A_221 = tpu.memref_slice %arg2[%dma_start3A_219, %dma_start3A_220] : memref<10000x128xf32, #tpu.memory_space<hbm>> -> memref<10000x128xf32, #tpu.memory_space<hbm>>
      tpu.enqueue_indirect_dma source(%dma_start3A_221 : memref<10000x128xf32, #tpu.memory_space<hbm>>) target(%arg15 : memref<128x128xf32, #tpu.memory_space<vmem>>) offsets(%arg9 : memref<128xi32, #tpu.memory_space<vmem>>) semaphore(%arg24 : memref<!tpu.dma_semaphore, #tpu.memory_space<semaphore_mem>>)
    } else {
    }
    %scan3A_191 = arith.constant 0 : i32
    %scan3A_192 = arith.constant 1 : i32
    %scan3A_193 = arith.constant 26 : i32
    %scan3A_194 = arith.addi %scan3A_192, %scan3A_193 : i32
    %scan3A_195 = arith.constant 1 : i32
    scf.for %scan3A_211 = %scan3A_192 to %scan3A_194 step %scan3A_195  : i32 {
      %mul3A_212 = arith.constant 3 : i32
      %mul3A_213 = arith.muli %scan3A_211, %mul3A_212 : i32
      %add3A_214 = arith.constant 0 : i32
      %add3A_215 = arith.addi %mul3A_213, %add3A_214 : i32
      %lt3A_216 = arith.cmpi slt, %add3A_215, %min3A_21 : i32
      %convert_element_type3A_217 = arith.extui %lt3A_216 : i1 to i32
      %cond3A_218 = arith.constant 0 : i32
      %cond3A_219 = arith.cmpi ne, %convert_element_type3A_217, %cond3A_218 : i32
      scf.if %cond3A_219 {
        %dma_wait3A_236 = arith.constant 0 : i32
        %dma_wait3A_237 = arith.constant 0 : i32
        %dma_wait3A_238 = tpu.memref_slice %arg2[%dma_wait3A_236, %dma_wait3A_237] : memref<10000x128xf32, #tpu.memory_space<hbm>> -> memref<10000x128xf32, #tpu.memory_space<hbm>>
        tpu.wait_indirect_dma semaphore(%arg23 : memref<!tpu.dma_semaphore, #tpu.memory_space<semaphore_mem>>) src(%dma_wait3A_238 : memref<10000x128xf32, #tpu.memory_space<hbm>>) dst(%arg14 : memref<128x128xf32, #tpu.memory_space<vmem>>)
        %mul3A_239 = arith.constant 128 : i32
        %mul3A_240 = arith.muli %add3A_215, %mul3A_239 : i32
        %add3A_241 = arith.addi %mul3A_2, %mul3A_240 : i32
        %dma_wait3A_242 = tpu.memref_slice %arg4[%add3A_241] : memref<320000xi32, #tpu.memory_space<hbm>> -> memref<128xi32, #tpu.memory_space<hbm>>
        %dma_wait3A_243 = tpu.memref_slice %arg4[%add3A_241] : memref<320000xi32, #tpu.memory_space<hbm>> -> memref<128xi32, #tpu.memory_space<hbm>>
        tpu.wait_dma2 semaphore(%arg20 : memref<!tpu.dma_semaphore, #tpu.memory_space<semaphore_mem>>) src(%dma_wait3A_243 : memref<128xi32, #tpu.memory_space<hbm>>) dst(%arg11 : memref<128xi32, #tpu.memory_space<vmem>>)
        %dma_start3A_244 = arith.constant 0 : i32
        %dma_start3A_245 = arith.constant 0 : i32
        %dma_start3A_246 = tpu.memref_slice %arg7[%dma_start3A_244, %dma_start3A_245] : memref<10000x128xf32, #tpu.memory_space<vmem_shared>> -> memref<10000x128xf32, #tpu.memory_space<vmem_shared>>
        tpu.enqueue_indirect_dma source(%arg14 : memref<128x128xf32, #tpu.memory_space<vmem>>) target(%dma_start3A_246 : memref<10000x128xf32, #tpu.memory_space<vmem_shared>>) offsets(%arg11 : memref<128xi32, #tpu.memory_space<vmem>>) semaphore(%arg26 : memref<!tpu.dma_semaphore, #tpu.memory_space<semaphore_mem>>) {add = true}
        %dma_wait3A_247 = arith.constant 0 : i32
        %dma_wait3A_248 = arith.constant 0 : i32
        %dma_wait3A_249 = tpu.memref_slice %arg7[%dma_wait3A_247, %dma_wait3A_248] : memref<10000x128xf32, #tpu.memory_space<vmem_shared>> -> memref<10000x128xf32, #tpu.memory_space<vmem_shared>>
        tpu.wait_indirect_dma semaphore(%arg28 : memref<!tpu.dma_semaphore, #tpu.memory_space<semaphore_mem>>) src(%arg16 : memref<128x128xf32, #tpu.memory_space<vmem>>) dst(%dma_wait3A_249 : memref<10000x128xf32, #tpu.memory_space<vmem_shared>>)
        %add3A_250 = arith.constant 3 : i32
        %add3A_251 = arith.addi %add3A_215, %add3A_250 : i32
        %lt3A_252 = arith.cmpi slt, %add3A_251, %min3A_21 : i32
        %convert_element_type3A_253 = arith.extui %lt3A_252 : i1 to i32
        %cond3A_254 = arith.constant 0 : i32
        %cond3A_255 = arith.cmpi ne, %convert_element_type3A_253, %cond3A_254 : i32
        scf.if %cond3A_255 {
          %add3A_262 = arith.constant 3 : i32
          %add3A_263 = arith.addi %add3A_215, %add3A_262 : i32
          %mul3A_264 = arith.constant 128 : i32
          %mul3A_265 = arith.muli %add3A_263, %mul3A_264 : i32
          %add3A_266 = arith.addi %mul3A_2, %mul3A_265 : i32
          %dma_start3A_267 = tpu.memref_slice %arg3[%add3A_266] : memref<320000xi32, #tpu.memory_space<hbm>> -> memref<128xi32, #tpu.memory_space<hbm>>
          %dma_start3A_268 = tpu.memref_slice %arg3[%add3A_266] : memref<320000xi32, #tpu.memory_space<hbm>> -> memref<128xi32, #tpu.memory_space<hbm>>
          tpu.enqueue_dma source(%dma_start3A_268 : memref<128xi32, #tpu.memory_space<hbm>>) target(%arg8 : memref<128xi32, #tpu.memory_space<vmem>>) target_semaphore(%arg17 : memref<!tpu.dma_semaphore, #tpu.memory_space<semaphore_mem>>)
        } else {
        }
        %add3A_256 = arith.constant 2 : i32
        %add3A_257 = arith.addi %add3A_215, %add3A_256 : i32
        %lt3A_258 = arith.cmpi slt, %add3A_257, %min3A_21 : i32
        %convert_element_type3A_259 = arith.extui %lt3A_258 : i1 to i32
        %cond3A_260 = arith.constant 0 : i32
        %cond3A_261 = arith.cmpi ne, %convert_element_type3A_259, %cond3A_260 : i32
        scf.if %cond3A_261 {
          %add3A_262 = arith.constant 2 : i32
          %add3A_263 = arith.addi %add3A_215, %add3A_262 : i32
          %mul3A_264 = arith.constant 128 : i32
          %mul3A_265 = arith.muli %add3A_263, %mul3A_264 : i32
          %add3A_266 = arith.addi %mul3A_2, %mul3A_265 : i32
          %dma_start3A_267 = tpu.memref_slice %arg4[%add3A_266] : memref<320000xi32, #tpu.memory_space<hbm>> -> memref<128xi32, #tpu.memory_space<hbm>>
          %dma_start3A_268 = tpu.memref_slice %arg4[%add3A_266] : memref<320000xi32, #tpu.memory_space<hbm>> -> memref<128xi32, #tpu.memory_space<hbm>>
          tpu.enqueue_dma source(%dma_start3A_268 : memref<128xi32, #tpu.memory_space<hbm>>) target(%arg13 : memref<128xi32, #tpu.memory_space<vmem>>) target_semaphore(%arg22 : memref<!tpu.dma_semaphore, #tpu.memory_space<semaphore_mem>>)
          %add3A_269 = arith.constant 2 : i32
          %add3A_270 = arith.addi %add3A_215, %add3A_269 : i32
          %mul3A_271 = arith.constant 128 : i32
          %mul3A_272 = arith.muli %add3A_270, %mul3A_271 : i32
          %add3A_273 = arith.addi %mul3A_2, %mul3A_272 : i32
          %dma_wait3A_274 = tpu.memref_slice %arg3[%add3A_273] : memref<320000xi32, #tpu.memory_space<hbm>> -> memref<128xi32, #tpu.memory_space<hbm>>
          %dma_wait3A_275 = tpu.memref_slice %arg3[%add3A_273] : memref<320000xi32, #tpu.memory_space<hbm>> -> memref<128xi32, #tpu.memory_space<hbm>>
          tpu.wait_dma2 semaphore(%arg19 : memref<!tpu.dma_semaphore, #tpu.memory_space<semaphore_mem>>) src(%dma_wait3A_275 : memref<128xi32, #tpu.memory_space<hbm>>) dst(%arg10 : memref<128xi32, #tpu.memory_space<vmem>>)
          %dma_start3A_276 = arith.constant 0 : i32
          %dma_start3A_277 = arith.constant 0 : i32
          %dma_start3A_278 = tpu.memref_slice %arg2[%dma_start3A_276, %dma_start3A_277] : memref<10000x128xf32, #tpu.memory_space<hbm>> -> memref<10000x128xf32, #tpu.memory_space<hbm>>
          tpu.enqueue_indirect_dma source(%dma_start3A_278 : memref<10000x128xf32, #tpu.memory_space<hbm>>) target(%arg16 : memref<128x128xf32, #tpu.memory_space<vmem>>) offsets(%arg10 : memref<128xi32, #tpu.memory_space<vmem>>) semaphore(%arg25 : memref<!tpu.dma_semaphore, #tpu.memory_space<semaphore_mem>>)
        } else {
        }
      } else {
      }
      %mul3A_220 = arith.constant 3 : i32
      %mul3A_221 = arith.muli %scan3A_211, %mul3A_220 : i32
      %add3A_222 = arith.constant 1 : i32
      %add3A_223 = arith.addi %mul3A_221, %add3A_222 : i32
      %lt3A_224 = arith.cmpi slt, %add3A_223, %min3A_21 : i32
      %convert_element_type3A_225 = arith.extui %lt3A_224 : i1 to i32
      %cond3A_226 = arith.constant 0 : i32
      %cond3A_227 = arith.cmpi ne, %convert_element_type3A_225, %cond3A_226 : i32
      scf.if %cond3A_227 {
        %dma_wait3A_236 = arith.constant 0 : i32
        %dma_wait3A_237 = arith.constant 0 : i32
        %dma_wait3A_238 = tpu.memref_slice %arg2[%dma_wait3A_236, %dma_wait3A_237] : memref<10000x128xf32, #tpu.memory_space<hbm>> -> memref<10000x128xf32, #tpu.memory_space<hbm>>
        tpu.wait_indirect_dma semaphore(%arg24 : memref<!tpu.dma_semaphore, #tpu.memory_space<semaphore_mem>>) src(%dma_wait3A_238 : memref<10000x128xf32, #tpu.memory_space<hbm>>) dst(%arg15 : memref<128x128xf32, #tpu.memory_space<vmem>>)
        %mul3A_239 = arith.constant 128 : i32
        %mul3A_240 = arith.muli %add3A_223, %mul3A_239 : i32
        %add3A_241 = arith.addi %mul3A_2, %mul3A_240 : i32
        %dma_wait3A_242 = tpu.memref_slice %arg4[%add3A_241] : memref<320000xi32, #tpu.memory_space<hbm>> -> memref<128xi32, #tpu.memory_space<hbm>>
        %dma_wait3A_243 = tpu.memref_slice %arg4[%add3A_241] : memref<320000xi32, #tpu.memory_space<hbm>> -> memref<128xi32, #tpu.memory_space<hbm>>
        tpu.wait_dma2 semaphore(%arg21 : memref<!tpu.dma_semaphore, #tpu.memory_space<semaphore_mem>>) src(%dma_wait3A_243 : memref<128xi32, #tpu.memory_space<hbm>>) dst(%arg12 : memref<128xi32, #tpu.memory_space<vmem>>)
        %dma_start3A_244 = arith.constant 0 : i32
        %dma_start3A_245 = arith.constant 0 : i32
        %dma_start3A_246 = tpu.memref_slice %arg7[%dma_start3A_244, %dma_start3A_245] : memref<10000x128xf32, #tpu.memory_space<vmem_shared>> -> memref<10000x128xf32, #tpu.memory_space<vmem_shared>>
        tpu.enqueue_indirect_dma source(%arg15 : memref<128x128xf32, #tpu.memory_space<vmem>>) target(%dma_start3A_246 : memref<10000x128xf32, #tpu.memory_space<vmem_shared>>) offsets(%arg12 : memref<128xi32, #tpu.memory_space<vmem>>) semaphore(%arg27 : memref<!tpu.dma_semaphore, #tpu.memory_space<semaphore_mem>>) {add = true}
        %dma_wait3A_247 = arith.constant 0 : i32
        %dma_wait3A_248 = arith.constant 0 : i32
        %dma_wait3A_249 = tpu.memref_slice %arg7[%dma_wait3A_247, %dma_wait3A_248] : memref<10000x128xf32, #tpu.memory_space<vmem_shared>> -> memref<10000x128xf32, #tpu.memory_space<vmem_shared>>
        tpu.wait_indirect_dma semaphore(%arg26 : memref<!tpu.dma_semaphore, #tpu.memory_space<semaphore_mem>>) src(%arg14 : memref<128x128xf32, #tpu.memory_space<vmem>>) dst(%dma_wait3A_249 : memref<10000x128xf32, #tpu.memory_space<vmem_shared>>)
        %add3A_250 = arith.constant 3 : i32
        %add3A_251 = arith.addi %add3A_223, %add3A_250 : i32
        %lt3A_252 = arith.cmpi slt, %add3A_251, %min3A_21 : i32
        %convert_element_type3A_253 = arith.extui %lt3A_252 : i1 to i32
        %cond3A_254 = arith.constant 0 : i32
        %cond3A_255 = arith.cmpi ne, %convert_element_type3A_253, %cond3A_254 : i32
        scf.if %cond3A_255 {
          %add3A_262 = arith.constant 3 : i32
          %add3A_263 = arith.addi %add3A_223, %add3A_262 : i32
          %mul3A_264 = arith.constant 128 : i32
          %mul3A_265 = arith.muli %add3A_263, %mul3A_264 : i32
          %add3A_266 = arith.addi %mul3A_2, %mul3A_265 : i32
          %dma_start3A_267 = tpu.memref_slice %arg3[%add3A_266] : memref<320000xi32, #tpu.memory_space<hbm>> -> memref<128xi32, #tpu.memory_space<hbm>>
          %dma_start3A_268 = tpu.memref_slice %arg3[%add3A_266] : memref<320000xi32, #tpu.memory_space<hbm>> -> memref<128xi32, #tpu.memory_space<hbm>>
          tpu.enqueue_dma source(%dma_start3A_268 : memref<128xi32, #tpu.memory_space<hbm>>) target(%arg9 : memref<128xi32, #tpu.memory_space<vmem>>) target_semaphore(%arg18 : memref<!tpu.dma_semaphore, #tpu.memory_space<semaphore_mem>>)
        } else {
        }
        %add3A_256 = arith.constant 2 : i32
        %add3A_257 = arith.addi %add3A_223, %add3A_256 : i32
        %lt3A_258 = arith.cmpi slt, %add3A_257, %min3A_21 : i32
        %convert_element_type3A_259 = arith.extui %lt3A_258 : i1 to i32
        %cond3A_260 = arith.constant 0 : i32
        %cond3A_261 = arith.cmpi ne, %convert_element_type3A_259, %cond3A_260 : i32
        scf.if %cond3A_261 {
          %add3A_262 = arith.constant 2 : i32
          %add3A_263 = arith.addi %add3A_223, %add3A_262 : i32
          %mul3A_264 = arith.constant 128 : i32
          %mul3A_265 = arith.muli %add3A_263, %mul3A_264 : i32
          %add3A_266 = arith.addi %mul3A_2, %mul3A_265 : i32
          %dma_start3A_267 = tpu.memref_slice %arg4[%add3A_266] : memref<320000xi32, #tpu.memory_space<hbm>> -> memref<128xi32, #tpu.memory_space<hbm>>
          %dma_start3A_268 = tpu.memref_slice %arg4[%add3A_266] : memref<320000xi32, #tpu.memory_space<hbm>> -> memref<128xi32, #tpu.memory_space<hbm>>
          tpu.enqueue_dma source(%dma_start3A_268 : memref<128xi32, #tpu.memory_space<hbm>>) target(%arg11 : memref<128xi32, #tpu.memory_space<vmem>>) target_semaphore(%arg20 : memref<!tpu.dma_semaphore, #tpu.memory_space<semaphore_mem>>)
          %add3A_269 = arith.constant 2 : i32
          %add3A_270 = arith.addi %add3A_223, %add3A_269 : i32
          %mul3A_271 = arith.constant 128 : i32
          %mul3A_272 = arith.muli %add3A_270, %mul3A_271 : i32
          %add3A_273 = arith.addi %mul3A_2, %mul3A_272 : i32
          %dma_wait3A_274 = tpu.memref_slice %arg3[%add3A_273] : memref<320000xi32, #tpu.memory_space<hbm>> -> memref<128xi32, #tpu.memory_space<hbm>>
          %dma_wait3A_275 = tpu.memref_slice %arg3[%add3A_273] : memref<320000xi32, #tpu.memory_space<hbm>> -> memref<128xi32, #tpu.memory_space<hbm>>
          tpu.wait_dma2 semaphore(%arg17 : memref<!tpu.dma_semaphore, #tpu.memory_space<semaphore_mem>>) src(%dma_wait3A_275 : memref<128xi32, #tpu.memory_space<hbm>>) dst(%arg8 : memref<128xi32, #tpu.memory_space<vmem>>)
          %dma_start3A_276 = arith.constant 0 : i32
          %dma_start3A_277 = arith.constant 0 : i32
          %dma_start3A_278 = tpu.memref_slice %arg2[%dma_start3A_276, %dma_start3A_277] : memref<10000x128xf32, #tpu.memory_space<hbm>> -> memref<10000x128xf32, #tpu.memory_space<hbm>>
          tpu.enqueue_indirect_dma source(%dma_start3A_278 : memref<10000x128xf32, #tpu.memory_space<hbm>>) target(%arg14 : memref<128x128xf32, #tpu.memory_space<vmem>>) offsets(%arg8 : memref<128xi32, #tpu.memory_space<vmem>>) semaphore(%arg23 : memref<!tpu.dma_semaphore, #tpu.memory_space<semaphore_mem>>)
        } else {
        }
      } else {
      }
      %mul3A_228 = arith.constant 3 : i32
      %mul3A_229 = arith.muli %scan3A_211, %mul3A_228 : i32
      %add3A_230 = arith.constant 2 : i32
      %add3A_231 = arith.addi %mul3A_229, %add3A_230 : i32
      %lt3A_232 = arith.cmpi slt, %add3A_231, %min3A_21 : i32
      %convert_element_type3A_233 = arith.extui %lt3A_232 : i1 to i32
      %cond3A_234 = arith.constant 0 : i32
      %cond3A_235 = arith.cmpi ne, %convert_element_type3A_233, %cond3A_234 : i32
      scf.if %cond3A_235 {
        %dma_wait3A_236 = arith.constant 0 : i32
        %dma_wait3A_237 = arith.constant 0 : i32
        %dma_wait3A_238 = tpu.memref_slice %arg2[%dma_wait3A_236, %dma_wait3A_237] : memref<10000x128xf32, #tpu.memory_space<hbm>> -> memref<10000x128xf32, #tpu.memory_space<hbm>>
        tpu.wait_indirect_dma semaphore(%arg25 : memref<!tpu.dma_semaphore, #tpu.memory_space<semaphore_mem>>) src(%dma_wait3A_238 : memref<10000x128xf32, #tpu.memory_space<hbm>>) dst(%arg16 : memref<128x128xf32, #tpu.memory_space<vmem>>)
        %mul3A_239 = arith.constant 128 : i32
        %mul3A_240 = arith.muli %add3A_231, %mul3A_239 : i32
        %add3A_241 = arith.addi %mul3A_2, %mul3A_240 : i32
        %dma_wait3A_242 = tpu.memref_slice %arg4[%add3A_241] : memref<320000xi32, #tpu.memory_space<hbm>> -> memref<128xi32, #tpu.memory_space<hbm>>
        %dma_wait3A_243 = tpu.memref_slice %arg4[%add3A_241] : memref<320000xi32, #tpu.memory_space<hbm>> -> memref<128xi32, #tpu.memory_space<hbm>>
        tpu.wait_dma2 semaphore(%arg22 : memref<!tpu.dma_semaphore, #tpu.memory_space<semaphore_mem>>) src(%dma_wait3A_243 : memref<128xi32, #tpu.memory_space<hbm>>) dst(%arg13 : memref<128xi32, #tpu.memory_space<vmem>>)
        %dma_start3A_244 = arith.constant 0 : i32
        %dma_start3A_245 = arith.constant 0 : i32
        %dma_start3A_246 = tpu.memref_slice %arg7[%dma_start3A_244, %dma_start3A_245] : memref<10000x128xf32, #tpu.memory_space<vmem_shared>> -> memref<10000x128xf32, #tpu.memory_space<vmem_shared>>
        tpu.enqueue_indirect_dma source(%arg16 : memref<128x128xf32, #tpu.memory_space<vmem>>) target(%dma_start3A_246 : memref<10000x128xf32, #tpu.memory_space<vmem_shared>>) offsets(%arg13 : memref<128xi32, #tpu.memory_space<vmem>>) semaphore(%arg28 : memref<!tpu.dma_semaphore, #tpu.memory_space<semaphore_mem>>) {add = true}
        %dma_wait3A_247 = arith.constant 0 : i32
        %dma_wait3A_248 = arith.constant 0 : i32
        %dma_wait3A_249 = tpu.memref_slice %arg7[%dma_wait3A_247, %dma_wait3A_248] : memref<10000x128xf32, #tpu.memory_space<vmem_shared>> -> memref<10000x128xf32, #tpu.memory_space<vmem_shared>>
        tpu.wait_indirect_dma semaphore(%arg27 : memref<!tpu.dma_semaphore, #tpu.memory_space<semaphore_mem>>) src(%arg15 : memref<128x128xf32, #tpu.memory_space<vmem>>) dst(%dma_wait3A_249 : memref<10000x128xf32, #tpu.memory_space<vmem_shared>>)
        %add3A_250 = arith.constant 3 : i32
        %add3A_251 = arith.addi %add3A_231, %add3A_250 : i32
        %lt3A_252 = arith.cmpi slt, %add3A_251, %min3A_21 : i32
        %convert_element_type3A_253 = arith.extui %lt3A_252 : i1 to i32
        %cond3A_254 = arith.constant 0 : i32
        %cond3A_255 = arith.cmpi ne, %convert_element_type3A_253, %cond3A_254 : i32
        scf.if %cond3A_255 {
          %add3A_262 = arith.constant 3 : i32
          %add3A_263 = arith.addi %add3A_231, %add3A_262 : i32
          %mul3A_264 = arith.constant 128 : i32
          %mul3A_265 = arith.muli %add3A_263, %mul3A_264 : i32
          %add3A_266 = arith.addi %mul3A_2, %mul3A_265 : i32
          %dma_start3A_267 = tpu.memref_slice %arg3[%add3A_266] : memref<320000xi32, #tpu.memory_space<hbm>> -> memref<128xi32, #tpu.memory_space<hbm>>
          %dma_start3A_268 = tpu.memref_slice %arg3[%add3A_266] : memref<320000xi32, #tpu.memory_space<hbm>> -> memref<128xi32, #tpu.memory_space<hbm>>
          tpu.enqueue_dma source(%dma_start3A_268 : memref<128xi32, #tpu.memory_space<hbm>>) target(%arg10 : memref<128xi32, #tpu.memory_space<vmem>>) target_semaphore(%arg19 : memref<!tpu.dma_semaphore, #tpu.memory_space<semaphore_mem>>)
        } else {
        }
        %add3A_256 = arith.constant 2 : i32
        %add3A_257 = arith.addi %add3A_231, %add3A_256 : i32
        %lt3A_258 = arith.cmpi slt, %add3A_257, %min3A_21 : i32
        %convert_element_type3A_259 = arith.extui %lt3A_258 : i1 to i32
        %cond3A_260 = arith.constant 0 : i32
        %cond3A_261 = arith.cmpi ne, %convert_element_type3A_259, %cond3A_260 : i32
        scf.if %cond3A_261 {
          %add3A_262 = arith.constant 2 : i32
          %add3A_263 = arith.addi %add3A_231, %add3A_262 : i32
          %mul3A_264 = arith.constant 128 : i32
          %mul3A_265 = arith.muli %add3A_263, %mul3A_264 : i32
          %add3A_266 = arith.addi %mul3A_2, %mul3A_265 : i32
          %dma_start3A_267 = tpu.memref_slice %arg4[%add3A_266] : memref<320000xi32, #tpu.memory_space<hbm>> -> memref<128xi32, #tpu.memory_space<hbm>>
          %dma_start3A_268 = tpu.memref_slice %arg4[%add3A_266] : memref<320000xi32, #tpu.memory_space<hbm>> -> memref<128xi32, #tpu.memory_space<hbm>>
          tpu.enqueue_dma source(%dma_start3A_268 : memref<128xi32, #tpu.memory_space<hbm>>) target(%arg12 : memref<128xi32, #tpu.memory_space<vmem>>) target_semaphore(%arg21 : memref<!tpu.dma_semaphore, #tpu.memory_space<semaphore_mem>>)
          %add3A_269 = arith.constant 2 : i32
          %add3A_270 = arith.addi %add3A_231, %add3A_269 : i32
          %mul3A_271 = arith.constant 128 : i32
          %mul3A_272 = arith.muli %add3A_270, %mul3A_271 : i32
          %add3A_273 = arith.addi %mul3A_2, %mul3A_272 : i32
          %dma_wait3A_274 = tpu.memref_slice %arg3[%add3A_273] : memref<320000xi32, #tpu.memory_space<hbm>> -> memref<128xi32, #tpu.memory_space<hbm>>
          %dma_wait3A_275 = tpu.memref_slice %arg3[%add3A_273] : memref<320000xi32, #tpu.memory_space<hbm>> -> memref<128xi32, #tpu.memory_space<hbm>>
          tpu.wait_dma2 semaphore(%arg18 : memref<!tpu.dma_semaphore, #tpu.memory_space<semaphore_mem>>) src(%dma_wait3A_275 : memref<128xi32, #tpu.memory_space<hbm>>) dst(%arg9 : memref<128xi32, #tpu.memory_space<vmem>>)
          %dma_start3A_276 = arith.constant 0 : i32
          %dma_start3A_277 = arith.constant 0 : i32
          %dma_start3A_278 = tpu.memref_slice %arg2[%dma_start3A_276, %dma_start3A_277] : memref<10000x128xf32, #tpu.memory_space<hbm>> -> memref<10000x128xf32, #tpu.memory_space<hbm>>
          tpu.enqueue_indirect_dma source(%dma_start3A_278 : memref<10000x128xf32, #tpu.memory_space<hbm>>) target(%arg15 : memref<128x128xf32, #tpu.memory_space<vmem>>) offsets(%arg9 : memref<128xi32, #tpu.memory_space<vmem>>) semaphore(%arg24 : memref<!tpu.dma_semaphore, #tpu.memory_space<semaphore_mem>>)
        } else {
        }
      } else {
      }
    }
    %scan3A_196 = arith.constant 26 : i32
    %dma_wait3A_197 = arith.constant 0 : i32
    %dma_wait3A_198 = arith.constant 0 : i32
    %dma_wait3A_199 = tpu.memref_slice %arg7[%dma_wait3A_197, %dma_wait3A_198] : memref<10000x128xf32, #tpu.memory_space<vmem_shared>> -> memref<10000x128xf32, #tpu.memory_space<vmem_shared>>
    tpu.wait_indirect_dma semaphore(%arg27 : memref<!tpu.dma_semaphore, #tpu.memory_space<semaphore_mem>>) src(%arg15 : memref<128x128xf32, #tpu.memory_space<vmem>>) dst(%dma_wait3A_199 : memref<10000x128xf32, #tpu.memory_space<vmem_shared>>)
    %barrier3A_200 = arith.constant 0 : index
    tpu.barrier barrier_id(%barrier3A_200)
    %eq3A_201 = arith.constant 0 : i32
    %eq3A_202 = arith.cmpi eq, %arg0, %eq3A_201 : i32
    %convert_element_type3A_203 = arith.extui %eq3A_202 : i1 to i32
    %cond3A_204 = arith.constant 0 : i32
    %cond3A_205 = arith.cmpi ne, %convert_element_type3A_203, %cond3A_204 : i32
    scf.if %cond3A_205 {
      %lt3A_211 = arith.constant 15 : i32
      %lt3A_212 = arith.cmpi slt, %arg1, %lt3A_211 : i32
      %convert_element_type3A_213 = arith.extui %lt3A_212 : i1 to i32
      %cond3A_214 = arith.constant 0 : i32
      %cond3A_215 = arith.cmpi ne, %convert_element_type3A_213, %cond3A_214 : i32
      scf.if %cond3A_215 {
        "tpu.region"() ({
          %run_scoped3A = tpu.sem_alloc : memref<!tpu.dma_semaphore, #tpu.memory_space<semaphore_mem>>
          %dma_start3A_221 = arith.constant 0 : i32
          %dma_start3A_222 = tpu.memref_slice %arg5[%mul3A_23, %dma_start3A_221] : memref<10000x128xf32, #tpu.memory_space<hbm>> -> memref<632x128xf32, #tpu.memory_space<hbm>>
          %dma_start3A_223 = arith.constant 0 : i32
          %dma_start3A_224 = tpu.memref_slice %arg7[%mul3A_23, %dma_start3A_223] : memref<10000x128xf32, #tpu.memory_space<vmem_shared>> -> memref<632x128xf32, #tpu.memory_space<vmem_shared>>
          tpu.enqueue_dma source(%dma_start3A_224 : memref<632x128xf32, #tpu.memory_space<vmem_shared>>) target(%dma_start3A_222 : memref<632x128xf32, #tpu.memory_space<hbm>>) target_semaphore(%run_scoped3A : memref<!tpu.dma_semaphore, #tpu.memory_space<semaphore_mem>>)
          %dma_wait3A_225 = arith.constant 0 : i32
          %dma_wait3A_226 = tpu.memref_slice %arg5[%mul3A_23, %dma_wait3A_225] : memref<10000x128xf32, #tpu.memory_space<hbm>> -> memref<632x128xf32, #tpu.memory_space<hbm>>
          %dma_wait3A_227 = arith.constant 0 : i32
          %dma_wait3A_228 = tpu.memref_slice %arg7[%mul3A_23, %dma_wait3A_227] : memref<10000x128xf32, #tpu.memory_space<vmem_shared>> -> memref<632x128xf32, #tpu.memory_space<vmem_shared>>
          tpu.wait_dma2 semaphore(%run_scoped3A : memref<!tpu.dma_semaphore, #tpu.memory_space<semaphore_mem>>) src(%dma_wait3A_228 : memref<632x128xf32, #tpu.memory_space<vmem_shared>>) dst(%dma_wait3A_226 : memref<632x128xf32, #tpu.memory_space<hbm>>)
          tpu.yield
        }) : () -> ()
      } else {
      }
      %eq3A_216 = arith.constant 15 : i32
      %eq3A_217 = arith.cmpi eq, %arg1, %eq3A_216 : i32
      %convert_element_type3A_218 = arith.extui %eq3A_217 : i1 to i32
      %cond3A_219 = arith.constant 0 : i32
      %cond3A_220 = arith.cmpi ne, %convert_element_type3A_218, %cond3A_219 : i32
      scf.if %cond3A_220 {
        "tpu.region"() ({
          %run_scoped3A = tpu.sem_alloc : memref<!tpu.dma_semaphore, #tpu.memory_space<semaphore_mem>>
          %dma_start3A_221 = arith.constant 0 : i32
          %dma_start3A_222 = tpu.memref_slice %arg5[%mul3A_23, %dma_start3A_221] : memref<10000x128xf32, #tpu.memory_space<hbm>> -> memref<520x128xf32, #tpu.memory_space<hbm>>
          %dma_start3A_223 = arith.constant 0 : i32
          %dma_start3A_224 = tpu.memref_slice %arg7[%mul3A_23, %dma_start3A_223] : memref<10000x128xf32, #tpu.memory_space<vmem_shared>> -> memref<520x128xf32, #tpu.memory_space<vmem_shared>>
          tpu.enqueue_dma source(%dma_start3A_224 : memref<520x128xf32, #tpu.memory_space<vmem_shared>>) target(%dma_start3A_222 : memref<520x128xf32, #tpu.memory_space<hbm>>) target_semaphore(%run_scoped3A : memref<!tpu.dma_semaphore, #tpu.memory_space<semaphore_mem>>)
          %dma_wait3A_225 = arith.constant 0 : i32
          %dma_wait3A_226 = tpu.memref_slice %arg5[%mul3A_23, %dma_wait3A_225] : memref<10000x128xf32, #tpu.memory_space<hbm>> -> memref<520x128xf32, #tpu.memory_space<hbm>>
          %dma_wait3A_227 = arith.constant 0 : i32
          %dma_wait3A_228 = tpu.memref_slice %arg7[%mul3A_23, %dma_wait3A_227] : memref<10000x128xf32, #tpu.memory_space<vmem_shared>> -> memref<520x128xf32, #tpu.memory_space<vmem_shared>>
          tpu.wait_dma2 semaphore(%run_scoped3A : memref<!tpu.dma_semaphore, #tpu.memory_space<semaphore_mem>>) src(%dma_wait3A_228 : memref<520x128xf32, #tpu.memory_space<vmem_shared>>) dst(%dma_wait3A_226 : memref<520x128xf32, #tpu.memory_space<hbm>>)
          tpu.yield
        }) : () -> ()
      } else {
      }
    } else {
    }
    %eq3A_206 = arith.constant 1 : i32
    %eq3A_207 = arith.cmpi eq, %arg0, %eq3A_206 : i32
    %convert_element_type3A_208 = arith.extui %eq3A_207 : i1 to i32
    %cond3A_209 = arith.constant 0 : i32
    %cond3A_210 = arith.cmpi ne, %convert_element_type3A_208, %cond3A_209 : i32
    scf.if %cond3A_210 {
      %lt3A_211 = arith.constant 15 : i32
      %lt3A_212 = arith.cmpi slt, %arg1, %lt3A_211 : i32
      %convert_element_type3A_213 = arith.extui %lt3A_212 : i1 to i32
      %cond3A_214 = arith.constant 0 : i32
      %cond3A_215 = arith.cmpi ne, %convert_element_type3A_213, %cond3A_214 : i32
      scf.if %cond3A_215 {
        "tpu.region"() ({
          %run_scoped3A = tpu.sem_alloc : memref<!tpu.dma_semaphore, #tpu.memory_space<semaphore_mem>>
          %dma_start3A_221 = arith.constant 0 : i32
          %dma_start3A_222 = tpu.memref_slice %arg6[%mul3A_23, %dma_start3A_221] : memref<10000x128xf32, #tpu.memory_space<hbm>> -> memref<632x128xf32, #tpu.memory_space<hbm>>
          %dma_start3A_223 = arith.constant 0 : i32
          %dma_start3A_224 = tpu.memref_slice %arg7[%mul3A_23, %dma_start3A_223] : memref<10000x128xf32, #tpu.memory_space<vmem_shared>> -> memref<632x128xf32, #tpu.memory_space<vmem_shared>>
          tpu.enqueue_dma source(%dma_start3A_224 : memref<632x128xf32, #tpu.memory_space<vmem_shared>>) target(%dma_start3A_222 : memref<632x128xf32, #tpu.memory_space<hbm>>) target_semaphore(%run_scoped3A : memref<!tpu.dma_semaphore, #tpu.memory_space<semaphore_mem>>)
          %dma_wait3A_225 = arith.constant 0 : i32
          %dma_wait3A_226 = tpu.memref_slice %arg6[%mul3A_23, %dma_wait3A_225] : memref<10000x128xf32, #tpu.memory_space<hbm>> -> memref<632x128xf32, #tpu.memory_space<hbm>>
          %dma_wait3A_227 = arith.constant 0 : i32
          %dma_wait3A_228 = tpu.memref_slice %arg7[%mul3A_23, %dma_wait3A_227] : memref<10000x128xf32, #tpu.memory_space<vmem_shared>> -> memref<632x128xf32, #tpu.memory_space<vmem_shared>>
          tpu.wait_dma2 semaphore(%run_scoped3A : memref<!tpu.dma_semaphore, #tpu.memory_space<semaphore_mem>>) src(%dma_wait3A_228 : memref<632x128xf32, #tpu.memory_space<vmem_shared>>) dst(%dma_wait3A_226 : memref<632x128xf32, #tpu.memory_space<hbm>>)
          tpu.yield
        }) : () -> ()
      } else {
      }
      %eq3A_216 = arith.constant 15 : i32
      %eq3A_217 = arith.cmpi eq, %arg1, %eq3A_216 : i32
      %convert_element_type3A_218 = arith.extui %eq3A_217 : i1 to i32
      %cond3A_219 = arith.constant 0 : i32
      %cond3A_220 = arith.cmpi ne, %convert_element_type3A_218, %cond3A_219 : i32
      scf.if %cond3A_220 {
        "tpu.region"() ({
          %run_scoped3A = tpu.sem_alloc : memref<!tpu.dma_semaphore, #tpu.memory_space<semaphore_mem>>
          %dma_start3A_221 = arith.constant 0 : i32
          %dma_start3A_222 = tpu.memref_slice %arg6[%mul3A_23, %dma_start3A_221] : memref<10000x128xf32, #tpu.memory_space<hbm>> -> memref<520x128xf32, #tpu.memory_space<hbm>>
          %dma_start3A_223 = arith.constant 0 : i32
          %dma_start3A_224 = tpu.memref_slice %arg7[%mul3A_23, %dma_start3A_223] : memref<10000x128xf32, #tpu.memory_space<vmem_shared>> -> memref<520x128xf32, #tpu.memory_space<vmem_shared>>
          tpu.enqueue_dma source(%dma_start3A_224 : memref<520x128xf32, #tpu.memory_space<vmem_shared>>) target(%dma_start3A_222 : memref<520x128xf32, #tpu.memory_space<hbm>>) target_semaphore(%run_scoped3A : memref<!tpu.dma_semaphore, #tpu.memory_space<semaphore_mem>>)
          %dma_wait3A_225 = arith.constant 0 : i32
          %dma_wait3A_226 = tpu.memref_slice %arg6[%mul3A_23, %dma_wait3A_225] : memref<10000x128xf32, #tpu.memory_space<hbm>> -> memref<520x128xf32, #tpu.memory_space<hbm>>
          %dma_wait3A_227 = arith.constant 0 : i32
          %dma_wait3A_228 = tpu.memref_slice %arg7[%mul3A_23, %dma_wait3A_227] : memref<10000x128xf32, #tpu.memory_space<vmem_shared>> -> memref<520x128xf32, #tpu.memory_space<vmem_shared>>
          tpu.wait_dma2 semaphore(%run_scoped3A : memref<!tpu.dma_semaphore, #tpu.memory_space<semaphore_mem>>) src(%dma_wait3A_228 : memref<520x128xf32, #tpu.memory_space<vmem_shared>>) dst(%dma_wait3A_226 : memref<520x128xf32, #tpu.memory_space<hbm>>)
          tpu.yield
        }) : () -> ()
      } else {
      }
    } else {
    }
    return
  }
}

#map = affine_map<(d0, d1) -> (0, 0)>
#map1 = affine_map<(d0, d1) -> (0)>
module attributes {stable_mosaic.version = 14 : i64} {
  func.func @_sc_segsum_body(%arg0: i32, %arg1: i32, %arg2: memref<10000x128xf32, #tpu.memory_space<hbm>>, %arg3: memref<320000xi32, #tpu.memory_space<hbm>>, %arg4: memref<320000xi32, #tpu.memory_space<hbm>>, %arg5: memref<10000x128xf32, #tpu.memory_space<hbm>>, %arg6: memref<10000x128xf32, #tpu.memory_space<hbm>>, %arg7: memref<10000x128xf32, #tpu.memory_space<vmem_shared>>, %arg8: memref<128xi32, #tpu.memory_space<vmem>>, %arg9: memref<128xi32, #tpu.memory_space<vmem>>, %arg10: memref<128xi32, #tpu.memory_space<vmem>>, %arg11: memref<128xi32, #tpu.memory_space<vmem>>, %arg12: memref<128xi32, #tpu.memory_space<vmem>>, %arg13: memref<128xi32, #tpu.memory_space<vmem>>, %arg14: memref<128x128xf32, #tpu.memory_space<vmem>>, %arg15: memref<128x128xf32, #tpu.memory_space<vmem>>, %arg16: memref<128x128xf32, #tpu.memory_space<vmem>>, %arg17: memref<!tpu.dma_semaphore, #tpu.memory_space<semaphore_mem>>, %arg18: memref<!tpu.dma_semaphore, #tpu.memory_space<semaphore_mem>>, %arg19: memref<!tpu.dma_semaphore, #tpu.memory_space<semaphore_mem>>, %arg20: memref<!tpu.dma_semaphore, #tpu.memory_space<semaphore_mem>>, %arg21: memref<!tpu.dma_semaphore, #tpu.memory_space<semaphore_mem>>, %arg22: memref<!tpu.dma_semaphore, #tpu.memory_space<semaphore_mem>>, %arg23: memref<!tpu.dma_semaphore, #tpu.memory_space<semaphore_mem>>, %arg24: memref<!tpu.dma_semaphore, #tpu.memory_space<semaphore_mem>>, %arg25: memref<!tpu.dma_semaphore, #tpu.memory_space<semaphore_mem>>, %arg26: memref<!tpu.dma_semaphore, #tpu.memory_space<semaphore_mem>>, %arg27: memref<!tpu.dma_semaphore, #tpu.memory_space<semaphore_mem>>, %arg28: memref<!tpu.dma_semaphore, #tpu.memory_space<semaphore_mem>>, %arg29: memref<!tpu.dma_semaphore, #tpu.memory_space<semaphore_mem>>) attributes {dimension_semantics = [#tpu.dimension_semantics<core_parallel>, #tpu.dimension_semantics<subcore_parallel>], iteration_bounds = array<i64: 2, 16>, scalar_prefetch = 0 : i64, scratch_operands = 23 : i64, tpu.core_type = #tpu.core_type<sc_vector_subcore>, window_params = [{transform_indices = #map}, {transform_indices = #map1}, {transform_indices = #map1}, {transform_indices = #map}, {transform_indices = #map}]} {
    %mul3A = arith.constant 2 : i32
    %mul3A_0 = arith.muli %arg1, %mul3A : i32
    %add3A = arith.addi %mul3A_0, %arg0 : i32
    %mul3A_1 = arith.constant 10240 : i32
    %mul3A_2 = arith.muli %add3A, %mul3A_1 : i32
    %sub3A = arith.constant 320000 : i32
    %sub3A_3 = arith.subi %sub3A, %mul3A_2 : i32
    %jit3A = arith.constant 128 : i32
    %div3A = arith.divsi %sub3A_3, %jit3A : i32
    %sign3A = arith.constant 0 : i32
    %sign3A_4 = arith.cmpi sgt, %sub3A_3, %sign3A : i32
    %sign3A_5 = arith.extui %sign3A_4 : i1 to i32
    %sign3A_6 = arith.constant 0 : i32
    %sign3A_7 = arith.cmpi slt, %sub3A_3, %sign3A_6 : i32
    %sign3A_8 = arith.extui %sign3A_7 : i1 to i32
    %sign3A_9 = arith.subi %sign3A_5, %sign3A_8 : i32
    %sign3A_10 = arith.constant 0 : i32
    %sign3A_11 = arith.cmpi sgt, %jit3A, %sign3A_10 : i32
    %sign3A_12 = arith.extui %sign3A_11 : i1 to i32
    %sign3A_13 = arith.constant 0 : i32
    %sign3A_14 = arith.cmpi slt, %jit3A, %sign3A_13 : i32
    %sign3A_15 = arith.extui %sign3A_14 : i1 to i32
    %sign3A_16 = arith.subi %sign3A_12, %sign3A_15 : i32
    %ne3A = arith.cmpi ne, %sign3A_9, %sign3A_16 : i32
    %rem3A = arith.remsi %sub3A_3, %jit3A : i32
    %ne3A_17 = arith.constant 0 : i32
    %ne3A_18 = arith.cmpi ne, %rem3A, %ne3A_17 : i32
    %and3A = arith.andi %ne3A, %ne3A_18 : i1
    %sub3A_19 = arith.constant 1 : i32
    %sub3A_20 = arith.subi %div3A, %sub3A_19 : i32
    %select_n3A = arith.select %and3A, %sub3A_20, %div3A : i32
    %min3A = arith.constant 80 : i32
    %min3A_21 = arith.minsi %min3A, %select_n3A : i32
    %mul3A_22 = arith.constant 632 : i32
    %mul3A_23 = arith.muli %arg1, %mul3A_22 : i32
    %add3A_24 = arith.constant 0 : i32
    %add3A_25 = arith.addi %mul3A_2, %add3A_24 : i32
    %dma_start3A = tpu.memref_slice %arg3[%add3A_25] : memref<320000xi32, #tpu.memory_space<hbm>> -> memref<128xi32, #tpu.memory_space<hbm>>
    %dma_start3A_26 = tpu.memref_slice %arg3[%add3A_25] : memref<320000xi32, #tpu.memory_space<hbm>> -> memref<128xi32, #tpu.memory_space<hbm>>
    tpu.enqueue_dma source(%dma_start3A_26 : memref<128xi32, #tpu.memory_space<hbm>>) target(%arg8 : memref<128xi32, #tpu.memory_space<vmem>>) target_semaphore(%arg17 : memref<!tpu.dma_semaphore, #tpu.memory_space<semaphore_mem>>)
    %add3A_27 = arith.constant 128 : i32
    %add3A_28 = arith.addi %mul3A_2, %add3A_27 : i32
    %dma_start3A_29 = tpu.memref_slice %arg3[%add3A_28] : memref<320000xi32, #tpu.memory_space<hbm>> -> memref<128xi32, #tpu.memory_space<hbm>>
    %dma_start3A_30 = tpu.memref_slice %arg3[%add3A_28] : memref<320000xi32, #tpu.memory_space<hbm>> -> memref<128xi32, #tpu.memory_space<hbm>>
    tpu.enqueue_dma source(%dma_start3A_30 : memref<128xi32, #tpu.memory_space<hbm>>) target(%arg9 : memref<128xi32, #tpu.memory_space<vmem>>) target_semaphore(%arg18 : memref<!tpu.dma_semaphore, #tpu.memory_space<semaphore_mem>>)
    %add3A_31 = arith.constant 256 : i32
    %add3A_32 = arith.addi %mul3A_2, %add3A_31 : i32
    %dma_start3A_33 = tpu.memref_slice %arg3[%add3A_32] : memref<320000xi32, #tpu.memory_space<hbm>> -> memref<128xi32, #tpu.memory_space<hbm>>
    %dma_start3A_34 = tpu.memref_slice %arg3[%add3A_32] : memref<320000xi32, #tpu.memory_space<hbm>> -> memref<128xi32, #tpu.memory_space<hbm>>
    tpu.enqueue_dma source(%dma_start3A_34 : memref<128xi32, #tpu.memory_space<hbm>>) target(%arg10 : memref<128xi32, #tpu.memory_space<vmem>>) target_semaphore(%arg19 : memref<!tpu.dma_semaphore, #tpu.memory_space<semaphore_mem>>)
    %add3A_35 = arith.constant 0 : i32
    %add3A_36 = arith.addi %mul3A_2, %add3A_35 : i32
    %dma_start3A_37 = tpu.memref_slice %arg4[%add3A_36] : memref<320000xi32, #tpu.memory_space<hbm>> -> memref<128xi32, #tpu.memory_space<hbm>>
    %dma_start3A_38 = tpu.memref_slice %arg4[%add3A_36] : memref<320000xi32, #tpu.memory_space<hbm>> -> memref<128xi32, #tpu.memory_space<hbm>>
    tpu.enqueue_dma source(%dma_start3A_38 : memref<128xi32, #tpu.memory_space<hbm>>) target(%arg11 : memref<128xi32, #tpu.memory_space<vmem>>) target_semaphore(%arg20 : memref<!tpu.dma_semaphore, #tpu.memory_space<semaphore_mem>>)
    %add3A_39 = arith.constant 128 : i32
    %add3A_40 = arith.addi %mul3A_2, %add3A_39 : i32
    %dma_start3A_41 = tpu.memref_slice %arg4[%add3A_40] : memref<320000xi32, #tpu.memory_space<hbm>> -> memref<128xi32, #tpu.memory_space<hbm>>
    %dma_start3A_42 = tpu.memref_slice %arg4[%add3A_40] : memref<320000xi32, #tpu.memory_space<hbm>> -> memref<128xi32, #tpu.memory_space<hbm>>
    tpu.enqueue_dma source(%dma_start3A_42 : memref<128xi32, #tpu.memory_space<hbm>>) target(%arg12 : memref<128xi32, #tpu.memory_space<vmem>>) target_semaphore(%arg21 : memref<!tpu.dma_semaphore, #tpu.memory_space<semaphore_mem>>)
    %broadcast_in_dim3A = arith.constant 0.000000e+00 : f32
    %broadcast_in_dim3A_43 = vector.broadcast %broadcast_in_dim3A : f32 to vector<16xf32>
    %scan3A = arith.constant 0 : i32
    %scan3A_44 = arith.constant 0 : i32
    %scan3A_45 = arith.constant 128 : i32
    %scan3A_46 = arith.addi %scan3A_44, %scan3A_45 : i32
    %scan3A_47 = arith.constant 1 : i32
    scf.for %scan3A_211 = %scan3A_44 to %scan3A_46 step %scan3A_47  : i32 {
      %swap3A = arith.index_cast %scan3A_211 : i32 to index
      %swap3A_212 = arith.constant 0 : index
      %swap3A_213 = tpu.vector_load %arg16[%swap3A, %swap3A_212] {strides = array<i32>} : memref<128x128xf32, #tpu.memory_space<vmem>>, vector<1x16xf32>,
      %swap3A_214 = vector.shape_cast %swap3A_213 : vector<1x16xf32> to vector<16xf32>
      %swap3A_215 = vector.shape_cast %broadcast_in_dim3A_43 : vector<16xf32> to vector<1x16xf32>
      tpu.vector_store %arg16[%swap3A, %swap3A_212], %swap3A_215 {strides = array<i32>} : memref<128x128xf32, #tpu.memory_space<vmem>>, vector<1x16xf32>,
      %swap3A_216 = arith.index_cast %scan3A_211 : i32 to index
      %swap3A_217 = arith.constant 16 : index
      %swap3A_218 = tpu.vector_load %arg16[%swap3A_216, %swap3A_217] {strides = array<i32>} : memref<128x128xf32, #tpu.memory_space<vmem>>, vector<1x16xf32>,
      %swap3A_219 = vector.shape_cast %swap3A_218 : vector<1x16xf32> to vector<16xf32>
      %swap3A_220 = vector.shape_cast %broadcast_in_dim3A_43 : vector<16xf32> to vector<1x16xf32>
      tpu.vector_store %arg16[%swap3A_216, %swap3A_217], %swap3A_220 {strides = array<i32>} : memref<128x128xf32, #tpu.memory_space<vmem>>, vector<1x16xf32>,
      %swap3A_221 = arith.index_cast %scan3A_211 : i32 to index
      %swap3A_222 = arith.constant 32 : index
      %swap3A_223 = tpu.vector_load %arg16[%swap3A_221, %swap3A_222] {strides = array<i32>} : memref<128x128xf32, #tpu.memory_space<vmem>>, vector<1x16xf32>,
      %swap3A_224 = vector.shape_cast %swap3A_223 : vector<1x16xf32> to vector<16xf32>
      %swap3A_225 = vector.shape_cast %broadcast_in_dim3A_43 : vector<16xf32> to vector<1x16xf32>
      tpu.vector_store %arg16[%swap3A_221, %swap3A_222], %swap3A_225 {strides = array<i32>} : memref<128x128xf32, #tpu.memory_space<vmem>>, vector<1x16xf32>,
      %swap3A_226 = arith.index_cast %scan3A_211 : i32 to index
      %swap3A_227 = arith.constant 48 : index
      %swap3A_228 = tpu.vector_load %arg16[%swap3A_226, %swap3A_227] {strides = array<i32>} : memref<128x128xf32, #tpu.memory_space<vmem>>, vector<1x16xf32>,
      %swap3A_229 = vector.shape_cast %swap3A_228 : vector<1x16xf32> to vector<16xf32>
      %swap3A_230 = vector.shape_cast %broadcast_in_dim3A_43 : vector<16xf32> to vector<1x16xf32>
      tpu.vector_store %arg16[%swap3A_226, %swap3A_227], %swap3A_230 {strides = array<i32>} : memref<128x128xf32, #tpu.memory_space<vmem>>, vector<1x16xf32>,
      %swap3A_231 = arith.index_cast %scan3A_211 : i32 to index
      %swap3A_232 = arith.constant 64 : index
      %swap3A_233 = tpu.vector_load %arg16[%swap3A_231, %swap3A_232] {strides = array<i32>} : memref<128x128xf32, #tpu.memory_space<vmem>>, vector<1x16xf32>,
      %swap3A_234 = vector.shape_cast %swap3A_233 : vector<1x16xf32> to vector<16xf32>
      %swap3A_235 = vector.shape_cast %broadcast_in_dim3A_43 : vector<16xf32> to vector<1x16xf32>
      tpu.vector_store %arg16[%swap3A_231, %swap3A_232], %swap3A_235 {strides = array<i32>} : memref<128x128xf32, #tpu.memory_space<vmem>>, vector<1x16xf32>,
      %swap3A_236 = arith.index_cast %scan3A_211 : i32 to index
      %swap3A_237 = arith.constant 80 : index
      %swap3A_238 = tpu.vector_load %arg16[%swap3A_236, %swap3A_237] {strides = array<i32>} : memref<128x128xf32, #tpu.memory_space<vmem>>, vector<1x16xf32>,
      %swap3A_239 = vector.shape_cast %swap3A_238 : vector<1x16xf32> to vector<16xf32>
      %swap3A_240 = vector.shape_cast %broadcast_in_dim3A_43 : vector<16xf32> to vector<1x16xf32>
      tpu.vector_store %arg16[%swap3A_236, %swap3A_237], %swap3A_240 {strides = array<i32>} : memref<128x128xf32, #tpu.memory_space<vmem>>, vector<1x16xf32>,
      %swap3A_241 = arith.index_cast %scan3A_211 : i32 to index
      %swap3A_242 = arith.constant 96 : index
      %swap3A_243 = tpu.vector_load %arg16[%swap3A_241, %swap3A_242] {strides = array<i32>} : memref<128x128xf32, #tpu.memory_space<vmem>>, vector<1x16xf32>,
      %swap3A_244 = vector.shape_cast %swap3A_243 : vector<1x16xf32> to vector<16xf32>
      %swap3A_245 = vector.shape_cast %broadcast_in_dim3A_43 : vector<16xf32> to vector<1x16xf32>
      tpu.vector_store %arg16[%swap3A_241, %swap3A_242], %swap3A_245 {strides = array<i32>} : memref<128x128xf32, #tpu.memory_space<vmem>>, vector<1x16xf32>,
      %swap3A_246 = arith.index_cast %scan3A_211 : i32 to index
      %swap3A_247 = arith.constant 112 : index
      %swap3A_248 = tpu.vector_load %arg16[%swap3A_246, %swap3A_247] {strides = array<i32>} : memref<128x128xf32, #tpu.memory_space<vmem>>, vector<1x16xf32>,
      %swap3A_249 = vector.shape_cast %swap3A_248 : vector<1x16xf32> to vector<16xf32>
      %swap3A_250 = vector.shape_cast %broadcast_in_dim3A_43 : vector<16xf32> to vector<1x16xf32>
      tpu.vector_store %arg16[%swap3A_246, %swap3A_247], %swap3A_250 {strides = array<i32>} : memref<128x128xf32, #tpu.memory_space<vmem>>, vector<1x16xf32>,
    }
    %scan3A_48 = arith.constant 128 : i32
    %add3A_49 = arith.constant 0 : i32
    %add3A_50 = arith.addi %mul3A_23, %add3A_49 : i32
    %dma_start3A_51 = arith.constant 0 : i32
    %dma_start3A_52 = tpu.memref_slice %arg7[%add3A_50, %dma_start3A_51] : memref<10000x128xf32, #tpu.memory_space<vmem_shared>> -> memref<128x128xf32, #tpu.memory_space<vmem_shared>>
    %dma_start3A_53 = arith.constant 0 : i32
    %dma_start3A_54 = tpu.memref_slice %arg7[%add3A_50, %dma_start3A_53] : memref<10000x128xf32, #tpu.memory_space<vmem_shared>> -> memref<128x128xf32, #tpu.memory_space<vmem_shared>>
    tpu.enqueue_dma source(%arg16 : memref<128x128xf32, #tpu.memory_space<vmem>>) target(%dma_start3A_54 : memref<128x128xf32, #tpu.memory_space<vmem_shared>>) target_semaphore(%arg29 : memref<!tpu.dma_semaphore, #tpu.memory_space<semaphore_mem>>)
    %add3A_55 = arith.constant 128 : i32
    %add3A_56 = arith.addi %mul3A_23, %add3A_55 : i32
    %dma_start3A_57 = arith.constant 0 : i32
    %dma_start3A_58 = tpu.memref_slice %arg7[%add3A_56, %dma_start3A_57] : memref<10000x128xf32, #tpu.memory_space<vmem_shared>> -> memref<128x128xf32, #tpu.memory_space<vmem_shared>>
    %dma_start3A_59 = arith.constant 0 : i32
    %dma_start3A_60 = tpu.memref_slice %arg7[%add3A_56, %dma_start3A_59] : memref<10000x128xf32, #tpu.memory_space<vmem_shared>> -> memref<128x128xf32, #tpu.memory_space<vmem_shared>>
    tpu.enqueue_dma source(%arg16 : memref<128x128xf32, #tpu.memory_space<vmem>>) target(%dma_start3A_60 : memref<128x128xf32, #tpu.memory_space<vmem_shared>>) target_semaphore(%arg29 : memref<!tpu.dma_semaphore, #tpu.memory_space<semaphore_mem>>)
    %add3A_61 = arith.constant 256 : i32
    %add3A_62 = arith.addi %mul3A_23, %add3A_61 : i32
    %dma_start3A_63 = arith.constant 0 : i32
    %dma_start3A_64 = tpu.memref_slice %arg7[%add3A_62, %dma_start3A_63] : memref<10000x128xf32, #tpu.memory_space<vmem_shared>> -> memref<128x128xf32, #tpu.memory_space<vmem_shared>>
    %dma_start3A_65 = arith.constant 0 : i32
    %dma_start3A_66 = tpu.memref_slice %arg7[%add3A_62, %dma_start3A_65] : memref<10000x128xf32, #tpu.memory_space<vmem_shared>> -> memref<128x128xf32, #tpu.memory_space<vmem_shared>>
    tpu.enqueue_dma source(%arg16 : memref<128x128xf32, #tpu.memory_space<vmem>>) target(%dma_start3A_66 : memref<128x128xf32, #tpu.memory_space<vmem_shared>>) target_semaphore(%arg29 : memref<!tpu.dma_semaphore, #tpu.memory_space<semaphore_mem>>)
    %add3A_67 = arith.constant 384 : i32
    %add3A_68 = arith.addi %mul3A_23, %add3A_67 : i32
    %dma_start3A_69 = arith.constant 0 : i32
    %dma_start3A_70 = tpu.memref_slice %arg7[%add3A_68, %dma_start3A_69] : memref<10000x128xf32, #tpu.memory_space<vmem_shared>> -> memref<128x128xf32, #tpu.memory_space<vmem_shared>>
    %dma_start3A_71 = arith.constant 0 : i32
    %dma_start3A_72 = tpu.memref_slice %arg7[%add3A_68, %dma_start3A_71] : memref<10000x128xf32, #tpu.memory_space<vmem_shared>> -> memref<128x128xf32, #tpu.memory_space<vmem_shared>>
    tpu.enqueue_dma source(%arg16 : memref<128x128xf32, #tpu.memory_space<vmem>>) target(%dma_start3A_72 : memref<128x128xf32, #tpu.memory_space<vmem_shared>>) target_semaphore(%arg29 : memref<!tpu.dma_semaphore, #tpu.memory_space<semaphore_mem>>)
    %lt3A = arith.constant 15 : i32
    %lt3A_73 = arith.cmpi slt, %arg1, %lt3A : i32
    %convert_element_type3A = arith.extui %lt3A_73 : i1 to i32
    %cond3A = arith.constant 0 : i32
    %cond3A_74 = arith.cmpi ne, %convert_element_type3A, %cond3A : i32
    scf.if %cond3A_74 {
      %add3A_211 = arith.constant 512 : i32
      %add3A_212 = arith.addi %mul3A_23, %add3A_211 : i32
      %dma_start3A_213 = arith.constant 0 : i32
      %dma_start3A_214 = arith.constant 0 : i32
      %dma_start3A_215 = tpu.memref_slice %arg16[%dma_start3A_213, %dma_start3A_214] : memref<128x128xf32, #tpu.memory_space<vmem>> -> memref<120x128xf32, #tpu.memory_space<vmem>>
      %dma_start3A_216 = arith.constant 0 : i32
      %dma_start3A_217 = tpu.memref_slice %arg7[%add3A_212, %dma_start3A_216] : memref<10000x128xf32, #tpu.memory_space<vmem_shared>> -> memref<120x128xf32, #tpu.memory_space<vmem_shared>>
      %dma_start3A_218 = arith.constant 0 : i32
      %dma_start3A_219 = tpu.memref_slice %arg7[%add3A_212, %dma_start3A_218] : memref<10000x128xf32, #tpu.memory_space<vmem_shared>> -> memref<120x128xf32, #tpu.memory_space<vmem_shared>>
      %dma_start3A_220 = arith.constant 0 : i32
      %dma_start3A_221 = arith.constant 0 : i32
      %dma_start3A_222 = tpu.memref_slice %arg16[%dma_start3A_220, %dma_start3A_221] : memref<128x128xf32, #tpu.memory_space<vmem>> -> memref<120x128xf32, #tpu.memory_space<vmem>>
      tpu.enqueue_dma source(%dma_start3A_222 : memref<120x128xf32, #tpu.memory_space<vmem>>) target(%dma_start3A_219 : memref<120x128xf32, #tpu.memory_space<vmem_shared>>) target_semaphore(%arg29 : memref<!tpu.dma_semaphore, #tpu.memory_space<semaphore_mem>>)
    } else {
    }
    %eq3A = arith.constant 15 : i32
    %eq3A_75 = arith.cmpi eq, %arg1, %eq3A : i32
    %convert_element_type3A_76 = arith.extui %eq3A_75 : i1 to i32
    %cond3A_77 = arith.constant 0 : i32
    %cond3A_78 = arith.cmpi ne, %convert_element_type3A_76, %cond3A_77 : i32
    scf.if %cond3A_78 {
      %add3A_211 = arith.constant 512 : i32
      %add3A_212 = arith.addi %mul3A_23, %add3A_211 : i32
      %dma_start3A_213 = arith.constant 0 : i32
      %dma_start3A_214 = arith.constant 0 : i32
      %dma_start3A_215 = tpu.memref_slice %arg16[%dma_start3A_213, %dma_start3A_214] : memref<128x128xf32, #tpu.memory_space<vmem>> -> memref<8x128xf32, #tpu.memory_space<vmem>>
      %dma_start3A_216 = arith.constant 0 : i32
      %dma_start3A_217 = tpu.memref_slice %arg7[%add3A_212, %dma_start3A_216] : memref<10000x128xf32, #tpu.memory_space<vmem_shared>> -> memref<8x128xf32, #tpu.memory_space<vmem_shared>>
      %dma_start3A_218 = arith.constant 0 : i32
      %dma_start3A_219 = tpu.memref_slice %arg7[%add3A_212, %dma_start3A_218] : memref<10000x128xf32, #tpu.memory_space<vmem_shared>> -> memref<8x128xf32, #tpu.memory_space<vmem_shared>>
      %dma_start3A_220 = arith.constant 0 : i32
      %dma_start3A_221 = arith.constant 0 : i32
      %dma_start3A_222 = tpu.memref_slice %arg16[%dma_start3A_220, %dma_start3A_221] : memref<128x128xf32, #tpu.memory_space<vmem>> -> memref<8x128xf32, #tpu.memory_space<vmem>>
      tpu.enqueue_dma source(%dma_start3A_222 : memref<8x128xf32, #tpu.memory_space<vmem>>) target(%dma_start3A_219 : memref<8x128xf32, #tpu.memory_space<vmem_shared>>) target_semaphore(%arg29 : memref<!tpu.dma_semaphore, #tpu.memory_space<semaphore_mem>>)
    } else {
    }
    %add3A_79 = arith.constant 0 : i32
    %add3A_80 = arith.addi %mul3A_2, %add3A_79 : i32
    %dma_wait3A = tpu.memref_slice %arg3[%add3A_80] : memref<320000xi32, #tpu.memory_space<hbm>> -> memref<128xi32, #tpu.memory_space<hbm>>
    %dma_wait3A_81 = tpu.memref_slice %arg3[%add3A_80] : memref<320000xi32, #tpu.memory_space<hbm>> -> memref<128xi32, #tpu.memory_space<hbm>>
    tpu.wait_dma2 semaphore(%arg17 : memref<!tpu.dma_semaphore, #tpu.memory_space<semaphore_mem>>) src(%dma_wait3A_81 : memref<128xi32, #tpu.memory_space<hbm>>) dst(%arg8 : memref<128xi32, #tpu.memory_space<vmem>>)
    %dma_start3A_82 = arith.constant 0 : i32
    %dma_start3A_83 = arith.constant 0 : i32
    %dma_start3A_84 = tpu.memref_slice %arg2[%dma_start3A_82, %dma_start3A_83] : memref<10000x128xf32, #tpu.memory_space<hbm>> -> memref<10000x128xf32, #tpu.memory_space<hbm>>
    tpu.enqueue_indirect_dma source(%dma_start3A_84 : memref<10000x128xf32, #tpu.memory_space<hbm>>) target(%arg14 : memref<128x128xf32, #tpu.memory_space<vmem>>) offsets(%arg8 : memref<128xi32, #tpu.memory_space<vmem>>) semaphore(%arg23 : memref<!tpu.dma_semaphore, #tpu.memory_space<semaphore_mem>>)
    %add3A_85 = arith.constant 128 : i32
    %add3A_86 = arith.addi %mul3A_2, %add3A_85 : i32
    %dma_wait3A_87 = tpu.memref_slice %arg3[%add3A_86] : memref<320000xi32, #tpu.memory_space<hbm>> -> memref<128xi32, #tpu.memory_space<hbm>>
    %dma_wait3A_88 = tpu.memref_slice %arg3[%add3A_86] : memref<320000xi32, #tpu.memory_space<hbm>> -> memref<128xi32, #tpu.memory_space<hbm>>
    tpu.wait_dma2 semaphore(%arg18 : memref<!tpu.dma_semaphore, #tpu.memory_space<semaphore_mem>>) src(%dma_wait3A_88 : memref<128xi32, #tpu.memory_space<hbm>>) dst(%arg9 : memref<128xi32, #tpu.memory_space<vmem>>)
    %dma_start3A_89 = arith.constant 0 : i32
    %dma_start3A_90 = arith.constant 0 : i32
    %dma_start3A_91 = tpu.memref_slice %arg2[%dma_start3A_89, %dma_start3A_90] : memref<10000x128xf32, #tpu.memory_space<hbm>> -> memref<10000x128xf32, #tpu.memory_space<hbm>>
    tpu.enqueue_indirect_dma source(%dma_start3A_91 : memref<10000x128xf32, #tpu.memory_space<hbm>>) target(%arg15 : memref<128x128xf32, #tpu.memory_space<vmem>>) offsets(%arg9 : memref<128xi32, #tpu.memory_space<vmem>>) semaphore(%arg24 : memref<!tpu.dma_semaphore, #tpu.memory_space<semaphore_mem>>)
    %add3A_92 = arith.constant 0 : i32
    %add3A_93 = arith.addi %mul3A_23, %add3A_92 : i32
    %dma_wait3A_94 = arith.constant 0 : i32
    %dma_wait3A_95 = tpu.memref_slice %arg7[%add3A_93, %dma_wait3A_94] : memref<10000x128xf32, #tpu.memory_space<vmem_shared>> -> memref<128x128xf32, #tpu.memory_space<vmem_shared>>
    %dma_wait3A_96 = arith.constant 0 : i32
    %dma_wait3A_97 = tpu.memref_slice %arg7[%add3A_93, %dma_wait3A_96] : memref<10000x128xf32, #tpu.memory_space<vmem_shared>> -> memref<128x128xf32, #tpu.memory_space<vmem_shared>>
    tpu.wait_dma2 semaphore(%arg29 : memref<!tpu.dma_semaphore, #tpu.memory_space<semaphore_mem>>) src(%arg16 : memref<128x128xf32, #tpu.memory_space<vmem>>) dst(%dma_wait3A_97 : memref<128x128xf32, #tpu.memory_space<vmem_shared>>)
    %add3A_98 = arith.constant 128 : i32
    %add3A_99 = arith.addi %mul3A_23, %add3A_98 : i32
    %dma_wait3A_100 = arith.constant 0 : i32
    %dma_wait3A_101 = tpu.memref_slice %arg7[%add3A_99, %dma_wait3A_100] : memref<10000x128xf32, #tpu.memory_space<vmem_shared>> -> memref<128x128xf32, #tpu.memory_space<vmem_shared>>
    %dma_wait3A_102 = arith.constant 0 : i32
    %dma_wait3A_103 = tpu.memref_slice %arg7[%add3A_99, %dma_wait3A_102] : memref<10000x128xf32, #tpu.memory_space<vmem_shared>> -> memref<128x128xf32, #tpu.memory_space<vmem_shared>>
    tpu.wait_dma2 semaphore(%arg29 : memref<!tpu.dma_semaphore, #tpu.memory_space<semaphore_mem>>) src(%arg16 : memref<128x128xf32, #tpu.memory_space<vmem>>) dst(%dma_wait3A_103 : memref<128x128xf32, #tpu.memory_space<vmem_shared>>)
    %add3A_104 = arith.constant 256 : i32
    %add3A_105 = arith.addi %mul3A_23, %add3A_104 : i32
    %dma_wait3A_106 = arith.constant 0 : i32
    %dma_wait3A_107 = tpu.memref_slice %arg7[%add3A_105, %dma_wait3A_106] : memref<10000x128xf32, #tpu.memory_space<vmem_shared>> -> memref<128x128xf32, #tpu.memory_space<vmem_shared>>
    %dma_wait3A_108 = arith.constant 0 : i32
    %dma_wait3A_109 = tpu.memref_slice %arg7[%add3A_105, %dma_wait3A_108] : memref<10000x128xf32, #tpu.memory_space<vmem_shared>> -> memref<128x128xf32, #tpu.memory_space<vmem_shared>>
    tpu.wait_dma2 semaphore(%arg29 : memref<!tpu.dma_semaphore, #tpu.memory_space<semaphore_mem>>) src(%arg16 : memref<128x128xf32, #tpu.memory_space<vmem>>) dst(%dma_wait3A_109 : memref<128x128xf32, #tpu.memory_space<vmem_shared>>)
    %add3A_110 = arith.constant 384 : i32
    %add3A_111 = arith.addi %mul3A_23, %add3A_110 : i32
    %dma_wait3A_112 = arith.constant 0 : i32
    %dma_wait3A_113 = tpu.memref_slice %arg7[%add3A_111, %dma_wait3A_112] : memref<10000x128xf32, #tpu.memory_space<vmem_shared>> -> memref<128x128xf32, #tpu.memory_space<vmem_shared>>
    %dma_wait3A_114 = arith.constant 0 : i32
    %dma_wait3A_115 = tpu.memref_slice %arg7[%add3A_111, %dma_wait3A_114] : memref<10000x128xf32, #tpu.memory_space<vmem_shared>> -> memref<128x128xf32, #tpu.memory_space<vmem_shared>>
    tpu.wait_dma2 semaphore(%arg29 : memref<!tpu.dma_semaphore, #tpu.memory_space<semaphore_mem>>) src(%arg16 : memref<128x128xf32, #tpu.memory_space<vmem>>) dst(%dma_wait3A_115 : memref<128x128xf32, #tpu.memory_space<vmem_shared>>)
    %lt3A_116 = arith.constant 15 : i32
    %lt3A_117 = arith.cmpi slt, %arg1, %lt3A_116 : i32
    %convert_element_type3A_118 = arith.extui %lt3A_117 : i1 to i32
    %cond3A_119 = arith.constant 0 : i32
    %cond3A_120 = arith.cmpi ne, %convert_element_type3A_118, %cond3A_119 : i32
    scf.if %cond3A_120 {
      %add3A_211 = arith.constant 512 : i32
      %add3A_212 = arith.addi %mul3A_23, %add3A_211 : i32
      %dma_wait3A_213 = arith.constant 0 : i32
      %dma_wait3A_214 = arith.constant 0 : i32
      %dma_wait3A_215 = tpu.memref_slice %arg16[%dma_wait3A_213, %dma_wait3A_214] : memref<128x128xf32, #tpu.memory_space<vmem>> -> memref<120x128xf32, #tpu.memory_space<vmem>>
      %dma_wait3A_216 = arith.constant 0 : i32
      %dma_wait3A_217 = tpu.memref_slice %arg7[%add3A_212, %dma_wait3A_216] : memref<10000x128xf32, #tpu.memory_space<vmem_shared>> -> memref<120x128xf32, #tpu.memory_space<vmem_shared>>
      %dma_wait3A_218 = arith.constant 0 : i32
      %dma_wait3A_219 = tpu.memref_slice %arg7[%add3A_212, %dma_wait3A_218] : memref<10000x128xf32, #tpu.memory_space<vmem_shared>> -> memref<120x128xf32, #tpu.memory_space<vmem_shared>>
      %dma_wait3A_220 = arith.constant 0 : i32
      %dma_wait3A_221 = arith.constant 0 : i32
      %dma_wait3A_222 = tpu.memref_slice %arg16[%dma_wait3A_220, %dma_wait3A_221] : memref<128x128xf32, #tpu.memory_space<vmem>> -> memref<120x128xf32, #tpu.memory_space<vmem>>
      tpu.wait_dma2 semaphore(%arg29 : memref<!tpu.dma_semaphore, #tpu.memory_space<semaphore_mem>>) src(%dma_wait3A_222 : memref<120x128xf32, #tpu.memory_space<vmem>>) dst(%dma_wait3A_219 : memref<120x128xf32, #tpu.memory_space<vmem_shared>>)
    } else {
    }
    %eq3A_121 = arith.constant 15 : i32
    %eq3A_122 = arith.cmpi eq, %arg1, %eq3A_121 : i32
    %convert_element_type3A_123 = arith.extui %eq3A_122 : i1 to i32
    %cond3A_124 = arith.constant 0 : i32
    %cond3A_125 = arith.cmpi ne, %convert_element_type3A_123, %cond3A_124 : i32
    scf.if %cond3A_125 {
      %add3A_211 = arith.constant 512 : i32
      %add3A_212 = arith.addi %mul3A_23, %add3A_211 : i32
      %dma_wait3A_213 = arith.constant 0 : i32
      %dma_wait3A_214 = arith.constant 0 : i32
      %dma_wait3A_215 = tpu.memref_slice %arg16[%dma_wait3A_213, %dma_wait3A_214] : memref<128x128xf32, #tpu.memory_space<vmem>> -> memref<8x128xf32, #tpu.memory_space<vmem>>
      %dma_wait3A_216 = arith.constant 0 : i32
      %dma_wait3A_217 = tpu.memref_slice %arg7[%add3A_212, %dma_wait3A_216] : memref<10000x128xf32, #tpu.memory_space<vmem_shared>> -> memref<8x128xf32, #tpu.memory_space<vmem_shared>>
      %dma_wait3A_218 = arith.constant 0 : i32
      %dma_wait3A_219 = tpu.memref_slice %arg7[%add3A_212, %dma_wait3A_218] : memref<10000x128xf32, #tpu.memory_space<vmem_shared>> -> memref<8x128xf32, #tpu.memory_space<vmem_shared>>
      %dma_wait3A_220 = arith.constant 0 : i32
      %dma_wait3A_221 = arith.constant 0 : i32
      %dma_wait3A_222 = tpu.memref_slice %arg16[%dma_wait3A_220, %dma_wait3A_221] : memref<128x128xf32, #tpu.memory_space<vmem>> -> memref<8x128xf32, #tpu.memory_space<vmem>>
      tpu.wait_dma2 semaphore(%arg29 : memref<!tpu.dma_semaphore, #tpu.memory_space<semaphore_mem>>) src(%dma_wait3A_222 : memref<8x128xf32, #tpu.memory_space<vmem>>) dst(%dma_wait3A_219 : memref<8x128xf32, #tpu.memory_space<vmem_shared>>)
    } else {
    }
    %barrier3A = arith.constant 0 : index
    tpu.barrier barrier_id(%barrier3A)
    %dma_wait3A_126 = arith.constant 0 : i32
    %dma_wait3A_127 = arith.constant 0 : i32
    %dma_wait3A_128 = tpu.memref_slice %arg2[%dma_wait3A_126, %dma_wait3A_127] : memref<10000x128xf32, #tpu.memory_space<hbm>> -> memref<10000x128xf32, #tpu.memory_space<hbm>>
    tpu.wait_indirect_dma semaphore(%arg23 : memref<!tpu.dma_semaphore, #tpu.memory_space<semaphore_mem>>) src(%dma_wait3A_128 : memref<10000x128xf32, #tpu.memory_space<hbm>>) dst(%arg14 : memref<128x128xf32, #tpu.memory_space<vmem>>)
    %add3A_129 = arith.constant 0 : i32
    %add3A_130 = arith.addi %mul3A_2, %add3A_129 : i32
    %dma_wait3A_131 = tpu.memref_slice %arg4[%add3A_130] : memref<320000xi32, #tpu.memory_space<hbm>> -> memref<128xi32, #tpu.memory_space<hbm>>
    %dma_wait3A_132 = tpu.memref_slice %arg4[%add3A_130] : memref<320000xi32, #tpu.memory_space<hbm>> -> memref<128xi32, #tpu.memory_space<hbm>>
    tpu.wait_dma2 semaphore(%arg20 : memref<!tpu.dma_semaphore, #tpu.memory_space<semaphore_mem>>) src(%dma_wait3A_132 : memref<128xi32, #tpu.memory_space<hbm>>) dst(%arg11 : memref<128xi32, #tpu.memory_space<vmem>>)
    %dma_start3A_133 = arith.constant 0 : i32
    %dma_start3A_134 = arith.constant 0 : i32
    %dma_start3A_135 = tpu.memref_slice %arg7[%dma_start3A_133, %dma_start3A_134] : memref<10000x128xf32, #tpu.memory_space<vmem_shared>> -> memref<10000x128xf32, #tpu.memory_space<vmem_shared>>
    tpu.enqueue_indirect_dma source(%arg14 : memref<128x128xf32, #tpu.memory_space<vmem>>) target(%dma_start3A_135 : memref<10000x128xf32, #tpu.memory_space<vmem_shared>>) offsets(%arg11 : memref<128xi32, #tpu.memory_space<vmem>>) semaphore(%arg26 : memref<!tpu.dma_semaphore, #tpu.memory_space<semaphore_mem>>) {add = true}
    %gt3A = arith.constant 3 : i32
    %gt3A_136 = arith.cmpi sgt, %min3A_21, %gt3A : i32
    %convert_element_type3A_137 = arith.extui %gt3A_136 : i1 to i32
    %cond3A_138 = arith.constant 0 : i32
    %cond3A_139 = arith.cmpi ne, %convert_element_type3A_137, %cond3A_138 : i32
    scf.if %cond3A_139 {
      %add3A_211 = arith.constant 384 : i32
      %add3A_212 = arith.addi %mul3A_2, %add3A_211 : i32
      %dma_start3A_213 = tpu.memref_slice %arg3[%add3A_212] : memref<320000xi32, #tpu.memory_space<hbm>> -> memref<128xi32, #tpu.memory_space<hbm>>
      %dma_start3A_214 = tpu.memref_slice %arg3[%add3A_212] : memref<320000xi32, #tpu.memory_space<hbm>> -> memref<128xi32, #tpu.memory_space<hbm>>
      tpu.enqueue_dma source(%dma_start3A_214 : memref<128xi32, #tpu.memory_space<hbm>>) target(%arg8 : memref<128xi32, #tpu.memory_space<vmem>>) target_semaphore(%arg17 : memref<!tpu.dma_semaphore, #tpu.memory_space<semaphore_mem>>)
    } else {
    }
    %gt3A_140 = arith.constant 2 : i32
    %gt3A_141 = arith.cmpi sgt, %min3A_21, %gt3A_140 : i32
    %convert_element_type3A_142 = arith.extui %gt3A_141 : i1 to i32
    %cond3A_143 = arith.constant 0 : i32
    %cond3A_144 = arith.cmpi ne, %convert_element_type3A_142, %cond3A_143 : i32
    scf.if %cond3A_144 {
      %add3A_211 = arith.constant 256 : i32
      %add3A_212 = arith.addi %mul3A_2, %add3A_211 : i32
      %dma_start3A_213 = tpu.memref_slice %arg4[%add3A_212] : memref<320000xi32, #tpu.memory_space<hbm>> -> memref<128xi32, #tpu.memory_space<hbm>>
      %dma_start3A_214 = tpu.memref_slice %arg4[%add3A_212] : memref<320000xi32, #tpu.memory_space<hbm>> -> memref<128xi32, #tpu.memory_space<hbm>>
      tpu.enqueue_dma source(%dma_start3A_214 : memref<128xi32, #tpu.memory_space<hbm>>) target(%arg13 : memref<128xi32, #tpu.memory_space<vmem>>) target_semaphore(%arg22 : memref<!tpu.dma_semaphore, #tpu.memory_space<semaphore_mem>>)
      %add3A_215 = arith.constant 256 : i32
      %add3A_216 = arith.addi %mul3A_2, %add3A_215 : i32
      %dma_wait3A_217 = tpu.memref_slice %arg3[%add3A_216] : memref<320000xi32, #tpu.memory_space<hbm>> -> memref<128xi32, #tpu.memory_space<hbm>>
      %dma_wait3A_218 = tpu.memref_slice %arg3[%add3A_216] : memref<320000xi32, #tpu.memory_space<hbm>> -> memref<128xi32, #tpu.memory_space<hbm>>
      tpu.wait_dma2 semaphore(%arg19 : memref<!tpu.dma_semaphore, #tpu.memory_space<semaphore_mem>>) src(%dma_wait3A_218 : memref<128xi32, #tpu.memory_space<hbm>>) dst(%arg10 : memref<128xi32, #tpu.memory_space<vmem>>)
      %dma_start3A_219 = arith.constant 0 : i32
      %dma_start3A_220 = arith.constant 0 : i32
      %dma_start3A_221 = tpu.memref_slice %arg2[%dma_start3A_219, %dma_start3A_220] : memref<10000x128xf32, #tpu.memory_space<hbm>> -> memref<10000x128xf32, #tpu.memory_space<hbm>>
      tpu.enqueue_indirect_dma source(%dma_start3A_221 : memref<10000x128xf32, #tpu.memory_space<hbm>>) target(%arg16 : memref<128x128xf32, #tpu.memory_space<vmem>>) offsets(%arg10 : memref<128xi32, #tpu.memory_space<vmem>>) semaphore(%arg25 : memref<!tpu.dma_semaphore, #tpu.memory_space<semaphore_mem>>)
    } else {
    }
    %dma_wait3A_145 = arith.constant 0 : i32
    %dma_wait3A_146 = arith.constant 0 : i32
    %dma_wait3A_147 = tpu.memref_slice %arg2[%dma_wait3A_145, %dma_wait3A_146] : memref<10000x128xf32, #tpu.memory_space<hbm>> -> memref<10000x128xf32, #tpu.memory_space<hbm>>
    tpu.wait_indirect_dma semaphore(%arg24 : memref<!tpu.dma_semaphore, #tpu.memory_space<semaphore_mem>>) src(%dma_wait3A_147 : memref<10000x128xf32, #tpu.memory_space<hbm>>) dst(%arg15 : memref<128x128xf32, #tpu.memory_space<vmem>>)
    %add3A_148 = arith.constant 128 : i32
    %add3A_149 = arith.addi %mul3A_2, %add3A_148 : i32
    %dma_wait3A_150 = tpu.memref_slice %arg4[%add3A_149] : memref<320000xi32, #tpu.memory_space<hbm>> -> memref<128xi32, #tpu.memory_space<hbm>>
    %dma_wait3A_151 = tpu.memref_slice %arg4[%add3A_149] : memref<320000xi32, #tpu.memory_space<hbm>> -> memref<128xi32, #tpu.memory_space<hbm>>
    tpu.wait_dma2 semaphore(%arg21 : memref<!tpu.dma_semaphore, #tpu.memory_space<semaphore_mem>>) src(%dma_wait3A_151 : memref<128xi32, #tpu.memory_space<hbm>>) dst(%arg12 : memref<128xi32, #tpu.memory_space<vmem>>)
    %dma_start3A_152 = arith.constant 0 : i32
    %dma_start3A_153 = arith.constant 0 : i32
    %dma_start3A_154 = tpu.memref_slice %arg7[%dma_start3A_152, %dma_start3A_153] : memref<10000x128xf32, #tpu.memory_space<vmem_shared>> -> memref<10000x128xf32, #tpu.memory_space<vmem_shared>>
    tpu.enqueue_indirect_dma source(%arg15 : memref<128x128xf32, #tpu.memory_space<vmem>>) target(%dma_start3A_154 : memref<10000x128xf32, #tpu.memory_space<vmem_shared>>) offsets(%arg12 : memref<128xi32, #tpu.memory_space<vmem>>) semaphore(%arg27 : memref<!tpu.dma_semaphore, #tpu.memory_space<semaphore_mem>>) {add = true}
    %dma_wait3A_155 = arith.constant 0 : i32
    %dma_wait3A_156 = arith.constant 0 : i32
    %dma_wait3A_157 = tpu.memref_slice %arg7[%dma_wait3A_155, %dma_wait3A_156] : memref<10000x128xf32, #tpu.memory_space<vmem_shared>> -> memref<10000x128xf32, #tpu.memory_space<vmem_shared>>
    tpu.wait_indirect_dma semaphore(%arg26 : memref<!tpu.dma_semaphore, #tpu.memory_space<semaphore_mem>>) src(%arg14 : memref<128x128xf32, #tpu.memory_space<vmem>>) dst(%dma_wait3A_157 : memref<10000x128xf32, #tpu.memory_space<vmem_shared>>)
    %gt3A_158 = arith.constant 4 : i32
    %gt3A_159 = arith.cmpi sgt, %min3A_21, %gt3A_158 : i32
    %convert_element_type3A_160 = arith.extui %gt3A_159 : i1 to i32
    %cond3A_161 = arith.constant 0 : i32
    %cond3A_162 = arith.cmpi ne, %convert_element_type3A_160, %cond3A_161 : i32
    scf.if %cond3A_162 {
      %add3A_211 = arith.constant 512 : i32
      %add3A_212 = arith.addi %mul3A_2, %add3A_211 : i32
      %dma_start3A_213 = tpu.memref_slice %arg3[%add3A_212] : memref<320000xi32, #tpu.memory_space<hbm>> -> memref<128xi32, #tpu.memory_space<hbm>>
      %dma_start3A_214 = tpu.memref_slice %arg3[%add3A_212] : memref<320000xi32, #tpu.memory_space<hbm>> -> memref<128xi32, #tpu.memory_space<hbm>>
      tpu.enqueue_dma source(%dma_start3A_214 : memref<128xi32, #tpu.memory_space<hbm>>) target(%arg9 : memref<128xi32, #tpu.memory_space<vmem>>) target_semaphore(%arg18 : memref<!tpu.dma_semaphore, #tpu.memory_space<semaphore_mem>>)
    } else {
    }
    %gt3A_163 = arith.constant 3 : i32
    %gt3A_164 = arith.cmpi sgt, %min3A_21, %gt3A_163 : i32
    %convert_element_type3A_165 = arith.extui %gt3A_164 : i1 to i32
    %cond3A_166 = arith.constant 0 : i32
    %cond3A_167 = arith.cmpi ne, %convert_element_type3A_165, %cond3A_166 : i32
    scf.if %cond3A_167 {
      %add3A_211 = arith.constant 384 : i32
      %add3A_212 = arith.addi %mul3A_2, %add3A_211 : i32
      %dma_start3A_213 = tpu.memref_slice %arg4[%add3A_212] : memref<320000xi32, #tpu.memory_space<hbm>> -> memref<128xi32, #tpu.memory_space<hbm>>
      %dma_start3A_214 = tpu.memref_slice %arg4[%add3A_212] : memref<320000xi32, #tpu.memory_space<hbm>> -> memref<128xi32, #tpu.memory_space<hbm>>
      tpu.enqueue_dma source(%dma_start3A_214 : memref<128xi32, #tpu.memory_space<hbm>>) target(%arg11 : memref<128xi32, #tpu.memory_space<vmem>>) target_semaphore(%arg20 : memref<!tpu.dma_semaphore, #tpu.memory_space<semaphore_mem>>)
      %add3A_215 = arith.constant 384 : i32
      %add3A_216 = arith.addi %mul3A_2, %add3A_215 : i32
      %dma_wait3A_217 = tpu.memref_slice %arg3[%add3A_216] : memref<320000xi32, #tpu.memory_space<hbm>> -> memref<128xi32, #tpu.memory_space<hbm>>
      %dma_wait3A_218 = tpu.memref_slice %arg3[%add3A_216] : memref<320000xi32, #tpu.memory_space<hbm>> -> memref<128xi32, #tpu.memory_space<hbm>>
      tpu.wait_dma2 semaphore(%arg17 : memref<!tpu.dma_semaphore, #tpu.memory_space<semaphore_mem>>) src(%dma_wait3A_218 : memref<128xi32, #tpu.memory_space<hbm>>) dst(%arg8 : memref<128xi32, #tpu.memory_space<vmem>>)
      %dma_start3A_219 = arith.constant 0 : i32
      %dma_start3A_220 = arith.constant 0 : i32
      %dma_start3A_221 = tpu.memref_slice %arg2[%dma_start3A_219, %dma_start3A_220] : memref<10000x128xf32, #tpu.memory_space<hbm>> -> memref<10000x128xf32, #tpu.memory_space<hbm>>
      tpu.enqueue_indirect_dma source(%dma_start3A_221 : memref<10000x128xf32, #tpu.memory_space<hbm>>) target(%arg14 : memref<128x128xf32, #tpu.memory_space<vmem>>) offsets(%arg8 : memref<128xi32, #tpu.memory_space<vmem>>) semaphore(%arg23 : memref<!tpu.dma_semaphore, #tpu.memory_space<semaphore_mem>>)
    } else {
    }
    %dma_wait3A_168 = arith.constant 0 : i32
    %dma_wait3A_169 = arith.constant 0 : i32
    %dma_wait3A_170 = tpu.memref_slice %arg2[%dma_wait3A_168, %dma_wait3A_169] : memref<10000x128xf32, #tpu.memory_space<hbm>> -> memref<10000x128xf32, #tpu.memory_space<hbm>>
    tpu.wait_indirect_dma semaphore(%arg25 : memref<!tpu.dma_semaphore, #tpu.memory_space<semaphore_mem>>) src(%dma_wait3A_170 : memref<10000x128xf32, #tpu.memory_space<hbm>>) dst(%arg16 : memref<128x128xf32, #tpu.memory_space<vmem>>)
    %add3A_171 = arith.constant 256 : i32
    %add3A_172 = arith.addi %mul3A_2, %add3A_171 : i32
    %dma_wait3A_173 = tpu.memref_slice %arg4[%add3A_172] : memref<320000xi32, #tpu.memory_space<hbm>> -> memref<128xi32, #tpu.memory_space<hbm>>
    %dma_wait3A_174 = tpu.memref_slice %arg4[%add3A_172] : memref<320000xi32, #tpu.memory_space<hbm>> -> memref<128xi32, #tpu.memory_space<hbm>>
    tpu.wait_dma2 semaphore(%arg22 : memref<!tpu.dma_semaphore, #tpu.memory_space<semaphore_mem>>) src(%dma_wait3A_174 : memref<128xi32, #tpu.memory_space<hbm>>) dst(%arg13 : memref<128xi32, #tpu.memory_space<vmem>>)
    %dma_start3A_175 = arith.constant 0 : i32
    %dma_start3A_176 = arith.constant 0 : i32
    %dma_start3A_177 = tpu.memref_slice %arg7[%dma_start3A_175, %dma_start3A_176] : memref<10000x128xf32, #tpu.memory_space<vmem_shared>> -> memref<10000x128xf32, #tpu.memory_space<vmem_shared>>
    tpu.enqueue_indirect_dma source(%arg16 : memref<128x128xf32, #tpu.memory_space<vmem>>) target(%dma_start3A_177 : memref<10000x128xf32, #tpu.memory_space<vmem_shared>>) offsets(%arg13 : memref<128xi32, #tpu.memory_space<vmem>>) semaphore(%arg28 : memref<!tpu.dma_semaphore, #tpu.memory_space<semaphore_mem>>) {add = true}
    %dma_wait3A_178 = arith.constant 0 : i32
    %dma_wait3A_179 = arith.constant 0 : i32
    %dma_wait3A_180 = tpu.memref_slice %arg7[%dma_wait3A_178, %dma_wait3A_179] : memref<10000x128xf32, #tpu.memory_space<vmem_shared>> -> memref<10000x128xf32, #tpu.memory_space<vmem_shared>>
    tpu.wait_indirect_dma semaphore(%arg27 : memref<!tpu.dma_semaphore, #tpu.memory_space<semaphore_mem>>) src(%arg15 : memref<128x128xf32, #tpu.memory_space<vmem>>) dst(%dma_wait3A_180 : memref<10000x128xf32, #tpu.memory_space<vmem_shared>>)
    %gt3A_181 = arith.constant 5 : i32
    %gt3A_182 = arith.cmpi sgt, %min3A_21, %gt3A_181 : i32
    %convert_element_type3A_183 = arith.extui %gt3A_182 : i1 to i32
    %cond3A_184 = arith.constant 0 : i32
    %cond3A_185 = arith.cmpi ne, %convert_element_type3A_183, %cond3A_184 : i32
    scf.if %cond3A_185 {
      %add3A_211 = arith.constant 640 : i32
      %add3A_212 = arith.addi %mul3A_2, %add3A_211 : i32
      %dma_start3A_213 = tpu.memref_slice %arg3[%add3A_212] : memref<320000xi32, #tpu.memory_space<hbm>> -> memref<128xi32, #tpu.memory_space<hbm>>
      %dma_start3A_214 = tpu.memref_slice %arg3[%add3A_212] : memref<320000xi32, #tpu.memory_space<hbm>> -> memref<128xi32, #tpu.memory_space<hbm>>
      tpu.enqueue_dma source(%dma_start3A_214 : memref<128xi32, #tpu.memory_space<hbm>>) target(%arg10 : memref<128xi32, #tpu.memory_space<vmem>>) target_semaphore(%arg19 : memref<!tpu.dma_semaphore, #tpu.memory_space<semaphore_mem>>)
    } else {
    }
    %gt3A_186 = arith.constant 4 : i32
    %gt3A_187 = arith.cmpi sgt, %min3A_21, %gt3A_186 : i32
    %convert_element_type3A_188 = arith.extui %gt3A_187 : i1 to i32
    %cond3A_189 = arith.constant 0 : i32
    %cond3A_190 = arith.cmpi ne, %convert_element_type3A_188, %cond3A_189 : i32
    scf.if %cond3A_190 {
      %add3A_211 = arith.constant 512 : i32
      %add3A_212 = arith.addi %mul3A_2, %add3A_211 : i32
      %dma_start3A_213 = tpu.memref_slice %arg4[%add3A_212] : memref<320000xi32, #tpu.memory_space<hbm>> -> memref<128xi32, #tpu.memory_space<hbm>>
      %dma_start3A_214 = tpu.memref_slice %arg4[%add3A_212] : memref<320000xi32, #tpu.memory_space<hbm>> -> memref<128xi32, #tpu.memory_space<hbm>>
      tpu.enqueue_dma source(%dma_start3A_214 : memref<128xi32, #tpu.memory_space<hbm>>) target(%arg12 : memref<128xi32, #tpu.memory_space<vmem>>) target_semaphore(%arg21 : memref<!tpu.dma_semaphore, #tpu.memory_space<semaphore_mem>>)
      %add3A_215 = arith.constant 512 : i32
      %add3A_216 = arith.addi %mul3A_2, %add3A_215 : i32
      %dma_wait3A_217 = tpu.memref_slice %arg3[%add3A_216] : memref<320000xi32, #tpu.memory_space<hbm>> -> memref<128xi32, #tpu.memory_space<hbm>>
      %dma_wait3A_218 = tpu.memref_slice %arg3[%add3A_216] : memref<320000xi32, #tpu.memory_space<hbm>> -> memref<128xi32, #tpu.memory_space<hbm>>
      tpu.wait_dma2 semaphore(%arg18 : memref<!tpu.dma_semaphore, #tpu.memory_space<semaphore_mem>>) src(%dma_wait3A_218 : memref<128xi32, #tpu.memory_space<hbm>>) dst(%arg9 : memref<128xi32, #tpu.memory_space<vmem>>)
      %dma_start3A_219 = arith.constant 0 : i32
      %dma_start3A_220 = arith.constant 0 : i32
      %dma_start3A_221 = tpu.memref_slice %arg2[%dma_start3A_219, %dma_start3A_220] : memref<10000x128xf32, #tpu.memory_space<hbm>> -> memref<10000x128xf32, #tpu.memory_space<hbm>>
      tpu.enqueue_indirect_dma source(%dma_start3A_221 : memref<10000x128xf32, #tpu.memory_space<hbm>>) target(%arg15 : memref<128x128xf32, #tpu.memory_space<vmem>>) offsets(%arg9 : memref<128xi32, #tpu.memory_space<vmem>>) semaphore(%arg24 : memref<!tpu.dma_semaphore, #tpu.memory_space<semaphore_mem>>)
    } else {
    }
    %scan3A_191 = arith.constant 0 : i32
    %scan3A_192 = arith.constant 1 : i32
    %scan3A_193 = arith.constant 26 : i32
    %scan3A_194 = arith.addi %scan3A_192, %scan3A_193 : i32
    %scan3A_195 = arith.constant 1 : i32
    scf.for %scan3A_211 = %scan3A_192 to %scan3A_194 step %scan3A_195  : i32 {
      %mul3A_212 = arith.constant 3 : i32
      %mul3A_213 = arith.muli %scan3A_211, %mul3A_212 : i32
      %add3A_214 = arith.constant 0 : i32
      %add3A_215 = arith.addi %mul3A_213, %add3A_214 : i32
      %lt3A_216 = arith.cmpi slt, %add3A_215, %min3A_21 : i32
      %convert_element_type3A_217 = arith.extui %lt3A_216 : i1 to i32
      %cond3A_218 = arith.constant 0 : i32
      %cond3A_219 = arith.cmpi ne, %convert_element_type3A_217, %cond3A_218 : i32
      scf.if %cond3A_219 {
        %dma_wait3A_236 = arith.constant 0 : i32
        %dma_wait3A_237 = arith.constant 0 : i32
        %dma_wait3A_238 = tpu.memref_slice %arg2[%dma_wait3A_236, %dma_wait3A_237] : memref<10000x128xf32, #tpu.memory_space<hbm>> -> memref<10000x128xf32, #tpu.memory_space<hbm>>
        tpu.wait_indirect_dma semaphore(%arg23 : memref<!tpu.dma_semaphore, #tpu.memory_space<semaphore_mem>>) src(%dma_wait3A_238 : memref<10000x128xf32, #tpu.memory_space<hbm>>) dst(%arg14 : memref<128x128xf32, #tpu.memory_space<vmem>>)
        %mul3A_239 = arith.constant 128 : i32
        %mul3A_240 = arith.muli %add3A_215, %mul3A_239 : i32
        %add3A_241 = arith.addi %mul3A_2, %mul3A_240 : i32
        %dma_wait3A_242 = tpu.memref_slice %arg4[%add3A_241] : memref<320000xi32, #tpu.memory_space<hbm>> -> memref<128xi32, #tpu.memory_space<hbm>>
        %dma_wait3A_243 = tpu.memref_slice %arg4[%add3A_241] : memref<320000xi32, #tpu.memory_space<hbm>> -> memref<128xi32, #tpu.memory_space<hbm>>
        tpu.wait_dma2 semaphore(%arg20 : memref<!tpu.dma_semaphore, #tpu.memory_space<semaphore_mem>>) src(%dma_wait3A_243 : memref<128xi32, #tpu.memory_space<hbm>>) dst(%arg11 : memref<128xi32, #tpu.memory_space<vmem>>)
        %dma_start3A_244 = arith.constant 0 : i32
        %dma_start3A_245 = arith.constant 0 : i32
        %dma_start3A_246 = tpu.memref_slice %arg7[%dma_start3A_244, %dma_start3A_245] : memref<10000x128xf32, #tpu.memory_space<vmem_shared>> -> memref<10000x128xf32, #tpu.memory_space<vmem_shared>>
        tpu.enqueue_indirect_dma source(%arg14 : memref<128x128xf32, #tpu.memory_space<vmem>>) target(%dma_start3A_246 : memref<10000x128xf32, #tpu.memory_space<vmem_shared>>) offsets(%arg11 : memref<128xi32, #tpu.memory_space<vmem>>) semaphore(%arg26 : memref<!tpu.dma_semaphore, #tpu.memory_space<semaphore_mem>>) {add = true}
        %dma_wait3A_247 = arith.constant 0 : i32
        %dma_wait3A_248 = arith.constant 0 : i32
        %dma_wait3A_249 = tpu.memref_slice %arg7[%dma_wait3A_247, %dma_wait3A_248] : memref<10000x128xf32, #tpu.memory_space<vmem_shared>> -> memref<10000x128xf32, #tpu.memory_space<vmem_shared>>
        tpu.wait_indirect_dma semaphore(%arg28 : memref<!tpu.dma_semaphore, #tpu.memory_space<semaphore_mem>>) src(%arg16 : memref<128x128xf32, #tpu.memory_space<vmem>>) dst(%dma_wait3A_249 : memref<10000x128xf32, #tpu.memory_space<vmem_shared>>)
        %add3A_250 = arith.constant 3 : i32
        %add3A_251 = arith.addi %add3A_215, %add3A_250 : i32
        %lt3A_252 = arith.cmpi slt, %add3A_251, %min3A_21 : i32
        %convert_element_type3A_253 = arith.extui %lt3A_252 : i1 to i32
        %cond3A_254 = arith.constant 0 : i32
        %cond3A_255 = arith.cmpi ne, %convert_element_type3A_253, %cond3A_254 : i32
        scf.if %cond3A_255 {
          %add3A_262 = arith.constant 3 : i32
          %add3A_263 = arith.addi %add3A_215, %add3A_262 : i32
          %mul3A_264 = arith.constant 128 : i32
          %mul3A_265 = arith.muli %add3A_263, %mul3A_264 : i32
          %add3A_266 = arith.addi %mul3A_2, %mul3A_265 : i32
          %dma_start3A_267 = tpu.memref_slice %arg3[%add3A_266] : memref<320000xi32, #tpu.memory_space<hbm>> -> memref<128xi32, #tpu.memory_space<hbm>>
          %dma_start3A_268 = tpu.memref_slice %arg3[%add3A_266] : memref<320000xi32, #tpu.memory_space<hbm>> -> memref<128xi32, #tpu.memory_space<hbm>>
          tpu.enqueue_dma source(%dma_start3A_268 : memref<128xi32, #tpu.memory_space<hbm>>) target(%arg8 : memref<128xi32, #tpu.memory_space<vmem>>) target_semaphore(%arg17 : memref<!tpu.dma_semaphore, #tpu.memory_space<semaphore_mem>>)
        } else {
        }
        %add3A_256 = arith.constant 2 : i32
        %add3A_257 = arith.addi %add3A_215, %add3A_256 : i32
        %lt3A_258 = arith.cmpi slt, %add3A_257, %min3A_21 : i32
        %convert_element_type3A_259 = arith.extui %lt3A_258 : i1 to i32
        %cond3A_260 = arith.constant 0 : i32
        %cond3A_261 = arith.cmpi ne, %convert_element_type3A_259, %cond3A_260 : i32
        scf.if %cond3A_261 {
          %add3A_262 = arith.constant 2 : i32
          %add3A_263 = arith.addi %add3A_215, %add3A_262 : i32
          %mul3A_264 = arith.constant 128 : i32
          %mul3A_265 = arith.muli %add3A_263, %mul3A_264 : i32
          %add3A_266 = arith.addi %mul3A_2, %mul3A_265 : i32
          %dma_start3A_267 = tpu.memref_slice %arg4[%add3A_266] : memref<320000xi32, #tpu.memory_space<hbm>> -> memref<128xi32, #tpu.memory_space<hbm>>
          %dma_start3A_268 = tpu.memref_slice %arg4[%add3A_266] : memref<320000xi32, #tpu.memory_space<hbm>> -> memref<128xi32, #tpu.memory_space<hbm>>
          tpu.enqueue_dma source(%dma_start3A_268 : memref<128xi32, #tpu.memory_space<hbm>>) target(%arg13 : memref<128xi32, #tpu.memory_space<vmem>>) target_semaphore(%arg22 : memref<!tpu.dma_semaphore, #tpu.memory_space<semaphore_mem>>)
          %add3A_269 = arith.constant 2 : i32
          %add3A_270 = arith.addi %add3A_215, %add3A_269 : i32
          %mul3A_271 = arith.constant 128 : i32
          %mul3A_272 = arith.muli %add3A_270, %mul3A_271 : i32
          %add3A_273 = arith.addi %mul3A_2, %mul3A_272 : i32
          %dma_wait3A_274 = tpu.memref_slice %arg3[%add3A_273] : memref<320000xi32, #tpu.memory_space<hbm>> -> memref<128xi32, #tpu.memory_space<hbm>>
          %dma_wait3A_275 = tpu.memref_slice %arg3[%add3A_273] : memref<320000xi32, #tpu.memory_space<hbm>> -> memref<128xi32, #tpu.memory_space<hbm>>
          tpu.wait_dma2 semaphore(%arg19 : memref<!tpu.dma_semaphore, #tpu.memory_space<semaphore_mem>>) src(%dma_wait3A_275 : memref<128xi32, #tpu.memory_space<hbm>>) dst(%arg10 : memref<128xi32, #tpu.memory_space<vmem>>)
          %dma_start3A_276 = arith.constant 0 : i32
          %dma_start3A_277 = arith.constant 0 : i32
          %dma_start3A_278 = tpu.memref_slice %arg2[%dma_start3A_276, %dma_start3A_277] : memref<10000x128xf32, #tpu.memory_space<hbm>> -> memref<10000x128xf32, #tpu.memory_space<hbm>>
          tpu.enqueue_indirect_dma source(%dma_start3A_278 : memref<10000x128xf32, #tpu.memory_space<hbm>>) target(%arg16 : memref<128x128xf32, #tpu.memory_space<vmem>>) offsets(%arg10 : memref<128xi32, #tpu.memory_space<vmem>>) semaphore(%arg25 : memref<!tpu.dma_semaphore, #tpu.memory_space<semaphore_mem>>)
        } else {
        }
      } else {
      }
      %mul3A_220 = arith.constant 3 : i32
      %mul3A_221 = arith.muli %scan3A_211, %mul3A_220 : i32
      %add3A_222 = arith.constant 1 : i32
      %add3A_223 = arith.addi %mul3A_221, %add3A_222 : i32
      %lt3A_224 = arith.cmpi slt, %add3A_223, %min3A_21 : i32
      %convert_element_type3A_225 = arith.extui %lt3A_224 : i1 to i32
      %cond3A_226 = arith.constant 0 : i32
      %cond3A_227 = arith.cmpi ne, %convert_element_type3A_225, %cond3A_226 : i32
      scf.if %cond3A_227 {
        %dma_wait3A_236 = arith.constant 0 : i32
        %dma_wait3A_237 = arith.constant 0 : i32
        %dma_wait3A_238 = tpu.memref_slice %arg2[%dma_wait3A_236, %dma_wait3A_237] : memref<10000x128xf32, #tpu.memory_space<hbm>> -> memref<10000x128xf32, #tpu.memory_space<hbm>>
        tpu.wait_indirect_dma semaphore(%arg24 : memref<!tpu.dma_semaphore, #tpu.memory_space<semaphore_mem>>) src(%dma_wait3A_238 : memref<10000x128xf32, #tpu.memory_space<hbm>>) dst(%arg15 : memref<128x128xf32, #tpu.memory_space<vmem>>)
        %mul3A_239 = arith.constant 128 : i32
        %mul3A_240 = arith.muli %add3A_223, %mul3A_239 : i32
        %add3A_241 = arith.addi %mul3A_2, %mul3A_240 : i32
        %dma_wait3A_242 = tpu.memref_slice %arg4[%add3A_241] : memref<320000xi32, #tpu.memory_space<hbm>> -> memref<128xi32, #tpu.memory_space<hbm>>
        %dma_wait3A_243 = tpu.memref_slice %arg4[%add3A_241] : memref<320000xi32, #tpu.memory_space<hbm>> -> memref<128xi32, #tpu.memory_space<hbm>>
        tpu.wait_dma2 semaphore(%arg21 : memref<!tpu.dma_semaphore, #tpu.memory_space<semaphore_mem>>) src(%dma_wait3A_243 : memref<128xi32, #tpu.memory_space<hbm>>) dst(%arg12 : memref<128xi32, #tpu.memory_space<vmem>>)
        %dma_start3A_244 = arith.constant 0 : i32
        %dma_start3A_245 = arith.constant 0 : i32
        %dma_start3A_246 = tpu.memref_slice %arg7[%dma_start3A_244, %dma_start3A_245] : memref<10000x128xf32, #tpu.memory_space<vmem_shared>> -> memref<10000x128xf32, #tpu.memory_space<vmem_shared>>
        tpu.enqueue_indirect_dma source(%arg15 : memref<128x128xf32, #tpu.memory_space<vmem>>) target(%dma_start3A_246 : memref<10000x128xf32, #tpu.memory_space<vmem_shared>>) offsets(%arg12 : memref<128xi32, #tpu.memory_space<vmem>>) semaphore(%arg27 : memref<!tpu.dma_semaphore, #tpu.memory_space<semaphore_mem>>) {add = true}
        %dma_wait3A_247 = arith.constant 0 : i32
        %dma_wait3A_248 = arith.constant 0 : i32
        %dma_wait3A_249 = tpu.memref_slice %arg7[%dma_wait3A_247, %dma_wait3A_248] : memref<10000x128xf32, #tpu.memory_space<vmem_shared>> -> memref<10000x128xf32, #tpu.memory_space<vmem_shared>>
        tpu.wait_indirect_dma semaphore(%arg26 : memref<!tpu.dma_semaphore, #tpu.memory_space<semaphore_mem>>) src(%arg14 : memref<128x128xf32, #tpu.memory_space<vmem>>) dst(%dma_wait3A_249 : memref<10000x128xf32, #tpu.memory_space<vmem_shared>>)
        %add3A_250 = arith.constant 3 : i32
        %add3A_251 = arith.addi %add3A_223, %add3A_250 : i32
        %lt3A_252 = arith.cmpi slt, %add3A_251, %min3A_21 : i32
        %convert_element_type3A_253 = arith.extui %lt3A_252 : i1 to i32
        %cond3A_254 = arith.constant 0 : i32
        %cond3A_255 = arith.cmpi ne, %convert_element_type3A_253, %cond3A_254 : i32
        scf.if %cond3A_255 {
          %add3A_262 = arith.constant 3 : i32
          %add3A_263 = arith.addi %add3A_223, %add3A_262 : i32
          %mul3A_264 = arith.constant 128 : i32
          %mul3A_265 = arith.muli %add3A_263, %mul3A_264 : i32
          %add3A_266 = arith.addi %mul3A_2, %mul3A_265 : i32
          %dma_start3A_267 = tpu.memref_slice %arg3[%add3A_266] : memref<320000xi32, #tpu.memory_space<hbm>> -> memref<128xi32, #tpu.memory_space<hbm>>
          %dma_start3A_268 = tpu.memref_slice %arg3[%add3A_266] : memref<320000xi32, #tpu.memory_space<hbm>> -> memref<128xi32, #tpu.memory_space<hbm>>
          tpu.enqueue_dma source(%dma_start3A_268 : memref<128xi32, #tpu.memory_space<hbm>>) target(%arg9 : memref<128xi32, #tpu.memory_space<vmem>>) target_semaphore(%arg18 : memref<!tpu.dma_semaphore, #tpu.memory_space<semaphore_mem>>)
        } else {
        }
        %add3A_256 = arith.constant 2 : i32
        %add3A_257 = arith.addi %add3A_223, %add3A_256 : i32
        %lt3A_258 = arith.cmpi slt, %add3A_257, %min3A_21 : i32
        %convert_element_type3A_259 = arith.extui %lt3A_258 : i1 to i32
        %cond3A_260 = arith.constant 0 : i32
        %cond3A_261 = arith.cmpi ne, %convert_element_type3A_259, %cond3A_260 : i32
        scf.if %cond3A_261 {
          %add3A_262 = arith.constant 2 : i32
          %add3A_263 = arith.addi %add3A_223, %add3A_262 : i32
          %mul3A_264 = arith.constant 128 : i32
          %mul3A_265 = arith.muli %add3A_263, %mul3A_264 : i32
          %add3A_266 = arith.addi %mul3A_2, %mul3A_265 : i32
          %dma_start3A_267 = tpu.memref_slice %arg4[%add3A_266] : memref<320000xi32, #tpu.memory_space<hbm>> -> memref<128xi32, #tpu.memory_space<hbm>>
          %dma_start3A_268 = tpu.memref_slice %arg4[%add3A_266] : memref<320000xi32, #tpu.memory_space<hbm>> -> memref<128xi32, #tpu.memory_space<hbm>>
          tpu.enqueue_dma source(%dma_start3A_268 : memref<128xi32, #tpu.memory_space<hbm>>) target(%arg11 : memref<128xi32, #tpu.memory_space<vmem>>) target_semaphore(%arg20 : memref<!tpu.dma_semaphore, #tpu.memory_space<semaphore_mem>>)
          %add3A_269 = arith.constant 2 : i32
          %add3A_270 = arith.addi %add3A_223, %add3A_269 : i32
          %mul3A_271 = arith.constant 128 : i32
          %mul3A_272 = arith.muli %add3A_270, %mul3A_271 : i32
          %add3A_273 = arith.addi %mul3A_2, %mul3A_272 : i32
          %dma_wait3A_274 = tpu.memref_slice %arg3[%add3A_273] : memref<320000xi32, #tpu.memory_space<hbm>> -> memref<128xi32, #tpu.memory_space<hbm>>
          %dma_wait3A_275 = tpu.memref_slice %arg3[%add3A_273] : memref<320000xi32, #tpu.memory_space<hbm>> -> memref<128xi32, #tpu.memory_space<hbm>>
          tpu.wait_dma2 semaphore(%arg17 : memref<!tpu.dma_semaphore, #tpu.memory_space<semaphore_mem>>) src(%dma_wait3A_275 : memref<128xi32, #tpu.memory_space<hbm>>) dst(%arg8 : memref<128xi32, #tpu.memory_space<vmem>>)
          %dma_start3A_276 = arith.constant 0 : i32
          %dma_start3A_277 = arith.constant 0 : i32
          %dma_start3A_278 = tpu.memref_slice %arg2[%dma_start3A_276, %dma_start3A_277] : memref<10000x128xf32, #tpu.memory_space<hbm>> -> memref<10000x128xf32, #tpu.memory_space<hbm>>
          tpu.enqueue_indirect_dma source(%dma_start3A_278 : memref<10000x128xf32, #tpu.memory_space<hbm>>) target(%arg14 : memref<128x128xf32, #tpu.memory_space<vmem>>) offsets(%arg8 : memref<128xi32, #tpu.memory_space<vmem>>) semaphore(%arg23 : memref<!tpu.dma_semaphore, #tpu.memory_space<semaphore_mem>>)
        } else {
        }
      } else {
      }
      %mul3A_228 = arith.constant 3 : i32
      %mul3A_229 = arith.muli %scan3A_211, %mul3A_228 : i32
      %add3A_230 = arith.constant 2 : i32
      %add3A_231 = arith.addi %mul3A_229, %add3A_230 : i32
      %lt3A_232 = arith.cmpi slt, %add3A_231, %min3A_21 : i32
      %convert_element_type3A_233 = arith.extui %lt3A_232 : i1 to i32
      %cond3A_234 = arith.constant 0 : i32
      %cond3A_235 = arith.cmpi ne, %convert_element_type3A_233, %cond3A_234 : i32
      scf.if %cond3A_235 {
        %dma_wait3A_236 = arith.constant 0 : i32
        %dma_wait3A_237 = arith.constant 0 : i32
        %dma_wait3A_238 = tpu.memref_slice %arg2[%dma_wait3A_236, %dma_wait3A_237] : memref<10000x128xf32, #tpu.memory_space<hbm>> -> memref<10000x128xf32, #tpu.memory_space<hbm>>
        tpu.wait_indirect_dma semaphore(%arg25 : memref<!tpu.dma_semaphore, #tpu.memory_space<semaphore_mem>>) src(%dma_wait3A_238 : memref<10000x128xf32, #tpu.memory_space<hbm>>) dst(%arg16 : memref<128x128xf32, #tpu.memory_space<vmem>>)
        %mul3A_239 = arith.constant 128 : i32
        %mul3A_240 = arith.muli %add3A_231, %mul3A_239 : i32
        %add3A_241 = arith.addi %mul3A_2, %mul3A_240 : i32
        %dma_wait3A_242 = tpu.memref_slice %arg4[%add3A_241] : memref<320000xi32, #tpu.memory_space<hbm>> -> memref<128xi32, #tpu.memory_space<hbm>>
        %dma_wait3A_243 = tpu.memref_slice %arg4[%add3A_241] : memref<320000xi32, #tpu.memory_space<hbm>> -> memref<128xi32, #tpu.memory_space<hbm>>
        tpu.wait_dma2 semaphore(%arg22 : memref<!tpu.dma_semaphore, #tpu.memory_space<semaphore_mem>>) src(%dma_wait3A_243 : memref<128xi32, #tpu.memory_space<hbm>>) dst(%arg13 : memref<128xi32, #tpu.memory_space<vmem>>)
        %dma_start3A_244 = arith.constant 0 : i32
        %dma_start3A_245 = arith.constant 0 : i32
        %dma_start3A_246 = tpu.memref_slice %arg7[%dma_start3A_244, %dma_start3A_245] : memref<10000x128xf32, #tpu.memory_space<vmem_shared>> -> memref<10000x128xf32, #tpu.memory_space<vmem_shared>>
        tpu.enqueue_indirect_dma source(%arg16 : memref<128x128xf32, #tpu.memory_space<vmem>>) target(%dma_start3A_246 : memref<10000x128xf32, #tpu.memory_space<vmem_shared>>) offsets(%arg13 : memref<128xi32, #tpu.memory_space<vmem>>) semaphore(%arg28 : memref<!tpu.dma_semaphore, #tpu.memory_space<semaphore_mem>>) {add = true}
        %dma_wait3A_247 = arith.constant 0 : i32
        %dma_wait3A_248 = arith.constant 0 : i32
        %dma_wait3A_249 = tpu.memref_slice %arg7[%dma_wait3A_247, %dma_wait3A_248] : memref<10000x128xf32, #tpu.memory_space<vmem_shared>> -> memref<10000x128xf32, #tpu.memory_space<vmem_shared>>
        tpu.wait_indirect_dma semaphore(%arg27 : memref<!tpu.dma_semaphore, #tpu.memory_space<semaphore_mem>>) src(%arg15 : memref<128x128xf32, #tpu.memory_space<vmem>>) dst(%dma_wait3A_249 : memref<10000x128xf32, #tpu.memory_space<vmem_shared>>)
        %add3A_250 = arith.constant 3 : i32
        %add3A_251 = arith.addi %add3A_231, %add3A_250 : i32
        %lt3A_252 = arith.cmpi slt, %add3A_251, %min3A_21 : i32
        %convert_element_type3A_253 = arith.extui %lt3A_252 : i1 to i32
        %cond3A_254 = arith.constant 0 : i32
        %cond3A_255 = arith.cmpi ne, %convert_element_type3A_253, %cond3A_254 : i32
        scf.if %cond3A_255 {
          %add3A_262 = arith.constant 3 : i32
          %add3A_263 = arith.addi %add3A_231, %add3A_262 : i32
          %mul3A_264 = arith.constant 128 : i32
          %mul3A_265 = arith.muli %add3A_263, %mul3A_264 : i32
          %add3A_266 = arith.addi %mul3A_2, %mul3A_265 : i32
          %dma_start3A_267 = tpu.memref_slice %arg3[%add3A_266] : memref<320000xi32, #tpu.memory_space<hbm>> -> memref<128xi32, #tpu.memory_space<hbm>>
          %dma_start3A_268 = tpu.memref_slice %arg3[%add3A_266] : memref<320000xi32, #tpu.memory_space<hbm>> -> memref<128xi32, #tpu.memory_space<hbm>>
          tpu.enqueue_dma source(%dma_start3A_268 : memref<128xi32, #tpu.memory_space<hbm>>) target(%arg10 : memref<128xi32, #tpu.memory_space<vmem>>) target_semaphore(%arg19 : memref<!tpu.dma_semaphore, #tpu.memory_space<semaphore_mem>>)
        } else {
        }
        %add3A_256 = arith.constant 2 : i32
        %add3A_257 = arith.addi %add3A_231, %add3A_256 : i32
        %lt3A_258 = arith.cmpi slt, %add3A_257, %min3A_21 : i32
        %convert_element_type3A_259 = arith.extui %lt3A_258 : i1 to i32
        %cond3A_260 = arith.constant 0 : i32
        %cond3A_261 = arith.cmpi ne, %convert_element_type3A_259, %cond3A_260 : i32
        scf.if %cond3A_261 {
          %add3A_262 = arith.constant 2 : i32
          %add3A_263 = arith.addi %add3A_231, %add3A_262 : i32
          %mul3A_264 = arith.constant 128 : i32
          %mul3A_265 = arith.muli %add3A_263, %mul3A_264 : i32
          %add3A_266 = arith.addi %mul3A_2, %mul3A_265 : i32
          %dma_start3A_267 = tpu.memref_slice %arg4[%add3A_266] : memref<320000xi32, #tpu.memory_space<hbm>> -> memref<128xi32, #tpu.memory_space<hbm>>
          %dma_start3A_268 = tpu.memref_slice %arg4[%add3A_266] : memref<320000xi32, #tpu.memory_space<hbm>> -> memref<128xi32, #tpu.memory_space<hbm>>
          tpu.enqueue_dma source(%dma_start3A_268 : memref<128xi32, #tpu.memory_space<hbm>>) target(%arg12 : memref<128xi32, #tpu.memory_space<vmem>>) target_semaphore(%arg21 : memref<!tpu.dma_semaphore, #tpu.memory_space<semaphore_mem>>)
          %add3A_269 = arith.constant 2 : i32
          %add3A_270 = arith.addi %add3A_231, %add3A_269 : i32
          %mul3A_271 = arith.constant 128 : i32
          %mul3A_272 = arith.muli %add3A_270, %mul3A_271 : i32
          %add3A_273 = arith.addi %mul3A_2, %mul3A_272 : i32
          %dma_wait3A_274 = tpu.memref_slice %arg3[%add3A_273] : memref<320000xi32, #tpu.memory_space<hbm>> -> memref<128xi32, #tpu.memory_space<hbm>>
          %dma_wait3A_275 = tpu.memref_slice %arg3[%add3A_273] : memref<320000xi32, #tpu.memory_space<hbm>> -> memref<128xi32, #tpu.memory_space<hbm>>
          tpu.wait_dma2 semaphore(%arg18 : memref<!tpu.dma_semaphore, #tpu.memory_space<semaphore_mem>>) src(%dma_wait3A_275 : memref<128xi32, #tpu.memory_space<hbm>>) dst(%arg9 : memref<128xi32, #tpu.memory_space<vmem>>)
          %dma_start3A_276 = arith.constant 0 : i32
          %dma_start3A_277 = arith.constant 0 : i32
          %dma_start3A_278 = tpu.memref_slice %arg2[%dma_start3A_276, %dma_start3A_277] : memref<10000x128xf32, #tpu.memory_space<hbm>> -> memref<10000x128xf32, #tpu.memory_space<hbm>>
          tpu.enqueue_indirect_dma source(%dma_start3A_278 : memref<10000x128xf32, #tpu.memory_space<hbm>>) target(%arg15 : memref<128x128xf32, #tpu.memory_space<vmem>>) offsets(%arg9 : memref<128xi32, #tpu.memory_space<vmem>>) semaphore(%arg24 : memref<!tpu.dma_semaphore, #tpu.memory_space<semaphore_mem>>)
        } else {
        }
      } else {
      }
    }
    %scan3A_196 = arith.constant 26 : i32
    %dma_wait3A_197 = arith.constant 0 : i32
    %dma_wait3A_198 = arith.constant 0 : i32
    %dma_wait3A_199 = tpu.memref_slice %arg7[%dma_wait3A_197, %dma_wait3A_198] : memref<10000x128xf32, #tpu.memory_space<vmem_shared>> -> memref<10000x128xf32, #tpu.memory_space<vmem_shared>>
    tpu.wait_indirect_dma semaphore(%arg27 : memref<!tpu.dma_semaphore, #tpu.memory_space<semaphore_mem>>) src(%arg15 : memref<128x128xf32, #tpu.memory_space<vmem>>) dst(%dma_wait3A_199 : memref<10000x128xf32, #tpu.memory_space<vmem_shared>>)
    %barrier3A_200 = arith.constant 0 : index
    tpu.barrier barrier_id(%barrier3A_200)
    %eq3A_201 = arith.constant 0 : i32
    %eq3A_202 = arith.cmpi eq, %arg0, %eq3A_201 : i32
    %convert_element_type3A_203 = arith.extui %eq3A_202 : i1 to i32
    %cond3A_204 = arith.constant 0 : i32
    %cond3A_205 = arith.cmpi ne, %convert_element_type3A_203, %cond3A_204 : i32
    scf.if %cond3A_205 {
      %lt3A_211 = arith.constant 15 : i32
      %lt3A_212 = arith.cmpi slt, %arg1, %lt3A_211 : i32
      %convert_element_type3A_213 = arith.extui %lt3A_212 : i1 to i32
      %cond3A_214 = arith.constant 0 : i32
      %cond3A_215 = arith.cmpi ne, %convert_element_type3A_213, %cond3A_214 : i32
      scf.if %cond3A_215 {
        "tpu.region"() ({
          %run_scoped3A = tpu.sem_alloc : memref<!tpu.dma_semaphore, #tpu.memory_space<semaphore_mem>>
          %dma_start3A_221 = arith.constant 0 : i32
          %dma_start3A_222 = tpu.memref_slice %arg5[%mul3A_23, %dma_start3A_221] : memref<10000x128xf32, #tpu.memory_space<hbm>> -> memref<632x128xf32, #tpu.memory_space<hbm>>
          %dma_start3A_223 = arith.constant 0 : i32
          %dma_start3A_224 = tpu.memref_slice %arg7[%mul3A_23, %dma_start3A_223] : memref<10000x128xf32, #tpu.memory_space<vmem_shared>> -> memref<632x128xf32, #tpu.memory_space<vmem_shared>>
          tpu.enqueue_dma source(%dma_start3A_224 : memref<632x128xf32, #tpu.memory_space<vmem_shared>>) target(%dma_start3A_222 : memref<632x128xf32, #tpu.memory_space<hbm>>) target_semaphore(%run_scoped3A : memref<!tpu.dma_semaphore, #tpu.memory_space<semaphore_mem>>)
          %dma_wait3A_225 = arith.constant 0 : i32
          %dma_wait3A_226 = tpu.memref_slice %arg5[%mul3A_23, %dma_wait3A_225] : memref<10000x128xf32, #tpu.memory_space<hbm>> -> memref<632x128xf32, #tpu.memory_space<hbm>>
          %dma_wait3A_227 = arith.constant 0 : i32
          %dma_wait3A_228 = tpu.memref_slice %arg7[%mul3A_23, %dma_wait3A_227] : memref<10000x128xf32, #tpu.memory_space<vmem_shared>> -> memref<632x128xf32, #tpu.memory_space<vmem_shared>>
          tpu.wait_dma2 semaphore(%run_scoped3A : memref<!tpu.dma_semaphore, #tpu.memory_space<semaphore_mem>>) src(%dma_wait3A_228 : memref<632x128xf32, #tpu.memory_space<vmem_shared>>) dst(%dma_wait3A_226 : memref<632x128xf32, #tpu.memory_space<hbm>>)
          tpu.yield
        }) : () -> ()
      } else {
      }
      %eq3A_216 = arith.constant 15 : i32
      %eq3A_217 = arith.cmpi eq, %arg1, %eq3A_216 : i32
      %convert_element_type3A_218 = arith.extui %eq3A_217 : i1 to i32
      %cond3A_219 = arith.constant 0 : i32
      %cond3A_220 = arith.cmpi ne, %convert_element_type3A_218, %cond3A_219 : i32
      scf.if %cond3A_220 {
        "tpu.region"() ({
          %run_scoped3A = tpu.sem_alloc : memref<!tpu.dma_semaphore, #tpu.memory_space<semaphore_mem>>
          %dma_start3A_221 = arith.constant 0 : i32
          %dma_start3A_222 = tpu.memref_slice %arg5[%mul3A_23, %dma_start3A_221] : memref<10000x128xf32, #tpu.memory_space<hbm>> -> memref<520x128xf32, #tpu.memory_space<hbm>>
          %dma_start3A_223 = arith.constant 0 : i32
          %dma_start3A_224 = tpu.memref_slice %arg7[%mul3A_23, %dma_start3A_223] : memref<10000x128xf32, #tpu.memory_space<vmem_shared>> -> memref<520x128xf32, #tpu.memory_space<vmem_shared>>
          tpu.enqueue_dma source(%dma_start3A_224 : memref<520x128xf32, #tpu.memory_space<vmem_shared>>) target(%dma_start3A_222 : memref<520x128xf32, #tpu.memory_space<hbm>>) target_semaphore(%run_scoped3A : memref<!tpu.dma_semaphore, #tpu.memory_space<semaphore_mem>>)
          %dma_wait3A_225 = arith.constant 0 : i32
          %dma_wait3A_226 = tpu.memref_slice %arg5[%mul3A_23, %dma_wait3A_225] : memref<10000x128xf32, #tpu.memory_space<hbm>> -> memref<520x128xf32, #tpu.memory_space<hbm>>
          %dma_wait3A_227 = arith.constant 0 : i32
          %dma_wait3A_228 = tpu.memref_slice %arg7[%mul3A_23, %dma_wait3A_227] : memref<10000x128xf32, #tpu.memory_space<vmem_shared>> -> memref<520x128xf32, #tpu.memory_space<vmem_shared>>
          tpu.wait_dma2 semaphore(%run_scoped3A : memref<!tpu.dma_semaphore, #tpu.memory_space<semaphore_mem>>) src(%dma_wait3A_228 : memref<520x128xf32, #tpu.memory_space<vmem_shared>>) dst(%dma_wait3A_226 : memref<520x128xf32, #tpu.memory_space<hbm>>)
          tpu.yield
        }) : () -> ()
      } else {
      }
    } else {
    }
    %eq3A_206 = arith.constant 1 : i32
    %eq3A_207 = arith.cmpi eq, %arg0, %eq3A_206 : i32
    %convert_element_type3A_208 = arith.extui %eq3A_207 : i1 to i32
    %cond3A_209 = arith.constant 0 : i32
    %cond3A_210 = arith.cmpi ne, %convert_element_type3A_208, %cond3A_209 : i32
    scf.if %cond3A_210 {
      %lt3A_211 = arith.constant 15 : i32
      %lt3A_212 = arith.cmpi slt, %arg1, %lt3A_211 : i32
      %convert_element_type3A_213 = arith.extui %lt3A_212 : i1 to i32
      %cond3A_214 = arith.constant 0 : i32
      %cond3A_215 = arith.cmpi ne, %convert_element_type3A_213, %cond3A_214 : i32
      scf.if %cond3A_215 {
        "tpu.region"() ({
          %run_scoped3A = tpu.sem_alloc : memref<!tpu.dma_semaphore, #tpu.memory_space<semaphore_mem>>
          %dma_start3A_221 = arith.constant 0 : i32
          %dma_start3A_222 = tpu.memref_slice %arg6[%mul3A_23, %dma_start3A_221] : memref<10000x128xf32, #tpu.memory_space<hbm>> -> memref<632x128xf32, #tpu.memory_space<hbm>>
          %dma_start3A_223 = arith.constant 0 : i32
          %dma_start3A_224 = tpu.memref_slice %arg7[%mul3A_23, %dma_start3A_223] : memref<10000x128xf32, #tpu.memory_space<vmem_shared>> -> memref<632x128xf32, #tpu.memory_space<vmem_shared>>
          tpu.enqueue_dma source(%dma_start3A_224 : memref<632x128xf32, #tpu.memory_space<vmem_shared>>) target(%dma_start3A_222 : memref<632x128xf32, #tpu.memory_space<hbm>>) target_semaphore(%run_scoped3A : memref<!tpu.dma_semaphore, #tpu.memory_space<semaphore_mem>>)
          %dma_wait3A_225 = arith.constant 0 : i32
          %dma_wait3A_226 = tpu.memref_slice %arg6[%mul3A_23, %dma_wait3A_225] : memref<10000x128xf32, #tpu.memory_space<hbm>> -> memref<632x128xf32, #tpu.memory_space<hbm>>
          %dma_wait3A_227 = arith.constant 0 : i32
          %dma_wait3A_228 = tpu.memref_slice %arg7[%mul3A_23, %dma_wait3A_227] : memref<10000x128xf32, #tpu.memory_space<vmem_shared>> -> memref<632x128xf32, #tpu.memory_space<vmem_shared>>
          tpu.wait_dma2 semaphore(%run_scoped3A : memref<!tpu.dma_semaphore, #tpu.memory_space<semaphore_mem>>) src(%dma_wait3A_228 : memref<632x128xf32, #tpu.memory_space<vmem_shared>>) dst(%dma_wait3A_226 : memref<632x128xf32, #tpu.memory_space<hbm>>)
          tpu.yield
        }) : () -> ()
      } else {
      }
      %eq3A_216 = arith.constant 15 : i32
      %eq3A_217 = arith.cmpi eq, %arg1, %eq3A_216 : i32
      %convert_element_type3A_218 = arith.extui %eq3A_217 : i1 to i32
      %cond3A_219 = arith.constant 0 : i32
      %cond3A_220 = arith.cmpi ne, %convert_element_type3A_218, %cond3A_219 : i32
      scf.if %cond3A_220 {
        "tpu.region"() ({
          %run_scoped3A = tpu.sem_alloc : memref<!tpu.dma_semaphore, #tpu.memory_space<semaphore_mem>>
          %dma_start3A_221 = arith.constant 0 : i32
          %dma_start3A_222 = tpu.memref_slice %arg6[%mul3A_23, %dma_start3A_221] : memref<10000x128xf32, #tpu.memory_space<hbm>> -> memref<520x128xf32, #tpu.memory_space<hbm>>
          %dma_start3A_223 = arith.constant 0 : i32
          %dma_start3A_224 = tpu.memref_slice %arg7[%mul3A_23, %dma_start3A_223] : memref<10000x128xf32, #tpu.memory_space<vmem_shared>> -> memref<520x128xf32, #tpu.memory_space<vmem_shared>>
          tpu.enqueue_dma source(%dma_start3A_224 : memref<520x128xf32, #tpu.memory_space<vmem_shared>>) target(%dma_start3A_222 : memref<520x128xf32, #tpu.memory_space<hbm>>) target_semaphore(%run_scoped3A : memref<!tpu.dma_semaphore, #tpu.memory_space<semaphore_mem>>)
          %dma_wait3A_225 = arith.constant 0 : i32
          %dma_wait3A_226 = tpu.memref_slice %arg6[%mul3A_23, %dma_wait3A_225] : memref<10000x128xf32, #tpu.memory_space<hbm>> -> memref<520x128xf32, #tpu.memory_space<hbm>>
          %dma_wait3A_227 = arith.constant 0 : i32
          %dma_wait3A_228 = tpu.memref_slice %arg7[%mul3A_23, %dma_wait3A_227] : memref<10000x128xf32, #tpu.memory_space<vmem_shared>> -> memref<520x128xf32, #tpu.memory_space<vmem_shared>>
          tpu.wait_dma2 semaphore(%run_scoped3A : memref<!tpu.dma_semaphore, #tpu.memory_space<semaphore_mem>>) src(%dma_wait3A_228 : memref<520x128xf32, #tpu.memory_space<vmem_shared>>) dst(%dma_wait3A_226 : memref<520x128xf32, #tpu.memory_space<hbm>>)
          tpu.yield
        }) : () -> ()
      } else {
      }
    } else {
    }
    return
  }
}

module attributes {stable_mosaic.version = 14 : i64} {
  func.func @_combine_mm_body(%arg0: i32, %arg1: memref<2000x128xf32, #tpu.memory_space<vmem>>, %arg2: memref<2000x128xf32, #tpu.memory_space<vmem>>, %arg3: memref<2000x128xf32, #tpu.memory_space<vmem>>, %arg4: memref<128x128xf32, #tpu.memory_space<vmem>>, %arg5: memref<1x128xf32, #tpu.memory_space<vmem>>, %arg6: memref<2000x128xf32, #tpu.memory_space<vmem>>) attributes {dimension_semantics = [#tpu.dimension_semantics<arbitrary>], iteration_bounds = array<i64: 5>, scalar_prefetch = 0 : i64, scratch_operands = 0 : i64, tpu.core_type = #tpu.core_type<tc>, window_params = [{transform_indices = @transform_0, window_bounds = array<i64: 2000, 128>}, {transform_indices = @transform_1, window_bounds = array<i64: 2000, 128>}, {transform_indices = @transform_2, window_bounds = array<i64: 2000, 128>}, {pipeline_mode = #tpu.pipeline_mode<synchronous>, transform_indices = @transform_3, window_bounds = array<i64: 128, 128>}, {pipeline_mode = #tpu.pipeline_mode<synchronous>, transform_indices = @transform_4, window_bounds = array<i64: 1, 128>}, {transform_indices = @transform_5, window_bounds = array<i64: 2000, 128>}]} {
    %get3A = arith.constant 0 : index
    %get3A_0 = arith.constant 0 : index
    %get3A_1 = vector.load %arg1[%get3A, %get3A_0] : memref<2000x128xf32, #tpu.memory_space<vmem>>, vector<2000x128xf32>
    %get3A_2 = arith.constant 0 : index
    %get3A_3 = arith.constant 0 : index
    %get3A_4 = vector.load %arg2[%get3A_2, %get3A_3] : memref<2000x128xf32, #tpu.memory_space<vmem>>, vector<2000x128xf32>
    %add3A = arith.addf %get3A_1, %get3A_4 : vector<2000x128xf32>
    %get3A_5 = arith.constant 0 : index
    %get3A_6 = arith.constant 0 : index
    %get3A_7 = vector.load %arg4[%get3A_5, %get3A_6] : memref<128x128xf32, #tpu.memory_space<vmem>>, vector<128x128xf32>
    %dot_general3A = arith.constant dense<0.000000e+00> : vector<2000x128xf32>
    %dot_general3A_8 = tpu.matmul %add3A, %get3A_7, %dot_general3A {dimension_numbers = #tpu.dot_dimension_numbers<[1], [0], [0], [1], [0, 0, 1, 1], [], []>, transpose_lhs_hint = false} : vector<2000x128xf32>, vector<128x128xf32>, vector<2000x128xf32> -> vector<2000x128xf32>
    %get3A_9 = arith.constant 0 : index
    %get3A_10 = arith.constant 0 : index
    %get3A_11 = vector.load %arg5[%get3A_9, %get3A_10] : memref<1x128xf32, #tpu.memory_space<vmem>>, vector<1x128xf32>
    %add3A_12 = vector.broadcast %get3A_11 : vector<1x128xf32> to vector<2000x128xf32>
    %add3A_13 = arith.addf %dot_general3A_8, %add3A_12 : vector<2000x128xf32>
    %max3A = arith.constant 0.000000e+00 : f32
    %max3A_14 = vector.broadcast %max3A : f32 to vector<2000x128xf32>
    %max3A_15 = arith.maximumf %add3A_13, %max3A_14 : vector<2000x128xf32>
    %get3A_16 = arith.constant 0 : index
    %get3A_17 = arith.constant 0 : index
    %get3A_18 = vector.load %arg3[%get3A_16, %get3A_17] : memref<2000x128xf32, #tpu.memory_space<vmem>>, vector<2000x128xf32>
    %add3A_19 = arith.addf %max3A_15, %get3A_18 : vector<2000x128xf32>
    %swap3A = arith.constant 0 : index
    %swap3A_20 = arith.constant 0 : index
    %swap3A_21 = vector.load %arg6[%swap3A, %swap3A_20] : memref<2000x128xf32, #tpu.memory_space<vmem>>, vector<2000x128xf32>
    tpu.vector_store %arg6[%swap3A, %swap3A_20], %add3A_19 {strides = array<i32>} : memref<2000x128xf32, #tpu.memory_space<vmem>>, vector<2000x128xf32>,
    return
  }
  func.func @transform_0(%arg0: i32) -> (i32, i32) {
    %c0_i32 = arith.constant 0 : i32
    %c0_i32_0 = arith.constant 0 : i32
    return %arg0, %c0_i32 : i32, i32
  }
  func.func @transform_1(%arg0: i32) -> (i32, i32) {
    %c0_i32 = arith.constant 0 : i32
    %c0_i32_0 = arith.constant 0 : i32
    return %arg0, %c0_i32 : i32, i32
  }
  func.func @transform_2(%arg0: i32) -> (i32, i32) {
    %c0_i32 = arith.constant 0 : i32
    %c0_i32_0 = arith.constant 0 : i32
    return %arg0, %c0_i32 : i32, i32
  }
  func.func @transform_3(%arg0: i32) -> (i32, i32) {
    %c0_i32 = arith.constant 0 : i32
    %c0_i32_0 = arith.constant 0 : i32
    %c0_i32_1 = arith.constant 0 : i32
    return %c0_i32, %c0_i32_0 : i32, i32
  }
  func.func @transform_4(%arg0: i32) -> (i32, i32) {
    %c0_i32 = arith.constant 0 : i32
    %c0_i32_0 = arith.constant 0 : i32
    %c0_i32_1 = arith.constant 0 : i32
    return %c0_i32, %c0_i32_0 : i32, i32
  }
  func.func @transform_5(%arg0: i32) -> (i32, i32) {
    %c0_i32 = arith.constant 0 : i32
    %c0_i32_0 = arith.constant 0 : i32
    return %arg0, %c0_i32 : i32, i32
  }
}

module attributes {stable_mosaic.version = 14 : i64} {
  func.func @_combine_mm_body(%arg0: i32, %arg1: memref<2000x128xf32, #tpu.memory_space<vmem>>, %arg2: memref<2000x128xf32, #tpu.memory_space<vmem>>, %arg3: memref<2000x128xf32, #tpu.memory_space<vmem>>, %arg4: memref<128x128xf32, #tpu.memory_space<vmem>>, %arg5: memref<1x128xf32, #tpu.memory_space<vmem>>, %arg6: memref<2000x128xf32, #tpu.memory_space<vmem>>) attributes {dimension_semantics = [#tpu.dimension_semantics<arbitrary>], iteration_bounds = array<i64: 5>, scalar_prefetch = 0 : i64, scratch_operands = 0 : i64, tpu.core_type = #tpu.core_type<tc>, window_params = [{transform_indices = @transform_0, window_bounds = array<i64: 2000, 128>}, {transform_indices = @transform_1, window_bounds = array<i64: 2000, 128>}, {transform_indices = @transform_2, window_bounds = array<i64: 2000, 128>}, {pipeline_mode = #tpu.pipeline_mode<synchronous>, transform_indices = @transform_3, window_bounds = array<i64: 128, 128>}, {pipeline_mode = #tpu.pipeline_mode<synchronous>, transform_indices = @transform_4, window_bounds = array<i64: 1, 128>}, {transform_indices = @transform_5, window_bounds = array<i64: 2000, 128>}]} {
    %get3A = arith.constant 0 : index
    %get3A_0 = arith.constant 0 : index
    %get3A_1 = vector.load %arg1[%get3A, %get3A_0] : memref<2000x128xf32, #tpu.memory_space<vmem>>, vector<2000x128xf32>
    %get3A_2 = arith.constant 0 : index
    %get3A_3 = arith.constant 0 : index
    %get3A_4 = vector.load %arg2[%get3A_2, %get3A_3] : memref<2000x128xf32, #tpu.memory_space<vmem>>, vector<2000x128xf32>
    %add3A = arith.addf %get3A_1, %get3A_4 : vector<2000x128xf32>
    %get3A_5 = arith.constant 0 : index
    %get3A_6 = arith.constant 0 : index
    %get3A_7 = vector.load %arg4[%get3A_5, %get3A_6] : memref<128x128xf32, #tpu.memory_space<vmem>>, vector<128x128xf32>
    %dot_general3A = arith.constant dense<0.000000e+00> : vector<2000x128xf32>
    %dot_general3A_8 = tpu.matmul %add3A, %get3A_7, %dot_general3A {dimension_numbers = #tpu.dot_dimension_numbers<[1], [0], [0], [1], [0, 0, 1, 1], [], []>, transpose_lhs_hint = false} : vector<2000x128xf32>, vector<128x128xf32>, vector<2000x128xf32> -> vector<2000x128xf32>
    %get3A_9 = arith.constant 0 : index
    %get3A_10 = arith.constant 0 : index
    %get3A_11 = vector.load %arg5[%get3A_9, %get3A_10] : memref<1x128xf32, #tpu.memory_space<vmem>>, vector<1x128xf32>
    %add3A_12 = vector.broadcast %get3A_11 : vector<1x128xf32> to vector<2000x128xf32>
    %add3A_13 = arith.addf %dot_general3A_8, %add3A_12 : vector<2000x128xf32>
    %max3A = arith.constant 0.000000e+00 : f32
    %max3A_14 = vector.broadcast %max3A : f32 to vector<2000x128xf32>
    %max3A_15 = arith.maximumf %add3A_13, %max3A_14 : vector<2000x128xf32>
    %get3A_16 = arith.constant 0 : index
    %get3A_17 = arith.constant 0 : index
    %get3A_18 = vector.load %arg3[%get3A_16, %get3A_17] : memref<2000x128xf32, #tpu.memory_space<vmem>>, vector<2000x128xf32>
    %add3A_19 = arith.addf %max3A_15, %get3A_18 : vector<2000x128xf32>
    %swap3A = arith.constant 0 : index
    %swap3A_20 = arith.constant 0 : index
    %swap3A_21 = vector.load %arg6[%swap3A, %swap3A_20] : memref<2000x128xf32, #tpu.memory_space<vmem>>, vector<2000x128xf32>
    tpu.vector_store %arg6[%swap3A, %swap3A_20], %add3A_19 {strides = array<i32>} : memref<2000x128xf32, #tpu.memory_space<vmem>>, vector<2000x128xf32>,
    return
  }
  func.func @transform_0(%arg0: i32) -> (i32, i32) {
    %c0_i32 = arith.constant 0 : i32
    %c0_i32_0 = arith.constant 0 : i32
    return %arg0, %c0_i32 : i32, i32
  }
  func.func @transform_1(%arg0: i32) -> (i32, i32) {
    %c0_i32 = arith.constant 0 : i32
    %c0_i32_0 = arith.constant 0 : i32
    return %arg0, %c0_i32 : i32, i32
  }
  func.func @transform_2(%arg0: i32) -> (i32, i32) {
    %c0_i32 = arith.constant 0 : i32
    %c0_i32_0 = arith.constant 0 : i32
    return %arg0, %c0_i32 : i32, i32
  }
  func.func @transform_3(%arg0: i32) -> (i32, i32) {
    %c0_i32 = arith.constant 0 : i32
    %c0_i32_0 = arith.constant 0 : i32
    %c0_i32_1 = arith.constant 0 : i32
    return %c0_i32, %c0_i32_0 : i32, i32
  }
  func.func @transform_4(%arg0: i32) -> (i32, i32) {
    %c0_i32 = arith.constant 0 : i32
    %c0_i32_0 = arith.constant 0 : i32
    %c0_i32_1 = arith.constant 0 : i32
    return %c0_i32, %c0_i32_0 : i32, i32
  }
  func.func @transform_5(%arg0: i32) -> (i32, i32) {
    %c0_i32 = arith.constant 0 : i32
    %c0_i32_0 = arith.constant 0 : i32
    return %arg0, %c0_i32 : i32, i32
  }
}

</mosaic_0001>

<sc_bundles>
// kernel: kernel.6.cloned.1.call-start
scs
__scs_entry_jumppad:
0x0: {  	(pc) =	sbr.rel $0x88, $3  }
0x1: {  	(tag) =	ssettag $0x0;
	lr =	simm.s32 $0x1  }
0x2: {  	[smem:$0x3F9B] =	sst lr;
	_ =	strace $0xD0000000  }
0x3: {  	_ = 	snop  }
0x4: {  	_ = 	snop  }
0x5: {  	_ = 	snop  }
0x6: {  	_ = 	snop  }
0x7: {  	_ = 	snop  }
__scs_overlays_trampoline_lowered:
0x8: {  	[smem:$0x3FAA] =	sst s0  }
0x9: {  	[smem:$0x3FAB] =	sst s1  }
0xa: {  	[smem:$0x3FAC] =	sst s2  }
0xb: {  	[smem:$0x3FAD] =	sst s3  }
0xc: {  	[smem:$0x3FAE] =	sst s4  }
0xd: {  	[smem:$0x3FAF] =	sst s5  }
0xe: {  	[smem:$0x3FB0] =	sst s6  }
0xf: {  	[smem:$0x3FB1] =	sst s7  }
0x10: {  	[smem:$0x3FB2] =	sst s8  }
0x11: {  	[smem:$0x3FB3] =	sst s9;
	s0 =	simm.s32 @!p0 $0x0  }
0x12: {  	s1 =	sld [smem:$0x3F99];
	s0 =	simm.s32 @p0 $0x1  }
0x13: {  	[smem:$0x3FB4] =	sst s0;
	s0 =	simm.s32 @!p1 $0x0  }
0x14: {  	s2 =	sld [smem:$0x3F98];
	s0 =	simm.s32 @p1 $0x1  }
0x15: {  	[smem:$0x3FB5] =	sst s0;
	s0 =	simm.s32 @!p2 $0x0  }
0x16: {  	s3 =	sld [smem:$0x3FDB];
	s0 =	simm.s32 @p2 $0x1  }
0x17: {  	s4 =	simm.s32 $0x1BF5;
	[smem:$0x3FB7] =	sst s0  }
0x18: {  	s0 =	sld [smem:$0x3F9A];
	_ =	swait.ge [sflag:s4], $0x0  }
0x19: {  	s7 =	sld [smem:$0x3F9B]  }
0x1a: {  	s8 =	sadd.s32 $0xFFFFE003, lr  }
0x1b: {  	s9 =	sadd.s32 $0xFFFFFEF7, lr;
	s5 =	simm.s32 $0xFFFFFFFF;
	p2 =	slt.u32 s8, $0xFFFFF086  }
0x1c: {  	p1 =	slt.u32 s9, $0xF7A;
	s5 =	simm.s32 @!p2 $0x0  }
0x1d: {  	s5 =	simm.s32 @p1 $0x1;
	p0 =	seq.s32 s7, s2  }
0x1e: {  	s7 =	smul.u32 @!p0 $0xF7A, s2;
	p2 =	seq.s32 @!p0 s5, $0x0  }
0x1f: {  	s9 =	smul.u32 $0xF7A, s1;
	s8 =	simm.s32 @!p0 $0x1BF5;
	p2 =	por !p2, p0  }
0x20: {  	[sflag:s8] =	ssyncset.s32 @!p0 $0xFFFFF086;
	s6 =	sadd.s32 @!p0 s3, s7;
	s7 =	simm.s32 @!p0 $0x108  }
0x21: {  	s3 =	sadd.s32 s3, s9;
	s6 =	sadd.s32 @!p0 $0x88, s6;
	s7 =	simm.s32 @p2 $0x1082  }
0x22: {  	[simem:s7], [sflag:s8] =	dma.local @!p0 [hbm:s6], $0xF7A  }
0x23: {  	s9 =	sor.u32 $0xD0000000, s2;
	s6 =	simm.s32 $0x108;
	_ =	swait.ge @!p0 [sflag:s8], $0x0  }
0x24: {  	s3 =	sadd.s32 $0x88, s3;
	s6 =	simm.s32 @!p1 $0x1082;
	[sflag:s4] =	ssyncset.s32 $0xFFFFF086  }
0x25: {  	[simem:s6], [sflag:s4] =	dma.local [hbm:s3], $0xF7A  }
0x26: {  	[smem:$0x3F9B] =	sst s1;
	(tag) =	ssettag s2;
	_ =	strace s9  }
0x27: {  	s1 =	sld [smem:$0x3FAB]  }
0x28: {  	s2 =	sld [smem:$0x3FAC]  }
0x29: {  	s4 =	sld [smem:$0x3FAE]  }
0x2a: {  	p0 =	seq.s32 s5, $0x0;
	s5 =	sld [smem:$0x3FAF]  }
0x2b: {  	s6 =	sld [smem:$0x3FB0]  }
0x2c: {  	s7 =	sld [smem:$0x3FB1]  }
0x2d: {  	s3 =	simm.s32 $0x108;
	s8 =	sld [smem:$0x3FB2]  }
0x2e: {  	s3 =	simm.s32 @!p0 $0x1082;
	s9 =	sld [smem:$0x3FB3]  }
0x2f: {  	lr =	sadd.s32 s0, s3;
	s0 =	sld [smem:$0x3FAA]  }
0x30: {  	s3 =	sld [smem:$0x3FAD]  }
0x31: {  	[smem:$0x3FB6] =	sst s10  }
0x32: {  	s10 =	sld [smem:$0x3FB4];
	_ =	sdelay $0x3  }
0x33: {  	p0 =	seq.s32 s10, $0x1;
	s10 =	sld [smem:$0x3FB6];
	_ =	sdelay $0x3  }
0x34: {  	[smem:$0x3FB6] =	sst s10  }
0x35: {  	s10 =	sld [smem:$0x3FB5];
	_ =	sdelay $0x3  }
0x36: {  	p1 =	seq.s32 s10, $0x1;
	s10 =	sld [smem:$0x3FB6];
	_ =	sdelay $0x3  }
0x37: {  	[smem:$0x3FB6] =	sst s10  }
0x38: {  	s10 =	sld [smem:$0x3FB7]  }
0x39: {  	_ = 	snop;
	(pc) =	sbr.ind lr, $3  }
0x3a: {  	_ = 	snop  }
0x3b: {  	_ = 	snop  }
0x3c: {  	p2 =	seq.s32 s10, $0x1;
	s10 =	sld [smem:$0x3FB6]  }
0x3d: {  	_ =	shalt  }
0x3e: {  	_ =	shalt  }
0x3f: {  	_ =	shalt  }
0x40: {  	_ =	shalt  }
0x41: {  	_ =	shalt  }
0x42: {  	_ =	shalt  }
0x43: {  	_ =	shalt  }
0x44: {  	_ =	shalt  }
0x45: {  	_ =	shalt  }
0x46: {  	_ =	shalt  }
0x47: {  	_ =	shalt  }
0x48: {  	_ =	shalt  }
0x49: {  	_ =	shalt  }
0x4a: {  	_ =	shalt  }
0x4b: {  	_ =	shalt  }
0x4c: {  	_ =	shalt  }
0x4d: {  	_ =	shalt  }
0x4e: {  	_ =	shalt  }
0x4f: {  	_ =	shalt  }
0x50: {  	_ =	shalt  }
0x51: {  	_ =	shalt  }
0x52: {  	_ =	shalt  }
0x53: {  	_ =	shalt  }
0x54: {  	_ =	shalt  }
0x55: {  	_ =	shalt  }
0x56: {  	_ =	shalt  }
0x57: {  	_ =	shalt  }
0x58: {  	_ =	shalt  }
0x59: {  	_ =	shalt  }
0x5a: {  	_ =	shalt  }
0x5b: {  	_ =	shalt  }
0x5c: {  	_ =	shalt  }
0x5d: {  	_ =	shalt  }
0x5e: {  	_ =	shalt  }
0x5f: {  	_ =	shalt  }
0x60: {  	_ =	shalt  }
0x61: {  	_ =	shalt  }
0x62: {  	_ =	shalt  }
0x63: {  	_ =	shalt  }
0x64: {  	_ =	shalt  }
0x65: {  	_ =	shalt  }
0x66: {  	_ =	shalt  }
0x67: {  	_ =	shalt  }
0x68: {  	_ =	shalt  }
0x69: {  	_ =	shalt  }
0x6a: {  	_ =	shalt  }
0x6b: {  	_ =	shalt  }
0x6c: {  	_ =	shalt  }
0x6d: {  	_ =	shalt  }
0x6e: {  	_ =	shalt  }
0x6f: {  	_ =	shalt  }
0x70: {  	_ =	shalt  }
0x71: {  	_ =	shalt  }
0x72: {  	_ =	shalt  }
0x73: {  	_ =	shalt  }
0x74: {  	_ =	shalt  }
0x75: {  	_ =	shalt  }
0x76: {  	_ =	shalt  }
0x77: {  	_ =	shalt  }
0x78: {  	_ =	shalt  }
0x79: {  	_ =	shalt  }
0x7a: {  	_ =	shalt  }
0x7b: {  	_ =	shalt  }
0x7c: {  	_ =	shalt  }
0x7d: {  	_ =	shalt  }
0x7e: {  	_ =	shalt  }
0x7f: {  	_ =	shalt  }
0x80: {  	_ =	shalt  }
0x81: {  	_ =	shalt  }
0x82: {  	_ =	shalt  }
0x83: {  	_ =	shalt  }
0x84: {  	_ =	shalt  }
0x85: {  	_ =	shalt  }
0x86: {  	_ =	shalt  }
0x87: {  	_ =	shalt  }
.Lfunc_end0:
.L_simem_size_0:
called_computation_lowered:
.L_overlay_start_0:
0x88: {  	s2 =	sld [smem:$0x3FD9]  }
0x89: {  	s3 =	sld [smem:$0x3FFE];
	_ =	sdelay $0x1  }
0x8a: {  	s1 =	srdreg.scid  }
0x8b: {  	s0 =	sand.u32 $0x1, s1  }
0x8c: {  	s17 =	sshll.u32 s0, $0xA;
	s2 =	sadd.s32 s3, s2  }
0x8d: {  	s2 =	sadd.s32 s2, s17  }
0x8e: {  	[smem:$0x3FC2] =	sst s2  }
0x8f: {  	_ = 	snop  }
0x90: {  	s2 =	sld [smem:$0x3FC9]  }
0x91: {  	s18 =	sld [smem:$0x3FD0];
	(tm) =	ssettm $0x1  }
0x92: {  	s4 =	sld [smem:$0x3FFB];
	_ =	sdelay $0x3  }
0x93: {  	_ =	strace s4  }
0x94: {  	s4 =	sld [smem:$0x3FFC];
	_ =	sdelay $0x3  }
0x95: {  	_ =	strace s4  }
0x96: {  	s4 =	sld [smem:$0x3FFD];
	_ =	sdelay $0x3  }
0x97: {  	_ =	strace s4  }
0x98: {  	_ =	strace $0x8FFFFFFF  }
0x99: {  	s19 =	sld [smem:$0x3FDB];
	_ =	sdelay $0x1  }
0x9a: {  	s5 =	simm.s32 $_scs_section_size  }
0x9b: {  	s6 =	simm.s32 $_size__tile_overlayer_lowered;
	s7 =	simm.s32 $_tile_overlayer_lowered  }
0x9c: {  	s22 =	simm.s32 $0x1BFF;
	s21 =	sshll.u32 s7, $0x1;
	s4 =	sadd.s32 s5, s19  }
0x9d: {  	s8 =	simm.s32 $0x0;
	s20 =	sshll.u32 s6, $0x1;
	s6 =	sadd.s32 s21, s4  }
0x9e: {  	[timem:s8], [sflag:s22] =	dma.local [hbm:s6], s20  }
0x9f: {  	_ =	swait.ge [sflag:s22], s20  }
0xa0: {  	s5 =	ssub.s32 $0x0, s20;
	[sflag:s22] =	ssyncset.done $0x0  }
0xa1: {  	[sflag:s22] =	ssyncadd.s32 s5;
	_ =	sdelay $0x1  }
0xa2: {  	s23 =	simm.s32 $0x1B8B  }
0xa3: {  	_ =	swait.ge [sflag:s23], $0x1  }
0xa4: {  	[sflag:s23] =	ssyncset.done $0x0  }
0xa5: {  	s25 =	simm.s32 $0x1B8E;
	s24 =	sld [smem:$0x3FFE];
	[sflag:s23] =	ssyncadd.s32 $0xFFFFFFFF  }
0xa6: {  	s26 =	simm.s32 $execute0_lowered;
	[smem:$0x3FD2] =	sst s25  }
0xa7: {  	s6 =	sshll.u32 s26, $0x1;
	_ =	strace $0x80000046;
	[dreg:$0x1] =	wrdreg $0xFFFFFFFF  }
0xa8: {  	s28 =	simm.s32 $_size_execute0_lowered;
	s4 =	sadd.s32 s4, s6;
	[dreg:$0x0] =	wrdreg $0x0  }
0xa9: {  	s6 =	sshll.u32 s28, $0x1;
	[dreg:$0x2] =	wrdreg s4  }
0xaa: {  	[dreg:$0x3] =	wrdreg s6  }
0xab: {  	[dreg:$0x4] =	wrdreg $0xC0  }
0xac: {  	_ =	task [dreg:s8], $0x5FFFF  }
0xad: {  	[dreg:$0x1] =	wrdreg $0xFFFFFFFF  }
0xae: {  	[dreg:$0x0] =	wrdreg $0x60  }
0xaf: {  	[dreg:$0x2] =	wrdreg s2  }
0xb0: {  	[dreg:$0x3] =	wrdreg s24  }
0xb1: {  	[dreg:$0x4] =	wrdreg s18  }
0xb2: {  	[dreg:$0x5] =	wrdreg $0x0  }
0xb3: {  	[dreg:$0x6] =	wrdreg $0x9  }
0xb4: {  	_ =	task.clear_ibuf [dreg:s8], $0x7FFFF;
	_ =	strace $0x90000046  }
0xb5: {  	s29 =	simm.s32 $0x9;
	_ =	strace $0x80000048  }
0xb6: {  	_ =	swait.ge [sflag:s29], $0x1  }
0xb7: {  	[sflag:s29] =	ssyncadd.s32 $0xFFFFFFFF  }
0xb8: {  	_ =	strace $0x90000048  }
0xb9: {  	_ =	sfence  }
0xba: {  	s30 =	sld [smem:$0x0];
	_ =	sdelay $0x2  }
0xbb: {  	s31 =	sshll.u32 s1, $0xD;
	s1 =	sshrl.u32 s1, $0x2  }
0xbc: {  	s3 =	sand.u32 $0x4000, s31;
	s1 =	sadd.s32 s1, s30  }
0xbd: {  	s0 =	sor.u32 s3, s0;
	s1 =	sshll.u32 s1, $0x11  }
0xbe: {  	s0 =	sor.u32 s1, s0  }
0xbf: {  	s0 =	sadd.s32 $0x8F2B, s0  }
0xc0: {  	[sflag:s0] =	ssyncadd.remote.s32 $0x1  }
0xc1: {  	_ =	sfence.sel $0xFFFF  }
0xc2: {  	[dreg:$0x0] =	wrdreg $0xFFFFFFFF;
	(pc) =	sbr.abs _section_cstart, $3  }
0xc3: {  	[dreg:$0x1] =	wrdreg $0xFFFFFFFF  }
0xc4: {  	_ =	task.clear_ibuf [dreg:s8], $0x2FFFF;
	_ =	strace $0x9FFFFFFF  }
0xc5: {  	(tm) =	ssettm $0x7FFFFFFF  }
tec
execute0_lowered:
.L_overlay_start_1:
0x0: {  	(tag) =	ssettag $0x1  }
0x1: {  	s1 =	rddreg [dreg:$0x0]  }
0x2: {  	s0 =	rddreg [dreg:$0x1]  }
0x3: {  	s2 =	rddreg [dreg:$0x2]  }
0x4: {  	s3 =	rddreg [dreg:$0x3]  }
0x5: {  	s18 =	stileid.u32;
	s5 =	srdreg.scid;
	s4 =	simm.s32 $0x0  }
0x6: {  	s31 =	simm.s32 $0xB;
	s5 =	sand.u32 $0x1, s5;
	s9 =	smul.u32 $0x2780, s18  }
0x7: {  	s6 =	sshll.u32 s18, $0x1;
	[smem:$0x7FF] =	sst s4;
	s17 =	smul.u32 $0x4F000, s18  }
0x8: {  	s19 =	sadd.s32 $0xC200, s0;
	s8 =	sadd.s32 $0x2400, s0;
	s22 =	smul.u32 $0x5000, s18  }
0x9: {  	p0 =	seq.s32 s18, $0xF;
	s6 =	sor.u32 s5, s6;
	_ =	strace $0x80000047  }
0xa: {  	s7 =	ssub.s32 $0x2, s5;
	p1 =	seq.s32 s5, $0x1;
	s6 =	smul.u32 $0x2800, s6  }
0xb: {  	s10 =	sadd.s32 s9, s0;
	s0 =	sadd.s32 $0x3B080, s0;
	p2 =	seq.s32 @p1 s18, $0xF  }
0xc: {  	p3 =	por !p2, !p1;
	s12 =	ssub.s32 $0x4E200, s6;
	s6 =	sshrl.u32 s6, $0x3  }
0xd: {  	[dreg:$0x14] =	wrdreg s0;
	s0 =	simm.s32 @!p3 $0x0;
	s21 =	sadd.s32 s8, s6  }
0xe: {  	s11 =	sshrl.u32 s7, $0x1;
	s0 =	simm.s32 @p3 $0x1;
	[dreg:$0xa] =	wrdreg s21  }
0xf: {  	s20 =	sadd.s32 s19, s6;
	s30 =	sor.u32 $0x10, s6;
	[smem:$0x7FB] =	sst s0  }
0x10: {  	s14 =	sor.u32 $0x20, s6;
	s13 =	sadd.s32 s19, s30;
	[dreg:$0x7] =	wrdreg s20  }
0x11: {  	s29 =	sshrl.u32 s12, $0x7;
	s15 =	sadd.s32 s19, s14;
	[dreg:$0x8] =	wrdreg s13  }
0x12: {  	s16 =	sor.u32 $0x30, s6;
	s12 =	sadd.s32 s8, s30;
	[dreg:$0x9] =	wrdreg s15  }
0x13: {  	s11 =	ssub.s32 s7, s11;
	s23 =	sadd.s32 s19, s16;
	[dreg:$0xb] =	wrdreg s12  }
0x14: {  	s6 =	sor.u32 $0x40, s6;
	s24 =	sadd.s32 s8, s14;
	[dreg:$0xc] =	wrdreg s23  }
0x15: {  	p2 =	por p2, !p1;
	s26 =	sadd.s32 s19, s6;
	[dreg:$0xd] =	wrdreg s24  }
0x16: {  	s7 =	smin.u32 s29, $0x50;
	s29 =	sadd.s32 s8, s16;
	[dreg:$0xe] =	wrdreg s26  }
0x17: {  	s6 =	sadd.s32 s8, s6;
	s30 =	sadd.s32 s2, s9;
	[dreg:$0xf] =	wrdreg s29  }
0x18: {  	s2 =	sadd.s32 $0x25080, s2;
	s14 =	sadd.s32 $0x16000, s10;
	[dreg:$0x10] =	wrdreg s6  }
0x19: {  	s0 =	simm.s32 @!p2 $0x0;
	s10 =	simm.s32 $0x13900;
	[dreg:$0x11] =	wrdreg s30  }
0x1a: {  	s13 =	sshrl.u32 s17, $0x2;
	s17 =	smul.u32 $0x2800, s5;
	[dreg:$0x12] =	wrdreg s2  }
0x1b: {  	[dreg:$0x13] =	wrdreg s14;
	s0 =	simm.s32 @p2 $0x1;
	p2 =	seq.s32 @!p1 s18, $0xF  }
0x1c: {  	s29 =	sadd.s32 $0x138400, s3;
	s30 =	sadd.s32 $0x50, s20;
	s12 =	simm.s32 $0x13A00  }
0x1d: {  	s14 =	simm.s32 $0x13A80;
	s18 =	simm.s32 $0x2;
	[smem:$0x7FC] =	sst s0  }
0x1e: {  	s20 =	simm.s32 $0xD;
	s13 =	sadd.s32 s13, s3;
	[dreg:$0x1a] =	wrdreg s29  }
0x1f: {  	p3 =	por !p2, p1;
	p4 =	por p2, p1;
	[dreg:$0x1b] =	wrdreg s30  }
0x20: {  	s25 =	sadd.s32 s17, s22;
	s17 =	smax.u32 s11, $0x1;
	s0 =	simm.s32 @!p3 $0x0  }
0x21: {  	s22 =	sadd.s32 $0x4000, s13;
	s23 =	sadd.s32 $0x8000, s13;
	s26 =	sadd.s32 $0xC000, s13  }
0x22: {  	s11 =	simm.s32 $0x13980;
	s28 =	sor.u32 $0x280, s25;
	[dreg:$0x15] =	wrdreg s17  }
0x23: {  	s9 =	sor.u32 $0x400, s25;
	s16 =	sor.u32 $0x300, s25;
	[dreg:$0x16] =	wrdreg s22  }
0x24: {  	s21 =	sor.u32 $0x380, s25;
	s0 =	simm.s32 @p3 $0x1;
	[dreg:$0x17] =	wrdreg s23  }
0x25: {  	[dreg:$0x18] =	wrdreg s26;
	s17 =	simm.s32 $0x80;
	s5 =	sshrl.u32 s28, $0x3  }
0x26: {  	s15 =	sshrl.u32 s9, $0x3;
	s24 =	sshrl.u32 s16, $0x3;
	[smem:$0x7FD] =	sst s0  }
0x27: {  	s25 =	sshrl.u32 s21, $0x3;
	s28 =	sadd.s32 $0x10000, s13;
	[dreg:$0x5] =	wrdreg s5  }
0x28: {  	s9 =	simm.s32 $0x13880;
	s16 =	simm.s32 $0x1;
	[dreg:$0x6] =	wrdreg s15  }
0x29: {  	v0 =	vimm.f32 $0.0e+00;
	s0 =	simm.s32 $0x0;
	[dreg:$0x19] =	wrdreg s28;
	s15 =	simm.s32 $0x1BB80  }
.LBB2_1:
0x2a: {  	s2 =	rddreg [dreg:$0x7]  }
0x2b: {  	[tilespmem:s9], [sflag:$0x1] =	stream.linear.gather [hbm4b:s2+s4], $0x80, $0x38;
	[tilespmem:$0x1FB80] =	vst v63  }
0x2c: {  	s26 =	rddreg [dreg:$0x8]  }
0x2d: {  	[tilespmem:s10], [sflag:$0x2] =	stream.linear.gather [hbm4b:s26+s4], $0x80, $0x38;
	[tilespmem:$0x1FB80] =	vst v63  }
0x2e: {  	s28 =	rddreg [dreg:$0x9]  }
0x2f: {  	[tilespmem:s11], [sflag:$0x3] =	stream.linear.gather [hbm4b:s28+s4], $0x80, $0x38;
	[tilespmem:$0x1FB80] =	vst v63  }
0x30: {  	s29 =	rddreg [dreg:$0xa]  }
0x31: {  	[tilespmem:s12], [sflag:$0x4] =	stream.linear.gather [hbm4b:s29+s4], $0x80, $0x38;
	[tilespmem:$0x1FB80] =	vst v63  }
0x32: {  	s30 =	rddreg [dreg:$0xb];
	s5 =	simm.s32 $0x0;
	s2 =	simm.s32 $0x200  }
0x33: {  	[tilespmem:s14], [sflag:$0x5] =	stream.linear.gather [hbm4b:s30+s4], $0x80, $0x38;
	[tilespmem:$0x1FB80] =	vst v63  }
.LBB2_2:
0x34: {  	p1 =	sne.s32 s2, $0xFE00;
	[tilespmem:s5+$0x1BBF0] =	vst v0  }
0x35: {  	[tilespmem:s5+$0x1BB80] =	vst v0  }
0x36: {  	[tilespmem:s5+$0x1BB90] =	vst v0  }
.Ltmp0:
0x37: {  	[tilespmem:s5+$0x1BBA0] =	vst v0;
	(pc) =	sbr.rel @p1 .LBB2_2-.Ltmp0, $4  }
0x38: {  	[tilespmem:s5+$0x1BBB0] =	vst v0  }
0x39: {  	[tilespmem:s5+$0x1BBC0] =	vst v0  }
0x3a: {  	[tilespmem:s5+$0x1BBD0] =	vst v0  }
0x3b: {  	[tilespmem:s5+$0x1BBE0] =	vst v0;
	s5 =	sshra.s32 s2, $0x2;
	s2 =	sadd.s32 $0x200, s2  }
0x3c: {  	[tilespmem:s5+$0x1BBF0] =	vst v0  }
0x3d: {  	[tilespmem:s5+$0x1BB80] =	vst v0  }
0x3e: {  	[tilespmem:s5+$0x1BB90] =	vst v0  }
0x3f: {  	[tilespmem:s5+$0x1BBA0] =	vst v0  }
0x40: {  	[tilespmem:s5+$0x1BBB0] =	vst v0  }
0x41: {  	[tilespmem:s5+$0x1BBC0] =	vst v0  }
0x42: {  	[tilespmem:s5+$0x1BBD0] =	vst v0  }
0x43: {  	[tilespmem:s5+$0x1BBE0] =	vst v0  }
0x44: {  	[spmem:s13] =	stream.linear.scatter [tilespmem:s15], [sflag:$0xD], $0x4000, $0x38;
	[tilespmem:$0x1FB80] =	vst v63  }
0x45: {  	s2 =	rddreg [dreg:$0x16]  }
0x46: {  	[spmem:s2] =	stream.linear.scatter [tilespmem:s15], [sflag:$0xD], $0x4000, $0x38;
	[tilespmem:$0x1FB80] =	vst v63  }
0x47: {  	s21 =	rddreg [dreg:$0x17]  }
0x48: {  	[spmem:s21] =	stream.linear.scatter [tilespmem:s15], [sflag:$0xD], $0x4000, $0x38;
	[tilespmem:$0x1FB80] =	vst v63  }
0x49: {  	s22 =	rddreg [dreg:$0x18]  }
0x4a: {  	[spmem:s22] =	stream.linear.scatter [tilespmem:s15], [sflag:$0xD], $0x4000, $0x38;
	[tilespmem:$0x1FB80] =	vst v63  }
0x4b: {  	s5 =	rddreg [dreg:$0x1a];
	s2 =	simm.s32 @p0 $0x1BB80  }
0x4c: {  	[spmem:s5] =	stream.linear.scatter @p0 [tilespmem:s2], [sflag:$0xD], $0x400, $0x38;
	[tilespmem:$0x1FB80] =	vst v63  }
0x4d: {  	s2 =	simm.s32 @!p0 $0x1BB80;
	s5 =	rddreg [dreg:$0x19]  }
0x4e: {  	[spmem:s5] =	stream.linear.scatter @!p0 [tilespmem:s2], [sflag:$0xD], $0x3C00, $0x38;
	[tilespmem:$0x1FB80] =	vst v63  }
0x4f: {  	_ =	swait.ge [sflag:s16], $0x80  }
0x50: {  	[sflag:s16] =	ssyncset.done $0x0  }
0x51: {  	s5 =	simm.s32 $0x13B80;
	[sflag:s16] =	ssyncadd.s32 $0xFFFFFF80  }
0x52: {  	[tilespmem:s5], [sflag:$0x7] =	stream.indirect.gather [hbm4b:s1+s17], $0x80, s9, s17, $0xb8;
	[tilespmem:$0x1FB80] =	vst v63  }
0x53: {  	_ =	swait.ge [sflag:s18], $0x80  }
0x54: {  	[sflag:s18] =	ssyncset.done $0x0  }
0x55: {  	s6 =	simm.s32 $0x17B80;
	[sflag:s18] =	ssyncadd.s32 $0xFFFFFF80  }
0x56: {  	[tilespmem:s6], [sflag:$0x8] =	stream.indirect.gather [hbm4b:s1+s17], $0x80, s10, s17, $0xb8;
	[tilespmem:$0x1FB80] =	vst v63  }
0x57: {  	_ =	swait.ge [sflag:s20], $0x4000  }
0x58: {  	[sflag:s20] =	ssyncset.done $0x0  }
0x59: {  	[sflag:s20] =	ssyncadd.s32 $0xFFFFC000  }
0x5a: {  	_ =	swait.ge [sflag:s20], $0x4000  }
0x5b: {  	[sflag:s20] =	ssyncset.done $0x0  }
0x5c: {  	[sflag:s20] =	ssyncadd.s32 $0xFFFFC000  }
0x5d: {  	_ =	swait.ge [sflag:s20], $0x4000  }
0x5e: {  	[sflag:s20] =	ssyncset.done $0x0  }
0x5f: {  	[sflag:s20] =	ssyncadd.s32 $0xFFFFC000  }
0x60: {  	_ =	swait.ge [sflag:s20], $0x4000  }
0x61: {  	[sflag:s20] =	ssyncset.done $0x0  }
0x62: {  	s2 =	simm.s32 @p0 $0xD;
	[sflag:s20] =	ssyncadd.s32 $0xFFFFC000  }
0x63: {  	_ =	swait.ge @p0 [sflag:s2], $0x400  }
0x64: {  	[sflag:s2] =	ssyncset.done @p0 $0x0  }
0x65: {  	[sflag:s2] =	ssyncadd.s32 @p0 $0xFFFFFC00;
	s2 =	simm.s32 @!p0 $0xD  }
0x66: {  	_ =	swait.ge @!p0 [sflag:s2], $0x3C00  }
0x67: {  	[sflag:s2] =	ssyncset.done @!p0 $0x0  }
0x68: {  	[sflag:s2] =	ssyncadd.s32 @!p0 $0xFFFFC400  }
0x69: {  	s23 =	simm.s32 $0x7;
	[bflag:$0x0] =	sbarrier.arrive $0xFFFF  }
0x6a: {  	_ =	swait.ge [sflag:s23], $0x4000  }
0x6b: {  	[sflag:s23] =	ssyncset.done $0x0  }
0x6c: {  	s26 =	simm.s32 $0x4;
	[sflag:s23] =	ssyncadd.s32 $0xFFFFC000  }
0x6d: {  	_ =	swait.ge [sflag:s26], $0x80  }
0x6e: {  	[sflag:s26] =	ssyncset.done $0x0  }
0x6f: {  	[sflag:s26] =	ssyncadd.s32 $0xFFFFFF80  }
0x70: {  	[spmem:s3] =	stream.indirect.scatter.add.f32 [tilespmem:s5], [sflag:$0xA], $0x80, s12, s17, $0xb8;
	[tilespmem:$0x1FB80] =	vst v63  }
0x71: {  	s29 =	rddreg [dreg:$0xc]  }
0x72: {  	[tilespmem:s9], [sflag:$0x1] =	stream.linear.gather [hbm4b:s29+s4], $0x80, $0x38;
	[tilespmem:$0x1FB80] =	vst v63  }
0x73: {  	s21 =	simm.s32 $0x13B00;
	s22 =	simm.s32 $0x3;
	s30 =	rddreg [dreg:$0xd]  }
0x74: {  	[tilespmem:s21], [sflag:$0x6] =	stream.linear.gather [hbm4b:s30+s4], $0x80, $0x38;
	[tilespmem:$0x1FB80] =	vst v63  }
0x75: {  	_ =	swait.ge [sflag:s22], $0x80  }
0x76: {  	[sflag:s22] =	ssyncset.done $0x0  }
0x77: {  	s23 =	simm.s32 $0x8;
	[sflag:s22] =	ssyncadd.s32 $0xFFFFFF80  }
0x78: {  	[tilespmem:s15], [sflag:$0x9] =	stream.indirect.gather [hbm4b:s1+s17], $0x80, s11, s17, $0xb8;
	[tilespmem:$0x1FB80] =	vst v63  }
0x79: {  	_ =	swait.ge [sflag:s23], $0x4000  }
0x7a: {  	[sflag:s23] =	ssyncset.done $0x0  }
0x7b: {  	s26 =	simm.s32 $0x5;
	[sflag:s23] =	ssyncadd.s32 $0xFFFFC000  }
0x7c: {  	_ =	swait.ge [sflag:s26], $0x80  }
0x7d: {  	[sflag:s26] =	ssyncset.done $0x0  }
0x7e: {  	s29 =	simm.s32 $0xA;
	[sflag:s26] =	ssyncadd.s32 $0xFFFFFF80  }
0x7f: {  	[spmem:s3] =	stream.indirect.scatter.add.f32 [tilespmem:s6], [sflag:$0xB], $0x80, s14, s17, $0xb8;
	[tilespmem:$0x1FB80] =	vst v63  }
0x80: {  	_ =	swait.ge [sflag:s29], $0x4000  }
0x81: {  	[sflag:s29] =	ssyncset.done $0x0  }
0x82: {  	s30 =	rddreg [dreg:$0xe];
	[sflag:s29] =	ssyncadd.s32 $0xFFFFC000  }
0x83: {  	[tilespmem:s10], [sflag:$0x2] =	stream.linear.gather [hbm4b:s30+s4], $0x80, $0x38;
	[tilespmem:$0x1FB80] =	vst v63  }
0x84: {  	s22 =	rddreg [dreg:$0xf]  }
0x85: {  	[tilespmem:s12], [sflag:$0x4] =	stream.linear.gather [hbm4b:s22+s4], $0x80, $0x38;
	[tilespmem:$0x1FB80] =	vst v63  }
0x86: {  	_ =	swait.ge [sflag:s16], $0x80  }
0x87: {  	[sflag:s16] =	ssyncset.done $0x0  }
0x88: {  	s23 =	simm.s32 $0x9;
	[sflag:s16] =	ssyncadd.s32 $0xFFFFFF80  }
0x89: {  	[tilespmem:s5], [sflag:$0x7] =	stream.indirect.gather [hbm4b:s1+s17], $0x80, s9, s17, $0xb8;
	[tilespmem:$0x1FB80] =	vst v63  }
0x8a: {  	_ =	swait.ge [sflag:s23], $0x4000  }
0x8b: {  	[sflag:s23] =	ssyncset.done $0x0  }
0x8c: {  	s26 =	simm.s32 $0x6;
	[sflag:s23] =	ssyncadd.s32 $0xFFFFC000  }
0x8d: {  	_ =	swait.ge [sflag:s26], $0x80  }
0x8e: {  	[sflag:s26] =	ssyncset.done $0x0  }
0x8f: {  	[sflag:s26] =	ssyncadd.s32 $0xFFFFFF80  }
0x90: {  	[spmem:s3] =	stream.indirect.scatter.add.f32 [tilespmem:s15], [sflag:$0xC], $0x80, s21, s17, $0xb8;
	[tilespmem:$0x1FB80] =	vst v63  }
0x91: {  	_ =	swait.ge [sflag:s31], $0x4000  }
0x92: {  	[sflag:s31] =	ssyncset.done $0x0  }
0x93: {  	s29 =	rddreg [dreg:$0x1b];
	[sflag:s31] =	ssyncadd.s32 $0xFFFFC000  }
0x94: {  	[tilespmem:s11], [sflag:$0x3] =	stream.linear.gather [hbm4b:s29+s4], $0x80, $0x38;
	[tilespmem:$0x1FB80] =	vst v63  }
0x95: {  	s30 =	rddreg [dreg:$0x10]  }
0x96: {  	[tilespmem:s14], [sflag:$0x5] =	stream.linear.gather [hbm4b:s30+s4], $0x80, $0x38;
	[tilespmem:$0x1FB80] =	vst v63  }
0x97: {  	_ =	swait.ge [sflag:s18], $0x80  }
0x98: {  	p1 =	sle.u32 s7, $0x3;
	[sflag:s18] =	ssyncset.done $0x0  }
0x99: {  	s2 =	simm.s32 @!p1 $0x7;
	[sflag:s18] =	ssyncadd.s32 $0xFFFFFF80  }
0x9a: {  	[tilespmem:s6], [sflag:$0x8] =	stream.indirect.gather [hbm4b:s1+s17], $0x80, s10, s17, $0xb8;
	[tilespmem:$0x1FB80] =	vst v63  }
0x9b: {  	_ =	swait.ge @!p1 [sflag:s2], $0x4000  }
0x9c: {  	[sflag:s2] =	ssyncset.done @!p1 $0x0  }
0x9d: {  	p3 =	sle.u32 @!p1 s7, $0x5;
	s5 =	simm.s32 @!p1 $0x4;
	[sflag:s2] =	ssyncadd.s32 @!p1 $0xFFFFC000  }
0x9e: {  	p2 =	sle.u32 @!p1 s7, $0x6;
	p3 =	por p3, p1;
	_ =	swait.ge @!p1 [sflag:s5], $0x80  }
0x9f: {  	s12 =	simm.s32 @!p1 $0x13A00;
	s11 =	simm.s32 @!p1 $0x80;
	[sflag:s5] =	ssyncset.done @!p1 $0x0  }
0xa0: {  	s6 =	simm.s32 @!p1 $0xC;
	s2 =	simm.s32 @!p1 $0x13B80;
	[sflag:s5] =	ssyncadd.s32 @!p1 $0xFFFFFF80  }
0xa1: {  	[spmem:s3] =	stream.indirect.scatter.add.f32 @!p1 [tilespmem:s2], [sflag:$0xA], $0x80, s12, s11, $0xb8;
	[tilespmem:$0x1FB80] =	vst v63  }
0xa2: {  	p2 =	por p2, p1;
	s14 =	simm.s32 @!p3 $0x0;
	_ =	swait.ge @!p1 [sflag:s6], $0x4000  }
0xa3: {  	s5 =	simm.s32 @!p2 $0x0;
	s2 =	simm.s32 @!p2 $0x13880;
	[sflag:s6] =	ssyncset.done @!p1 $0x0  }
0xa4: {  	s12 =	sadd.s32 @!p2 s19, s24;
	s11 =	rddreg [dreg:$0x5];
	[sflag:s6] =	ssyncadd.s32 @!p1 $0xFFFFC000  }
0xa5: {  	[tilespmem:s2], [sflag:$0x1] =	stream.linear.gather @!p2 [hbm4b:s12+s5], $0x80, $0x38;
	[tilespmem:$0x1FB80] =	vst v63  }
0xa6: {  	s6 =	simm.s32 @!p3 $0x3;
	s2 =	simm.s32 @!p3 $0x13B00;
	s5 =	sadd.s32 @!p3 s8, s11  }
0xa7: {  	[tilespmem:s2], [sflag:$0x6] =	stream.linear.gather @!p3 [hbm4b:s5+s14], $0x80, $0x38;
	[tilespmem:$0x1FB80] =	vst v63  }
0xa8: {  	p1 =	sle.u32 s7, $0x4;
	_ =	swait.ge @!p3 [sflag:s6], $0x80  }
0xa9: {  	s11 =	simm.s32 @!p1 $0x8;
	s2 =	simm.s32 @!p3 $0x80;
	[sflag:s6] =	ssyncset.done @!p3 $0x0  }
0xaa: {  	s5 =	simm.s32 @!p3 $0x13980;
	[sflag:s6] =	ssyncadd.s32 @!p3 $0xFFFFFF80;
	s6 =	simm.s32 @!p3 $0x1BB80  }
0xab: {  	[tilespmem:s6], [sflag:$0x9] =	stream.indirect.gather @!p3 [hbm4b:s1+s2], $0x80, s5, s2, $0xb8;
	[tilespmem:$0x1FB80] =	vst v63  }
0xac: {  	_ =	swait.ge @!p1 [sflag:s11], $0x4000  }
0xad: {  	[sflag:s11] =	ssyncset.done @!p1 $0x0  }
0xae: {  	s23 =	sadd.s32 $0x30, s8;
	s2 =	simm.s32 @!p1 $0x5;
	[sflag:s11] =	ssyncadd.s32 @!p1 $0xFFFFC000  }
0xaf: {  	p2 =	sle.u32 @!p1 s7, $0x7;
	s12 =	simm.s32 @!p1 $0x13A80;
	_ =	swait.ge @!p1 [sflag:s2], $0x80  }
0xb0: {  	s5 =	simm.s32 @!p1 $0x17B80;
	s6 =	simm.s32 @!p1 $0xA;
	[sflag:s2] =	ssyncset.done @!p1 $0x0  }
0xb1: {  	p3 =	sle.u32 @!p1 s7, $0x6;
	s11 =	simm.s32 @!p1 $0x80;
	[sflag:s2] =	ssyncadd.s32 @!p1 $0xFFFFFF80  }
0xb2: {  	[spmem:s3] =	stream.indirect.scatter.add.f32 @!p1 [tilespmem:s5], [sflag:$0xB], $0x80, s12, s11, $0xb8;
	[tilespmem:$0x1FB80] =	vst v63  }
0xb3: {  	p2 =	por p2, p1;
	p3 =	por p3, p1;
	_ =	swait.ge @!p1 [sflag:s6], $0x4000  }
0xb4: {  	s2 =	simm.s32 @!p2 $0x0;
	s5 =	simm.s32 @!p2 $0x13900;
	[sflag:s6] =	ssyncset.done @!p1 $0x0  }
0xb5: {  	s11 =	sadd.s32 @!p3 s8, s24;
	[sflag:s6] =	ssyncadd.s32 @!p1 $0xFFFFC000;
	s6 =	sadd.s32 @!p2 s19, s25  }
0xb6: {  	[tilespmem:s5], [sflag:$0x2] =	stream.linear.gather @!p2 [hbm4b:s6+s2], $0x80, $0x38;
	[tilespmem:$0x1FB80] =	vst v63  }
0xb7: {  	s2 =	simm.s32 @!p3 $0x0;
	s5 =	simm.s32 @!p3 $0x1;
	s6 =	simm.s32 @!p3 $0x13A00  }
0xb8: {  	[tilespmem:s6], [sflag:$0x4] =	stream.linear.gather @!p3 [hbm4b:s11+s2], $0x80, $0x38;
	[tilespmem:$0x1FB80] =	vst v63  }
0xb9: {  	s14 =	simm.s32 $0xE;
	p1 =	sle.u32 s7, $0x5;
	_ =	swait.ge @!p3 [sflag:s5], $0x80  }
0xba: {  	s2 =	simm.s32 @!p3 $0x80;
	s6 =	simm.s32 @!p3 $0x13B80;
	[sflag:s5] =	ssyncset.done @!p3 $0x0  }
0xbb: {  	s11 =	simm.s32 @!p3 $0x13880;
	[sflag:s5] =	ssyncadd.s32 @!p3 $0xFFFFFF80;
	s5 =	simm.s32 @!p1 $0x9  }
0xbc: {  	[tilespmem:s6], [sflag:$0x7] =	stream.indirect.gather @!p3 [hbm4b:s1+s2], $0x80, s11, s2, $0xb8;
	[tilespmem:$0x1FB80] =	vst v63  }
0xbd: {  	s12 =	simm.s32 $0xB;
	p2 =	sle.u32 @!p1 s7, $0x8;
	_ =	swait.ge @!p1 [sflag:s5], $0x4000  }
0xbe: {  	s21 =	simm.s32 @!p1 $0x80;
	s22 =	simm.s32 @!p1 $0x13B00;
	[sflag:s5] =	ssyncset.done @!p1 $0x0  }
0xbf: {  	p2 =	por p2, p1;
	s2 =	simm.s32 @!p1 $0x6;
	[sflag:s5] =	ssyncadd.s32 @!p1 $0xFFFFC000  }
0xc0: {  	s26 =	simm.s32 @!p2 $0x0;
	s28 =	simm.s32 @!p2 $0x13980;
	_ =	swait.ge @!p1 [sflag:s2], $0x80  }
0xc1: {  	p3 =	sle.u32 @!p1 s7, $0x7;
	s6 =	simm.s32 @!p1 $0xB;
	[sflag:s2] =	ssyncset.done @!p1 $0x0  }
0xc2: {  	p6 =	por p3, p1;
	s5 =	simm.s32 @!p1 $0x1BB80;
	[sflag:s2] =	ssyncadd.s32 @!p1 $0xFFFFFF80  }
0xc3: {  	[spmem:s3] =	stream.indirect.scatter.add.f32 @!p1 [tilespmem:s5], [sflag:$0xC], $0x80, s22, s21, $0xb8;
	[tilespmem:$0x1FB80] =	vst v63  }
0xc4: {  	s11 =	sadd.s32 $0x30, s19;
	s21 =	simm.s32 @!p6 $0x17B80;
	_ =	swait.ge @!p1 [sflag:s6], $0x4000  }
0xc5: {  	s22 =	simm.s32 @!p6 $0x13900;
	s5 =	smov.u32 s19;
	[sflag:s6] =	ssyncset.done @!p1 $0x0  }
0xc6: {  	s2 =	rddreg [dreg:$0x6];
	[sflag:s6] =	ssyncadd.s32 @!p1 $0xFFFFC000;
	s6 =	smov.u32 s8  }
.LBB2_4:
0xc7: {  	s29 =	sadd.s32 $0xFFFFFFFB, s12;
	s30 =	simm.s32 @!p6 $0x13A80  }
0xc8: {  	s2 =	sadd.s32 @!p2 s5, s2;
	s5 =	simm.s32 @!p6 $0x2;
	p1 =	sge.u32 s29, s7  }
0xc9: {  	[tilespmem:s28], [sflag:$0x3] =	stream.linear.gather @!p2 [hbm4b:s2+s26], $0x80, $0x38;
	[tilespmem:$0x1FB80] =	vst v63  }
0xca: {  	s6 =	sadd.s32 @!p6 s6, s25;
	s26 =	simm.s32 @!p6 $0x0;
	s2 =	sadd.s32 @!p1 $0xFFFFFFFE, s12  }
0xcb: {  	[tilespmem:s30], [sflag:$0x5] =	stream.linear.gather @!p6 [hbm4b:s6+s26], $0x80, $0x38;
	[tilespmem:$0x1FB80] =	vst v63  }
0xcc: {  	s9 =	simm.s32 @!p6 $0x80;
	p2 =	sge.u32 @!p1 s2, s7;
	_ =	swait.ge @!p6 [sflag:s5], $0x80  }
0xcd: {  	s2 =	sadd.s32 @!p1 $0xFFFFFFFD, s12;
	p3 =	por p2, p1;
	[sflag:s5] =	ssyncset.done @!p6 $0x0  }
0xce: {  	p2 =	sge.u32 @!p1 s2, s7;
	s2 =	simm.s32 @!p1 $0x7;
	[sflag:s5] =	ssyncadd.s32 @!p6 $0xFFFFFF80  }
0xcf: {  	[tilespmem:s21], [sflag:$0x8] =	stream.indirect.gather @!p6 [hbm4b:s1+s9], $0x80, s22, s9, $0xb8;
	[tilespmem:$0x1FB80] =	vst v63  }
0xd0: {  	_ =	swait.ge @!p1 [sflag:s2], $0x4000  }
0xd1: {  	[sflag:s2] =	ssyncset.done @!p1 $0x0  }
0xd2: {  	s6 =	simm.s32 @!p1 $0x4;
	[sflag:s2] =	ssyncadd.s32 @!p1 $0xFFFFC000  }
0xd3: {  	s28 =	simm.s32 @!p1 $0xC;
	_ =	swait.ge @!p1 [sflag:s6], $0x80  }
0xd4: {  	s29 =	simm.s32 @!p1 $0x13A00;
	s26 =	simm.s32 @!p1 $0x13B80;
	[sflag:s6] =	ssyncset.done @!p1 $0x0  }
0xd5: {  	s30 =	simm.s32 @!p3 $0x0;
	s2 =	simm.s32 @!p1 $0x80;
	[sflag:s6] =	ssyncadd.s32 @!p1 $0xFFFFFF80  }
0xd6: {  	[spmem:s3] =	stream.indirect.scatter.add.f32 @!p1 [tilespmem:s26], [sflag:$0xA], $0x80, s29, s2, $0xb8;
	[tilespmem:$0x1FB80] =	vst v63  }
0xd7: {  	p2 =	por p2, p1;
	s9 =	simm.s32 @!p3 $0x13880;
	_ =	swait.ge @!p1 [sflag:s28], $0x4000  }
0xd8: {  	s22 =	sadd.s32 $0xFFFFFFFC, s12;
	s2 =	sadd.s32 @!p3 s11, s24;
	[sflag:s28] =	ssyncset.done @!p1 $0x0  }
0xd9: {  	s26 =	simm.s32 @!p2 $0x0;
	[sflag:s28] =	ssyncadd.s32 @!p1 $0xFFFFC000;
	p1 =	sge.u32 s22, s7  }
0xda: {  	[tilespmem:s9], [sflag:$0x1] =	stream.linear.gather @!p3 [hbm4b:s2+s30], $0x80, $0x38;
	[tilespmem:$0x1FB80] =	vst v63  }
0xdb: {  	s29 =	simm.s32 @!p2 $0x13B00;
	s28 =	rddreg [dreg:$0x5];
	s2 =	sadd.s32 @!p1 $0xFFFFFFFF, s12  }
0xdc: {  	s9 =	sadd.s32 @!p1 $0xFFFFFFFE, s12;
	s22 =	sadd.s32 @!p2 s23, s28;
	s28 =	simm.s32 @!p2 $0x3  }
0xdd: {  	[tilespmem:s29], [sflag:$0x6] =	stream.linear.gather @!p2 [hbm4b:s22+s26], $0x80, $0x38;
	[tilespmem:$0x1FB80] =	vst v63  }
0xde: {  	p3 =	sge.u32 @!p1 s9, s7;
	s9 =	simm.s32 @!p2 $0x80;
	_ =	swait.ge @!p2 [sflag:s28], $0x80  }
0xdf: {  	p6 =	sge.u32 @!p1 s2, s7;
	s2 =	simm.s32 @!p2 $0x13980;
	[sflag:s28] =	ssyncset.done @!p2 $0x0  }
0xe0: {  	s22 =	simm.s32 @!p2 $0x1BB80;
	s26 =	simm.s32 @!p1 $0x8;
	[sflag:s28] =	ssyncadd.s32 @!p2 $0xFFFFFF80  }
0xe1: {  	[tilespmem:s22], [sflag:$0x9] =	stream.indirect.gather @!p2 [hbm4b:s1+s9], $0x80, s2, s9, $0xb8;
	[tilespmem:$0x1FB80] =	vst v63  }
0xe2: {  	s5 =	smov.u32 s11;
	_ =	swait.ge @!p1 [sflag:s26], $0x4000  }
0xe3: {  	s21 =	smov.u32 s14;
	s14 =	sadd.s32 $0x3, s14;
	[sflag:s26] =	ssyncset.done @!p1 $0x0  }
0xe4: {  	p5 =	sne.s32 s14, $0x56;
	s2 =	simm.s32 @!p1 $0x5;
	[sflag:s26] =	ssyncadd.s32 @!p1 $0xFFFFC000  }
0xe5: {  	s30 =	sadd.s32 $0xFFFFFFFD, s12;
	p6 =	por p6, p1;
	_ =	swait.ge @!p1 [sflag:s2], $0x80  }
0xe6: {  	s28 =	simm.s32 @!p1 $0x13A80;
	s9 =	simm.s32 @!p1 $0x17B80;
	[sflag:s2] =	ssyncset.done @!p1 $0x0  }
0xe7: {  	s22 =	simm.s32 @!p1 $0xA;
	s26 =	simm.s32 @!p1 $0x80;
	[sflag:s2] =	ssyncadd.s32 @!p1 $0xFFFFFF80  }
0xe8: {  	[spmem:s3] =	stream.indirect.scatter.add.f32 @!p1 [tilespmem:s9], [sflag:$0xB], $0x80, s28, s26, $0xb8;
	[tilespmem:$0x1FB80] =	vst v63  }
0xe9: {  	p3 =	por p3, p1;
	s29 =	simm.s32 @!p6 $0x0;
	_ =	swait.ge @!p1 [sflag:s22], $0x4000  }
0xea: {  	s2 =	simm.s32 @!p6 $0x13900;
	s9 =	sadd.s32 @!p3 s23, s24;
	[sflag:s22] =	ssyncset.done @!p1 $0x0  }
0xeb: {  	s26 =	simm.s32 @!p3 $0x0;
	[sflag:s22] =	ssyncadd.s32 @!p1 $0xFFFFC000;
	s22 =	sadd.s32 @!p6 s11, s25  }
0xec: {  	[tilespmem:s2], [sflag:$0x2] =	stream.linear.gather @!p6 [hbm4b:s22+s29], $0x80, $0x38;
	[tilespmem:$0x1FB80] =	vst v63  }
0xed: {  	s28 =	simm.s32 @!p3 $0x1;
	p1 =	sge.u32 s30, s7;
	s2 =	simm.s32 @!p3 $0x13A00  }
0xee: {  	[tilespmem:s2], [sflag:$0x4] =	stream.linear.gather @!p3 [hbm4b:s9+s26], $0x80, $0x38;
	[tilespmem:$0x1FB80] =	vst v63  }
0xef: {  	s22 =	simm.s32 @!p3 $0x80;
	s29 =	simm.s32 @!p3 $0x13B80;
	_ =	swait.ge @!p3 [sflag:s28], $0x80  }
0xf0: {  	p2 =	sge.u32 @!p1 s12, s7;
	s2 =	simm.s32 @!p3 $0x13880;
	[sflag:s28] =	ssyncset.done @!p3 $0x0  }
0xf1: {  	s9 =	sadd.s32 @!p1 $0xFFFFFFFF, s12;
	s12 =	simm.s32 @!p1 $0x9;
	[sflag:s28] =	ssyncadd.s32 @!p3 $0xFFFFFF80  }
0xf2: {  	[tilespmem:s29], [sflag:$0x7] =	stream.indirect.gather @!p3 [hbm4b:s1+s22], $0x80, s2, s22, $0xb8;
	[tilespmem:$0x1FB80] =	vst v63  }
0xf3: {  	s6 =	smov.u32 s23;
	s23 =	sadd.s32 $0x30, s23;
	_ =	swait.ge @!p1 [sflag:s12], $0x4000  }
0xf4: {  	s11 =	sadd.s32 $0x30, s11;
	p2 =	por p2, p1;
	[sflag:s12] =	ssyncset.done @!p1 $0x0  }
0xf5: {  	s26 =	simm.s32 @!p1 $0x80;
	s2 =	simm.s32 @!p1 $0x6;
	[sflag:s12] =	ssyncadd.s32 @!p1 $0xFFFFC000  }
0xf6: {  	p6 =	sge.u32 @!p1 s9, s7;
	s9 =	simm.s32 @!p1 $0x1BB80;
	_ =	swait.ge @!p1 [sflag:s2], $0x80  }
0xf7: {  	p6 =	por p6, p1;
	s28 =	simm.s32 @!p1 $0x13B00;
	[sflag:s2] =	ssyncset.done @!p1 $0x0  }
.Ltmp1:
0xf8: {  	s22 =	simm.s32 @!p1 $0xB;
	[sflag:s2] =	ssyncadd.s32 @!p1 $0xFFFFFF80;
	(pc) =	sbr.rel @p5 .LBB2_4-.Ltmp1, $4  }
0xf9: {  	[spmem:s3] =	stream.indirect.scatter.add.f32 @!p1 [tilespmem:s9], [sflag:$0xC], $0x80, s28, s26, $0xb8;
	[tilespmem:$0x1FB80] =	vst v63  }
0xfa: {  	s12 =	smov.u32 s21;
	s21 =	simm.s32 @!p6 $0x17B80;
	_ =	swait.ge @!p1 [sflag:s22], $0x4000  }
0xfb: {  	s26 =	simm.s32 @!p2 $0x0;
	s28 =	simm.s32 @!p2 $0x13980;
	[sflag:s22] =	ssyncset.done @!p1 $0x0  }
0xfc: {  	s2 =	rddreg [dreg:$0x6];
	[sflag:s22] =	ssyncadd.s32 @!p1 $0xFFFFC000;
	s22 =	simm.s32 @!p6 $0x13900  }
0xfd: {  	s2 =	sadd.s32 @!p2 s5, s2  }
0xfe: {  	[tilespmem:s28], [sflag:$0x3] =	stream.linear.gather @!p2 [hbm4b:s2+s26], $0x80, $0x38;
	[tilespmem:$0x1FB80] =	vst v63  }
0xff: {  	s5 =	sadd.s32 @!p6 s6, s25;
	s6 =	simm.s32 @!p6 $0x0;
	s2 =	simm.s32 @!p6 $0x13A80  }
0x100: {  	[tilespmem:s2], [sflag:$0x5] =	stream.linear.gather @!p6 [hbm4b:s5+s6], $0x80, $0x38;
	[tilespmem:$0x1FB80] =	vst v63  }
0x101: {  	s2 =	simm.s32 @!p6 $0x2  }
0x102: {  	_ =	swait.ge @!p6 [sflag:s2], $0x80  }
0x103: {  	s14 =	sadd.s32 $0xFFFFFFFB, s12;
	[sflag:s2] =	ssyncset.done @!p6 $0x0  }
0x104: {  	p1 =	sge.u32 s14, s7;
	[sflag:s2] =	ssyncadd.s32 @!p6 $0xFFFFFF80;
	s2 =	simm.s32 @!p6 $0x80  }
0x105: {  	[tilespmem:s21], [sflag:$0x8] =	stream.indirect.gather @!p6 [hbm4b:s1+s2], $0x80, s22, s2, $0xb8;
	[tilespmem:$0x1FB80] =	vst v63  }
0x106: {  	s2 =	simm.s32 @!p1 $0x7  }
0x107: {  	_ =	swait.ge @!p1 [sflag:s2], $0x4000  }
0x108: {  	[sflag:s2] =	ssyncset.done @!p1 $0x0  }
0x109: {  	s5 =	simm.s32 @!p1 $0x4;
	[sflag:s2] =	ssyncadd.s32 @!p1 $0xFFFFC000  }
0x10a: {  	_ =	swait.ge @!p1 [sflag:s5], $0x80  }
0x10b: {  	s6 =	simm.s32 @!p1 $0x80;
	[sflag:s5] =	ssyncset.done @!p1 $0x0  }
0x10c: {  	s2 =	simm.s32 @!p1 $0x13B80;
	[sflag:s5] =	ssyncadd.s32 @!p1 $0xFFFFFF80;
	s5 =	simm.s32 @!p1 $0x13A00  }
0x10d: {  	[spmem:s3] =	stream.indirect.scatter.add.f32 @!p1 [tilespmem:s2], [sflag:$0xA], $0x80, s5, s6, $0xb8;
	[tilespmem:$0x1FB80] =	vst v63  }
0x10e: {  	s2 =	sadd.s32 @!p1 $0xFFFFFFFE, s12  }
0x10f: {  	p2 =	sge.u32 @!p1 s2, s7;
	s2 =	simm.s32 @!p1 $0xC  }
0x110: {  	p2 =	por p2, p1;
	_ =	swait.ge @!p1 [sflag:s2], $0x4000  }
0x111: {  	s5 =	simm.s32 @!p2 $0x13880;
	[sflag:s2] =	ssyncset.done @!p1 $0x0  }
0x112: {  	s6 =	simm.s32 @!p2 $0x0;
	[sflag:s2] =	ssyncadd.s32 @!p1 $0xFFFFC000;
	s2 =	sadd.s32 @!p2 s11, s24  }
0x113: {  	[tilespmem:s5], [sflag:$0x1] =	stream.linear.gather @!p2 [hbm4b:s2+s6], $0x80, $0x38;
	[tilespmem:$0x1FB80] =	vst v63  }
0x114: {  	s2 =	sadd.s32 @!p1 $0xFFFFFFFD, s12  }
0x115: {  	p2 =	sge.u32 @!p1 s2, s7  }
0x116: {  	s5 =	rddreg [dreg:$0x5];
	p2 =	por p2, p1  }
0x117: {  	s2 =	simm.s32 @!p2 $0x0;
	s6 =	simm.s32 @!p2 $0x13B00;
	s5 =	sadd.s32 @!p2 s23, s5  }
0x118: {  	[tilespmem:s6], [sflag:$0x6] =	stream.linear.gather @!p2 [hbm4b:s5+s2], $0x80, $0x38;
	[tilespmem:$0x1FB80] =	vst v63  }
0x119: {  	s2 =	simm.s32 @!p2 $0x3  }
0x11a: {  	s21 =	sadd.s32 $0xFFFFFFFC, s12;
	_ =	swait.ge @!p2 [sflag:s2], $0x80  }
0x11b: {  	p1 =	sge.u32 s21, s7;
	s5 =	simm.s32 @!p2 $0x80;
	[sflag:s2] =	ssyncset.done @!p2 $0x0  }
0x11c: {  	s6 =	simm.s32 @!p2 $0x13980;
	[sflag:s2] =	ssyncadd.s32 @!p2 $0xFFFFFF80;
	s2 =	simm.s32 @!p2 $0x1BB80  }
0x11d: {  	[tilespmem:s2], [sflag:$0x9] =	stream.indirect.gather @!p2 [hbm4b:s1+s5], $0x80, s6, s5, $0xb8;
	[tilespmem:$0x1FB80] =	vst v63  }
0x11e: {  	s2 =	simm.s32 @!p1 $0x8  }
0x11f: {  	_ =	swait.ge @!p1 [sflag:s2], $0x4000  }
0x120: {  	[sflag:s2] =	ssyncset.done @!p1 $0x0  }
0x121: {  	s5 =	simm.s32 @!p1 $0x5;
	[sflag:s2] =	ssyncadd.s32 @!p1 $0xFFFFC000  }
0x122: {  	_ =	swait.ge @!p1 [sflag:s5], $0x80  }
0x123: {  	s6 =	simm.s32 @!p1 $0x80;
	[sflag:s5] =	ssyncset.done @!p1 $0x0  }
0x124: {  	s2 =	simm.s32 @!p1 $0x17B80;
	[sflag:s5] =	ssyncadd.s32 @!p1 $0xFFFFFF80;
	s5 =	simm.s32 @!p1 $0x13A80  }
0x125: {  	[spmem:s3] =	stream.indirect.scatter.add.f32 @!p1 [tilespmem:s2], [sflag:$0xB], $0x80, s5, s6, $0xb8;
	[tilespmem:$0x1FB80] =	vst v63  }
0x126: {  	s2 =	simm.s32 @!p1 $0xA  }
0x127: {  	s5 =	sadd.s32 @!p1 $0xFFFFFFFF, s12;
	s6 =	sadd.s32 @!p1 $0xFFFFFFFE, s12;
	_ =	swait.ge @!p1 [sflag:s2], $0x4000  }
0x128: {  	p2 =	sge.u32 @!p1 s6, s7;
	p3 =	sge.u32 @!p1 s5, s7;
	[sflag:s2] =	ssyncset.done @!p1 $0x0  }
0x129: {  	p3 =	por p3, p1;
	p2 =	por p2, p1;
	[sflag:s2] =	ssyncadd.s32 @!p1 $0xFFFFC000  }
0x12a: {  	s2 =	simm.s32 @!p3 $0x0;
	s5 =	simm.s32 @!p3 $0x13900;
	s6 =	sadd.s32 @!p3 s11, s25  }
0x12b: {  	[tilespmem:s5], [sflag:$0x2] =	stream.linear.gather @!p3 [hbm4b:s6+s2], $0x80, $0x38;
	[tilespmem:$0x1FB80] =	vst v63  }
0x12c: {  	s2 =	sadd.s32 @!p2 s23, s24;
	s5 =	simm.s32 @!p2 $0x0;
	s6 =	simm.s32 @!p2 $0x13A00  }
0x12d: {  	[tilespmem:s6], [sflag:$0x4] =	stream.linear.gather @!p2 [hbm4b:s2+s5], $0x80, $0x38;
	[tilespmem:$0x1FB80] =	vst v63  }
0x12e: {  	s2 =	simm.s32 @!p2 $0x1  }
0x12f: {  	s22 =	sadd.s32 $0xFFFFFFFD, s12;
	_ =	swait.ge @!p2 [sflag:s2], $0x80  }
0x130: {  	p1 =	sge.u32 s22, s7;
	s6 =	simm.s32 @!p2 $0x80;
	[sflag:s2] =	ssyncset.done @!p2 $0x0  }
0x131: {  	s5 =	simm.s32 @!p2 $0x13B80;
	[sflag:s2] =	ssyncadd.s32 @!p2 $0xFFFFFF80;
	s2 =	simm.s32 @!p2 $0x13880  }
0x132: {  	[tilespmem:s5], [sflag:$0x7] =	stream.indirect.gather @!p2 [hbm4b:s1+s6], $0x80, s2, s6, $0xb8;
	[tilespmem:$0x1FB80] =	vst v63  }
0x133: {  	s2 =	simm.s32 @!p1 $0x9  }
0x134: {  	_ =	swait.ge @!p1 [sflag:s2], $0x4000  }
0x135: {  	[sflag:s2] =	ssyncset.done @!p1 $0x0  }
0x136: {  	s5 =	simm.s32 @!p1 $0x6;
	[sflag:s2] =	ssyncadd.s32 @!p1 $0xFFFFC000  }
0x137: {  	_ =	swait.ge @!p1 [sflag:s5], $0x80  }
0x138: {  	s6 =	simm.s32 @!p1 $0x80;
	[sflag:s5] =	ssyncset.done @!p1 $0x0  }
0x139: {  	s2 =	simm.s32 @!p1 $0x1BB80;
	[sflag:s5] =	ssyncadd.s32 @!p1 $0xFFFFFF80;
	s5 =	simm.s32 @!p1 $0x13B00  }
0x13a: {  	[spmem:s3] =	stream.indirect.scatter.add.f32 @!p1 [tilespmem:s2], [sflag:$0xC], $0x80, s5, s6, $0xb8;
	[tilespmem:$0x1FB80] =	vst v63  }
0x13b: {  	p2 =	sge.u32 @!p1 s12, s7;
	s2 =	simm.s32 @!p1 $0xB  }
0x13c: {  	p2 =	por p2, p1;
	_ =	swait.ge @!p1 [sflag:s2], $0x4000  }
0x13d: {  	s6 =	simm.s32 @!p2 $0x13980;
	s5 =	rddreg [dreg:$0x6];
	[sflag:s2] =	ssyncset.done @!p1 $0x0  }
0x13e: {  	[sflag:s2] =	ssyncadd.s32 @!p1 $0xFFFFC000;
	s2 =	simm.s32 @!p2 $0x0;
	s5 =	sadd.s32 @!p2 s11, s5  }
0x13f: {  	[tilespmem:s6], [sflag:$0x3] =	stream.linear.gather @!p2 [hbm4b:s5+s2], $0x80, $0x38;
	[tilespmem:$0x1FB80] =	vst v63  }
0x140: {  	s2 =	sadd.s32 @!p1 $0xFFFFFFFF, s12  }
0x141: {  	p2 =	sge.u32 @!p1 s2, s7  }
0x142: {  	p1 =	por p2, p1  }
0x143: {  	s2 =	simm.s32 @!p1 $0x13A80;
	s5 =	sadd.s32 @!p1 s23, s25;
	s6 =	simm.s32 @!p1 $0x0  }
0x144: {  	[tilespmem:s2], [sflag:$0x5] =	stream.linear.gather @!p1 [hbm4b:s5+s6], $0x80, $0x38;
	[tilespmem:$0x1FB80] =	vst v63  }
0x145: {  	s2 =	simm.s32 @!p1 $0x2  }
0x146: {  	_ =	swait.ge @!p1 [sflag:s2], $0x80  }
0x147: {  	s5 =	simm.s32 @!p1 $0x17B80;
	[sflag:s2] =	ssyncset.done @!p1 $0x0  }
0x148: {  	s6 =	simm.s32 @!p1 $0x13900;
	[sflag:s2] =	ssyncadd.s32 @!p1 $0xFFFFFF80;
	s2 =	simm.s32 @!p1 $0x80  }
0x149: {  	[tilespmem:s5], [sflag:$0x8] =	stream.indirect.gather @!p1 [hbm4b:s1+s2], $0x80, s6, s2, $0xb8;
	[tilespmem:$0x1FB80] =	vst v63  }
0x14a: {  	_ =	swait.ge [sflag:s31], $0x4000  }
0x14b: {  	[sflag:s31] =	ssyncset.done $0x0  }
0x14c: {  	[sflag:s31] =	ssyncadd.s32 $0xFFFFC000  }
0x14d: {  	[bflag:$0x0] =	sbarrier.arrive $0xFFFF  }
0x14e: {  	s26 =	sld [smem:$0x7FB];
	_ =	sdelay $0x2  }
0x14f: {  	p1 =	seq.s32 s26, $0x1  }
0x150: {  	s6 =	rddreg [dreg:$0x14];
	s2 =	sshrl.u32 @!p1 s13, $0x3;
	s5 =	simm.s32 @!p1 $0x1FCE  }
0x151: {  	[hbm:s6], [sflag:s5] =	dma.local @!p1 [spmem:s2], $0x2080  }
0x152: {  	s2 =	simm.s32 @!p1 $0xE  }
0x153: {  	_ =	swait.ge @!p1 [sflag:s2], $0x2080  }
0x154: {  	s28 =	sld [smem:$0x7FC];
	_ =	sdelay $0x2  }
0x155: {  	s9 =	stileid.u32;
	p2 =	seq.s32 s28, $0x1  }
0x156: {  	[sflag:s2] =	ssyncset.done @!p1 $0x0;
	s6 =	rddreg [dreg:$0x13];
	s5 =	sshll.u32 @!p2 s9, $0x6  }
0x157: {  	[sflag:s2] =	ssyncadd.s32 @!p1 $0xFFFFDF80;
	s2 =	sor.u32 @!p2 $0x1C0E, s5;
	s5 =	sshrl.u32 @!p2 s13, $0x3  }
0x158: {  	[hbm:s6], [sflag:s2] =	dma.local @!p2 [spmem:s5], $0x2780  }
0x159: {  	s2 =	simm.s32 @!p2 $0xE  }
0x15a: {  	_ =	swait.ge @!p2 [sflag:s2], $0x2780  }
0x15b: {  	s29 =	sld [smem:$0x7FD];
	_ =	sdelay $0x2  }
0x15c: {  	[sflag:s2] =	ssyncset.done @!p2 $0x0;
	s6 =	rddreg [dreg:$0x12];
	p1 =	seq.s32 s29, $0x1  }
0x15d: {  	[sflag:s2] =	ssyncadd.s32 @!p2 $0xFFFFD880;
	s2 =	sshrl.u32 @!p1 s13, $0x3;
	s5 =	simm.s32 @!p1 $0x1FCE  }
0x15e: {  	[hbm:s6], [sflag:s5] =	dma.local @!p1 [spmem:s2], $0x2080  }
0x15f: {  	s2 =	simm.s32 @!p1 $0xE  }
0x160: {  	_ =	swait.ge @!p1 [sflag:s2], $0x2080  }
0x161: {  	s5 =	sshll.u32 @!p4 s9, $0x6;
	[sflag:s2] =	ssyncset.done @!p1 $0x0;
	s9 =	rddreg [dreg:$0x11]  }
0x162: {  	[sflag:s2] =	ssyncadd.s32 @!p1 $0xFFFFDF80;
	s2 =	sor.u32 @!p4 $0x1C0E, s5;
	s5 =	sshrl.u32 @!p4 s13, $0x3  }
0x163: {  	[hbm:s9], [sflag:s2] =	dma.local @!p4 [spmem:s5], $0x2780  }
0x164: {  	s2 =	simm.s32 @!p4 $0xE  }
0x165: {  	_ =	swait.ge @!p4 [sflag:s2], $0x2780  }
0x166: {  	s0 =	sadd.s32 $0x1, s0;
	s30 =	rddreg [dreg:$0x15]  }
0x167: {  	p1 =	sne.s32 s0, s30  }
.Ltmp2:
0x168: {  	_ = 	snop;
	(pc) =	sbr.rel @p1 .LBB2_1-.Ltmp2, $4  }
0x169: {  	_ = 	snop  }
0x16a: {  	s14 =	simm.s32 $0x13A80  }
0x16b: {  	s11 =	simm.s32 $0x13980;
	s12 =	simm.s32 $0x13A00;
	[sflag:s2] =	ssyncset.done @!p4 $0x0  }
0x16c: {  	s6 =	stileid.u32;
	s9 =	simm.s32 $0x13880;
	[sflag:s2] =	ssyncadd.s32 @!p4 $0xFFFFD880  }
0x16d: {  	_ =	sfence.sel $0x180000  }
0x16e: {  	[bflag:$0x0] =	sbarrier.arrive $0xFFFF  }
0x16f: {  	_ =	strace $0x90000047  }
0x170: {  	[bflag:$0x2] =	sbarrier.arrive $0xFFFF  }
0x171: {  	p0 =	sne.s32 s6, $0x0;
	s0 =	rddreg [dreg:$0x4]  }
0x172: {  	s0 =	sadd.s32 @!p0 $0x100000, s0  }
0x173: {  	[sflag:s0] =	ssyncadd.tile.s32 @!p0 $0x1;
	_ =	shalt  }
.Lfunc_end2:
_tile_overlayer_lowered:
.L_overlay_start_2:
0x174: {  	(tag) =	ssettag $0x2  }
0x175: {  	s0 =	rddreg [dreg:$0x0];
	s2 =	stileid.u32  }
0x176: {  	s1 =	rddreg [dreg:$0x1];
	p0 =	sne.s32 s2, $0x0  }
0x177: {  	s3 =	rddreg [dreg:$0x2];
	[bflag:$0x3] =	sbarrier.arrive $0xFFFF;
	s2 =	simm.s32 @!p0 $0x1C0E  }
0x178: {  	[timem:s3], [sflag:s2] =	dma.local @!p0 [hbm:s0], s1  }
0x179: {  	s0 =	simm.s32 @!p0 $0xE  }
0x17a: {  	_ =	swait.ge @!p0 [sflag:s0], s1  }
0x17b: {  	s1 =	ssub.s32 @!p0 $0x0, s1;
	[sflag:s0] =	ssyncset.done @!p0 $0x0  }
0x17c: {  	[sflag:s0] =	ssyncadd.s32 @!p0 s1  }
0x17d: {  	[bflag:$0x3] =	sbarrier.arrive $0xFFFF  }
0x17e: {  	_ =	shalt  }

// kernel: kernel.9.cloned.1.call-start
scs
__scs_entry_jumppad:
0x0: {  	(pc) =	sbr.rel $0x88, $3  }
0x1: {  	(tag) =	ssettag $0x0;
	lr =	simm.s32 $0x1  }
0x2: {  	[smem:$0x3F9B] =	sst lr;
	_ =	strace $0xD0000000  }
0x3: {  	_ = 	snop  }
0x4: {  	_ = 	snop  }
0x5: {  	_ = 	snop  }
0x6: {  	_ = 	snop  }
0x7: {  	_ = 	snop  }
__scs_overlays_trampoline_lowered:
0x8: {  	[smem:$0x3FAA] =	sst s0  }
0x9: {  	[smem:$0x3FAB] =	sst s1  }
0xa: {  	[smem:$0x3FAC] =	sst s2  }
0xb: {  	[smem:$0x3FAD] =	sst s3  }
0xc: {  	[smem:$0x3FAE] =	sst s4  }
0xd: {  	[smem:$0x3FAF] =	sst s5  }
0xe: {  	[smem:$0x3FB0] =	sst s6  }
0xf: {  	[smem:$0x3FB1] =	sst s7  }
0x10: {  	[smem:$0x3FB2] =	sst s8  }
0x11: {  	[smem:$0x3FB3] =	sst s9;
	s0 =	simm.s32 @!p0 $0x0  }
0x12: {  	s1 =	sld [smem:$0x3F99];
	s0 =	simm.s32 @p0 $0x1  }
0x13: {  	[smem:$0x3FB4] =	sst s0;
	s0 =	simm.s32 @!p1 $0x0  }
0x14: {  	s2 =	sld [smem:$0x3F98];
	s0 =	simm.s32 @p1 $0x1  }
0x15: {  	[smem:$0x3FB5] =	sst s0;
	s0 =	simm.s32 @!p2 $0x0  }
0x16: {  	s3 =	sld [smem:$0x3FDB];
	s0 =	simm.s32 @p2 $0x1  }
0x17: {  	s4 =	simm.s32 $0x1BF5;
	[smem:$0x3FB7] =	sst s0  }
0x18: {  	s0 =	sld [smem:$0x3F9A];
	_ =	swait.ge [sflag:s4], $0x0  }
0x19: {  	s7 =	sld [smem:$0x3F9B]  }
0x1a: {  	s8 =	sadd.s32 $0xFFFFE003, lr  }
0x1b: {  	s9 =	sadd.s32 $0xFFFFFEF7, lr;
	s5 =	simm.s32 $0xFFFFFFFF;
	p2 =	slt.u32 s8, $0xFFFFF086  }
0x1c: {  	p1 =	slt.u32 s9, $0xF7A;
	s5 =	simm.s32 @!p2 $0x0  }
0x1d: {  	s5 =	simm.s32 @p1 $0x1;
	p0 =	seq.s32 s7, s2  }
0x1e: {  	s7 =	smul.u32 @!p0 $0xF7A, s2;
	p2 =	seq.s32 @!p0 s5, $0x0  }
0x1f: {  	s9 =	smul.u32 $0xF7A, s1;
	s8 =	simm.s32 @!p0 $0x1BF5;
	p2 =	por !p2, p0  }
0x20: {  	[sflag:s8] =	ssyncset.s32 @!p0 $0xFFFFF086;
	s6 =	sadd.s32 @!p0 s3, s7;
	s7 =	simm.s32 @!p0 $0x108  }
0x21: {  	s3 =	sadd.s32 s3, s9;
	s6 =	sadd.s32 @!p0 $0x88, s6;
	s7 =	simm.s32 @p2 $0x1082  }
0x22: {  	[simem:s7], [sflag:s8] =	dma.local @!p0 [hbm:s6], $0xF7A  }
0x23: {  	s9 =	sor.u32 $0xD0000000, s2;
	s6 =	simm.s32 $0x108;
	_ =	swait.ge @!p0 [sflag:s8], $0x0  }
0x24: {  	s3 =	sadd.s32 $0x88, s3;
	s6 =	simm.s32 @!p1 $0x1082;
	[sflag:s4] =	ssyncset.s32 $0xFFFFF086  }
0x25: {  	[simem:s6], [sflag:s4] =	dma.local [hbm:s3], $0xF7A  }
0x26: {  	[smem:$0x3F9B] =	sst s1;
	(tag) =	ssettag s2;
	_ =	strace s9  }
0x27: {  	s1 =	sld [smem:$0x3FAB]  }
0x28: {  	s2 =	sld [smem:$0x3FAC]  }
0x29: {  	s4 =	sld [smem:$0x3FAE]  }
0x2a: {  	p0 =	seq.s32 s5, $0x0;
	s5 =	sld [smem:$0x3FAF]  }
0x2b: {  	s6 =	sld [smem:$0x3FB0]  }
0x2c: {  	s7 =	sld [smem:$0x3FB1]  }
0x2d: {  	s3 =	simm.s32 $0x108;
	s8 =	sld [smem:$0x3FB2]  }
0x2e: {  	s3 =	simm.s32 @!p0 $0x1082;
	s9 =	sld [smem:$0x3FB3]  }
0x2f: {  	lr =	sadd.s32 s0, s3;
	s0 =	sld [smem:$0x3FAA]  }
0x30: {  	s3 =	sld [smem:$0x3FAD]  }
0x31: {  	[smem:$0x3FB6] =	sst s10  }
0x32: {  	s10 =	sld [smem:$0x3FB4];
	_ =	sdelay $0x3  }
0x33: {  	p0 =	seq.s32 s10, $0x1;
	s10 =	sld [smem:$0x3FB6];
	_ =	sdelay $0x3  }
0x34: {  	[smem:$0x3FB6] =	sst s10  }
0x35: {  	s10 =	sld [smem:$0x3FB5];
	_ =	sdelay $0x3  }
0x36: {  	p1 =	seq.s32 s10, $0x1;
	s10 =	sld [smem:$0x3FB6];
	_ =	sdelay $0x3  }
0x37: {  	[smem:$0x3FB6] =	sst s10  }
0x38: {  	s10 =	sld [smem:$0x3FB7]  }
0x39: {  	_ = 	snop;
	(pc) =	sbr.ind lr, $3  }
0x3a: {  	_ = 	snop  }
0x3b: {  	_ = 	snop  }
0x3c: {  	p2 =	seq.s32 s10, $0x1;
	s10 =	sld [smem:$0x3FB6]  }
0x3d: {  	_ =	shalt  }
0x3e: {  	_ =	shalt  }
0x3f: {  	_ =	shalt  }
0x40: {  	_ =	shalt  }
0x41: {  	_ =	shalt  }
0x42: {  	_ =	shalt  }
0x43: {  	_ =	shalt  }
0x44: {  	_ =	shalt  }
0x45: {  	_ =	shalt  }
0x46: {  	_ =	shalt  }
0x47: {  	_ =	shalt  }
0x48: {  	_ =	shalt  }
0x49: {  	_ =	shalt  }
0x4a: {  	_ =	shalt  }
0x4b: {  	_ =	shalt  }
0x4c: {  	_ =	shalt  }
0x4d: {  	_ =	shalt  }
0x4e: {  	_ =	shalt  }
0x4f: {  	_ =	shalt  }
0x50: {  	_ =	shalt  }
0x51: {  	_ =	shalt  }
0x52: {  	_ =	shalt  }
0x53: {  	_ =	shalt  }
0x54: {  	_ =	shalt  }
0x55: {  	_ =	shalt  }
0x56: {  	_ =	shalt  }
0x57: {  	_ =	shalt  }
0x58: {  	_ =	shalt  }
0x59: {  	_ =	shalt  }
0x5a: {  	_ =	shalt  }
0x5b: {  	_ =	shalt  }
0x5c: {  	_ =	shalt  }
0x5d: {  	_ =	shalt  }
0x5e: {  	_ =	shalt  }
0x5f: {  	_ =	shalt  }
0x60: {  	_ =	shalt  }
0x61: {  	_ =	shalt  }
0x62: {  	_ =	shalt  }
0x63: {  	_ =	shalt  }
0x64: {  	_ =	shalt  }
0x65: {  	_ =	shalt  }
0x66: {  	_ =	shalt  }
0x67: {  	_ =	shalt  }
0x68: {  	_ =	shalt  }
0x69: {  	_ =	shalt  }
0x6a: {  	_ =	shalt  }
0x6b: {  	_ =	shalt  }
0x6c: {  	_ =	shalt  }
0x6d: {  	_ =	shalt  }
0x6e: {  	_ =	shalt  }
0x6f: {  	_ =	shalt  }
0x70: {  	_ =	shalt  }
0x71: {  	_ =	shalt  }
0x72: {  	_ =	shalt  }
0x73: {  	_ =	shalt  }
0x74: {  	_ =	shalt  }
0x75: {  	_ =	shalt  }
0x76: {  	_ =	shalt  }
0x77: {  	_ =	shalt  }
0x78: {  	_ =	shalt  }
0x79: {  	_ =	shalt  }
0x7a: {  	_ =	shalt  }
0x7b: {  	_ =	shalt  }
0x7c: {  	_ =	shalt  }
0x7d: {  	_ =	shalt  }
0x7e: {  	_ =	shalt  }
0x7f: {  	_ =	shalt  }
0x80: {  	_ =	shalt  }
0x81: {  	_ =	shalt  }
0x82: {  	_ =	shalt  }
0x83: {  	_ =	shalt  }
0x84: {  	_ =	shalt  }
0x85: {  	_ =	shalt  }
0x86: {  	_ =	shalt  }
0x87: {  	_ =	shalt  }
.Lfunc_end0:
.L_simem_size_0:
called_computation.1_lowered:
.L_overlay_start_0:
0x88: {  	s2 =	sld [smem:$0x3FD9]  }
0x89: {  	s3 =	sld [smem:$0x3FFE];
	_ =	sdelay $0x1  }
0x8a: {  	s1 =	srdreg.scid  }
0x8b: {  	s0 =	sand.u32 $0x1, s1  }
0x8c: {  	s17 =	sshll.u32 s0, $0xA;
	s2 =	sadd.s32 s3, s2  }
0x8d: {  	s2 =	sadd.s32 s2, s17  }
0x8e: {  	[smem:$0x3FC2] =	sst s2  }
0x8f: {  	_ = 	snop  }
0x90: {  	s2 =	sld [smem:$0x3FD0];
	(tm) =	ssettm $0x1  }
0x91: {  	s18 =	sld [smem:$0x3FFB];
	_ =	sdelay $0x3  }
0x92: {  	_ =	strace s18  }
0x93: {  	s3 =	sld [smem:$0x3FFC];
	_ =	sdelay $0x3  }
0x94: {  	_ =	strace s3  }
0x95: {  	s3 =	sld [smem:$0x3FFD];
	_ =	sdelay $0x3  }
0x96: {  	_ =	strace s3  }
0x97: {  	_ =	strace $0x8FFFFFFF  }
0x98: {  	s19 =	sld [smem:$0x3FDB];
	_ =	sdelay $0x1  }
0x99: {  	s4 =	simm.s32 $_scs_section_size  }
0x9a: {  	s5 =	simm.s32 $_size__tile_overlayer_lowered;
	s6 =	simm.s32 $_tile_overlayer_lowered  }
0x9b: {  	s22 =	simm.s32 $0x1BFF;
	s21 =	sshll.u32 s6, $0x1;
	s3 =	sadd.s32 s4, s19  }
0x9c: {  	s7 =	simm.s32 $0x0;
	s20 =	sshll.u32 s5, $0x1;
	s5 =	sadd.s32 s21, s3  }
0x9d: {  	[timem:s7], [sflag:s22] =	dma.local [hbm:s5], s20  }
0x9e: {  	_ =	swait.ge [sflag:s22], s20  }
0x9f: {  	s4 =	ssub.s32 $0x0, s20;
	[sflag:s22] =	ssyncset.done $0x0  }
0xa0: {  	[sflag:s22] =	ssyncadd.s32 s4;
	_ =	sdelay $0x1  }
0xa1: {  	s23 =	simm.s32 $0x1B8B  }
0xa2: {  	_ =	swait.ge [sflag:s23], $0x1  }
0xa3: {  	[sflag:s23] =	ssyncset.done $0x0  }
0xa4: {  	s25 =	simm.s32 $0x1B8E;
	s24 =	sld [smem:$0x3FFE];
	[sflag:s23] =	ssyncadd.s32 $0xFFFFFFFF  }
0xa5: {  	s26 =	simm.s32 $execute0_lowered;
	[smem:$0x3FD2] =	sst s25  }
0xa6: {  	s5 =	sshll.u32 s26, $0x1;
	_ =	strace $0x80000049;
	[dreg:$0x1] =	wrdreg $0xFFFFFFFF  }
0xa7: {  	s28 =	simm.s32 $_size_execute0_lowered;
	s3 =	sadd.s32 s3, s5;
	[dreg:$0x0] =	wrdreg $0x0  }
0xa8: {  	s5 =	sshll.u32 s28, $0x1;
	[dreg:$0x2] =	wrdreg s3  }
0xa9: {  	[dreg:$0x3] =	wrdreg s5  }
0xaa: {  	[dreg:$0x4] =	wrdreg $0xC0  }
0xab: {  	_ =	task [dreg:s7], $0x5FFFF  }
0xac: {  	[dreg:$0x1] =	wrdreg $0xFFFFFFFF  }
0xad: {  	[dreg:$0x0] =	wrdreg $0x60  }
0xae: {  	[dreg:$0x2] =	wrdreg s2  }
0xaf: {  	[dreg:$0x3] =	wrdreg s24  }
0xb0: {  	[dreg:$0x4] =	wrdreg $0x0  }
0xb1: {  	[dreg:$0x5] =	wrdreg $0x9  }
0xb2: {  	_ =	task.clear_ibuf [dreg:s7], $0x6FFFF;
	_ =	strace $0x90000049  }
0xb3: {  	s29 =	simm.s32 $0x9;
	_ =	strace $0x8000004B  }
0xb4: {  	_ =	swait.ge [sflag:s29], $0x1  }
0xb5: {  	[sflag:s29] =	ssyncadd.s32 $0xFFFFFFFF  }
0xb6: {  	_ =	strace $0x9000004B  }
0xb7: {  	_ =	sfence  }
0xb8: {  	s30 =	sld [smem:$0x0];
	_ =	sdelay $0x2  }
0xb9: {  	s31 =	sshll.u32 s1, $0xD;
	s1 =	sshrl.u32 s1, $0x2  }
0xba: {  	s3 =	sand.u32 $0x4000, s31;
	s1 =	sadd.s32 s1, s30  }
0xbb: {  	s0 =	sor.u32 s3, s0;
	s1 =	sshll.u32 s1, $0x11  }
0xbc: {  	s0 =	sor.u32 s1, s0  }
0xbd: {  	s0 =	sadd.s32 $0x8F2B, s0  }
0xbe: {  	[sflag:s0] =	ssyncadd.remote.s32 $0x1  }
0xbf: {  	_ =	sfence.sel $0xFFFF  }
0xc0: {  	[dreg:$0x0] =	wrdreg $0xFFFFFFFF;
	(pc) =	sbr.abs _section_cstart, $3  }
0xc1: {  	[dreg:$0x1] =	wrdreg $0xFFFFFFFF  }
0xc2: {  	_ =	task.clear_ibuf [dreg:s7], $0x2FFFF;
	_ =	strace $0x9FFFFFFF  }
0xc3: {  	(tm) =	ssettm $0x7FFFFFFF  }
tec
execute0_lowered:
.L_overlay_start_1:
0x0: {  	(tag) =	ssettag $0x1  }
0x1: {  	s2 =	rddreg [dreg:$0x0]  }
0x2: {  	s0 =	rddreg [dreg:$0x1]  }
0x3: {  	s3 =	rddreg [dreg:$0x2]  }
0x4: {  	s16 =	stileid.u32;
	s1 =	srdreg.scid;
	s4 =	simm.s32 $0x0  }
0x5: {  	s31 =	simm.s32 $0xB;
	s1 =	sand.u32 $0x1, s1;
	s6 =	smul.u32 $0x2780, s16  }
0x6: {  	s5 =	sshll.u32 s16, $0x1;
	[smem:$0x7FF] =	sst s4;
	s11 =	smul.u32 $0x4F000, s16  }
0x7: {  	s19 =	sadd.s32 $0xC200, s0;
	s18 =	sadd.s32 $0x2400, s0;
	s22 =	smul.u32 $0x5000, s16  }
0x8: {  	p0 =	seq.s32 s16, $0xF;
	s5 =	sor.u32 s1, s5;
	_ =	strace $0x8000004A  }
0x9: {  	s7 =	ssub.s32 $0x2, s1;
	s15 =	smul.u32 $0x2800, s1;
	p1 =	seq.s32 s1, $0x1  }
0xa: {  	s5 =	smul.u32 $0x2800, s5;
	s6 =	sadd.s32 s6, s0;
	s8 =	sshrl.u32 s7, $0x1  }
0xb: {  	s11 =	sshrl.u32 s11, $0x2;
	p2 =	seq.s32 @p1 s16, $0xF;
	s8 =	ssub.s32 s7, s8  }
0xc: {  	s25 =	sadd.s32 s15, s22;
	s9 =	ssub.s32 $0x4E200, s5;
	s5 =	sshrl.u32 s5, $0x3  }
0xd: {  	p3 =	por !p2, !p1;
	s29 =	sor.u32 $0x280, s25;
	s21 =	sadd.s32 s18, s5  }
0xe: {  	p2 =	por p2, !p1;
	s30 =	sshrl.u32 s29, $0x3;
	[dreg:$0x9] =	wrdreg s21  }
0xf: {  	s12 =	sshrl.u32 s9, $0x7;
	s29 =	sadd.s32 $0x138400, s3;
	[dreg:$0x4] =	wrdreg s30  }
0x10: {  	s17 =	sadd.s32 s19, s5;
	s13 =	sor.u32 $0x10, s5;
	[dreg:$0x19] =	wrdreg s29  }
0x11: {  	s20 =	sor.u32 $0x20, s5;
	s10 =	sadd.s32 s19, s13;
	[dreg:$0x6] =	wrdreg s17  }
0x12: {  	s7 =	smin.u32 s12, $0x50;
	s12 =	sadd.s32 s19, s20;
	[dreg:$0x7] =	wrdreg s10  }
0x13: {  	s14 =	sor.u32 $0x30, s5;
	s9 =	sadd.s32 s18, s13;
	[dreg:$0x8] =	wrdreg s12  }
0x14: {  	s15 =	sor.u32 $0x300, s25;
	s23 =	sadd.s32 s19, s14;
	[dreg:$0xa] =	wrdreg s9  }
0x15: {  	s5 =	sor.u32 $0x40, s5;
	s24 =	sadd.s32 s18, s20;
	[dreg:$0xb] =	wrdreg s23  }
0x16: {  	s13 =	sadd.s32 s11, s3;
	s26 =	sadd.s32 s19, s5;
	[dreg:$0xc] =	wrdreg s24  }
0x17: {  	s28 =	sadd.s32 s18, s14;
	s5 =	sadd.s32 s18, s5;
	[dreg:$0xd] =	wrdreg s26  }
0x18: {  	s11 =	sor.u32 $0x400, s25;
	s14 =	sadd.s32 $0x3D200, s6;
	[dreg:$0xe] =	wrdreg s28  }
0x19: {  	s20 =	smax.u32 s8, $0x1;
	s21 =	sor.u32 $0x380, s25;
	[dreg:$0xf] =	wrdreg s5  }
0x1a: {  	s30 =	sadd.s32 $0x50, s17;
	s17 =	simm.s32 $0x80;
	[dreg:$0x12] =	wrdreg s14  }
0x1b: {  	s8 =	simm.s32 $0x2;
	s10 =	sadd.s32 $0x16000, s6;
	[dreg:$0x14] =	wrdreg s20  }
0x1c: {  	s12 =	sadd.s32 $0x3B080, s0;
	s1 =	sshrl.u32 s11, $0x3;
	[dreg:$0x1a] =	wrdreg s30  }
0x1d: {  	s0 =	sadd.s32 $0x62280, s0;
	s24 =	sshrl.u32 s15, $0x3;
	[dreg:$0x10] =	wrdreg s10  }
0x1e: {  	s25 =	sshrl.u32 s21, $0x3;
	s22 =	sadd.s32 $0x4000, s13;
	[dreg:$0x11] =	wrdreg s12  }
0x1f: {  	s23 =	sadd.s32 $0x8000, s13;
	s26 =	sadd.s32 $0xC000, s13;
	[dreg:$0x13] =	wrdreg s0  }
0x20: {  	s28 =	sadd.s32 $0x10000, s13;
	s9 =	simm.s32 $0x13880;
	[dreg:$0x5] =	wrdreg s1  }
0x21: {  	s11 =	simm.s32 $0x13980;
	s0 =	simm.s32 @!p3 $0x0;
	[dreg:$0x15] =	wrdreg s22  }
0x22: {  	s14 =	simm.s32 $0x13A80;
	[dreg:$0x16] =	wrdreg s23;
	s0 =	simm.s32 @p3 $0x1  }
0x23: {  	s15 =	simm.s32 $0x1BB80;
	[smem:$0x7FB] =	sst s0;
	s0 =	simm.s32 @!p2 $0x0  }
0x24: {  	[dreg:$0x17] =	wrdreg s26;
	s0 =	simm.s32 @p2 $0x1;
	p2 =	seq.s32 @!p1 s16, $0xF  }
0x25: {  	s20 =	simm.s32 $0xD;
	[dreg:$0x18] =	wrdreg s28;
	p3 =	por !p2, p1  }
0x26: {  	s10 =	simm.s32 $0x13900;
	[smem:$0x7FC] =	sst s0;
	s0 =	simm.s32 @!p3 $0x0  }
0x27: {  	s12 =	simm.s32 $0x13A00;
	s16 =	simm.s32 $0x1;
	s0 =	simm.s32 @p3 $0x1  }
0x28: {  	v0 =	vimm.f32 $0.0e+00;
	p4 =	por p2, p1;
	[smem:$0x7FD] =	sst s0;
	s0 =	simm.s32 $0x0  }
.LBB2_1:
0x29: {  	s1 =	rddreg [dreg:$0x6]  }
0x2a: {  	[tilespmem:s9], [sflag:$0x1] =	stream.linear.gather [hbm4b:s1+s4], $0x80, $0x38;
	[tilespmem:$0x1FB80] =	vst v63  }
0x2b: {  	s26 =	rddreg [dreg:$0x7]  }
0x2c: {  	[tilespmem:s10], [sflag:$0x2] =	stream.linear.gather [hbm4b:s26+s4], $0x80, $0x38;
	[tilespmem:$0x1FB80] =	vst v63  }
0x2d: {  	s28 =	rddreg [dreg:$0x8]  }
0x2e: {  	[tilespmem:s11], [sflag:$0x3] =	stream.linear.gather [hbm4b:s28+s4], $0x80, $0x38;
	[tilespmem:$0x1FB80] =	vst v63  }
0x2f: {  	s29 =	rddreg [dreg:$0x9]  }
0x30: {  	[tilespmem:s12], [sflag:$0x4] =	stream.linear.gather [hbm4b:s29+s4], $0x80, $0x38;
	[tilespmem:$0x1FB80] =	vst v63  }
0x31: {  	s30 =	rddreg [dreg:$0xa];
	s5 =	simm.s32 $0x0;
	s1 =	simm.s32 $0x200  }
0x32: {  	[tilespmem:s14], [sflag:$0x5] =	stream.linear.gather [hbm4b:s30+s4], $0x80, $0x38;
	[tilespmem:$0x1FB80] =	vst v63  }
.LBB2_2:
0x33: {  	p1 =	sne.s32 s1, $0xFE00;
	[tilespmem:s5+$0x1BBF0] =	vst v0  }
0x34: {  	[tilespmem:s5+$0x1BB80] =	vst v0  }
0x35: {  	[tilespmem:s5+$0x1BB90] =	vst v0  }
.Ltmp0:
0x36: {  	[tilespmem:s5+$0x1BBA0] =	vst v0;
	(pc) =	sbr.rel @p1 .LBB2_2-.Ltmp0, $4  }
0x37: {  	[tilespmem:s5+$0x1BBB0] =	vst v0  }
0x38: {  	[tilespmem:s5+$0x1BBC0] =	vst v0  }
0x39: {  	[tilespmem:s5+$0x1BBD0] =	vst v0  }
0x3a: {  	[tilespmem:s5+$0x1BBE0] =	vst v0;
	s5 =	sshra.s32 s1, $0x2;
	s1 =	sadd.s32 $0x200, s1  }
0x3b: {  	[tilespmem:s5+$0x1BBF0] =	vst v0  }
0x3c: {  	[tilespmem:s5+$0x1BB80] =	vst v0  }
0x3d: {  	[tilespmem:s5+$0x1BB90] =	vst v0  }
0x3e: {  	[tilespmem:s5+$0x1BBA0] =	vst v0  }
0x3f: {  	[tilespmem:s5+$0x1BBB0] =	vst v0  }
0x40: {  	[tilespmem:s5+$0x1BBC0] =	vst v0  }
0x41: {  	[tilespmem:s5+$0x1BBD0] =	vst v0  }
0x42: {  	[tilespmem:s5+$0x1BBE0] =	vst v0  }
0x43: {  	[spmem:s13] =	stream.linear.scatter [tilespmem:s15], [sflag:$0xD], $0x4000, $0x38;
	[tilespmem:$0x1FB80] =	vst v63  }
0x44: {  	s1 =	rddreg [dreg:$0x15]  }
0x45: {  	[spmem:s1] =	stream.linear.scatter [tilespmem:s15], [sflag:$0xD], $0x4000, $0x38;
	[tilespmem:$0x1FB80] =	vst v63  }
0x46: {  	s21 =	rddreg [dreg:$0x16]  }
0x47: {  	[spmem:s21] =	stream.linear.scatter [tilespmem:s15], [sflag:$0xD], $0x4000, $0x38;
	[tilespmem:$0x1FB80] =	vst v63  }
0x48: {  	s22 =	rddreg [dreg:$0x17]  }
0x49: {  	[spmem:s22] =	stream.linear.scatter [tilespmem:s15], [sflag:$0xD], $0x4000, $0x38;
	[tilespmem:$0x1FB80] =	vst v63  }
0x4a: {  	s5 =	rddreg [dreg:$0x19];
	s1 =	simm.s32 @p0 $0x1BB80  }
0x4b: {  	[spmem:s5] =	stream.linear.scatter @p0 [tilespmem:s1], [sflag:$0xD], $0x400, $0x38;
	[tilespmem:$0x1FB80] =	vst v63  }
0x4c: {  	s1 =	simm.s32 @!p0 $0x1BB80;
	s5 =	rddreg [dreg:$0x18]  }
0x4d: {  	[spmem:s5] =	stream.linear.scatter @!p0 [tilespmem:s1], [sflag:$0xD], $0x3C00, $0x38;
	[tilespmem:$0x1FB80] =	vst v63  }
0x4e: {  	_ =	swait.ge [sflag:s16], $0x80  }
0x4f: {  	[sflag:s16] =	ssyncset.done $0x0  }
0x50: {  	s5 =	simm.s32 $0x13B80;
	[sflag:s16] =	ssyncadd.s32 $0xFFFFFF80  }
0x51: {  	[tilespmem:s5], [sflag:$0x7] =	stream.indirect.gather [hbm4b:s2+s17], $0x80, s9, s17, $0xb8;
	[tilespmem:$0x1FB80] =	vst v63  }
0x52: {  	_ =	swait.ge [sflag:s8], $0x80  }
0x53: {  	[sflag:s8] =	ssyncset.done $0x0  }
0x54: {  	s6 =	simm.s32 $0x17B80;
	[sflag:s8] =	ssyncadd.s32 $0xFFFFFF80  }
0x55: {  	[tilespmem:s6], [sflag:$0x8] =	stream.indirect.gather [hbm4b:s2+s17], $0x80, s10, s17, $0xb8;
	[tilespmem:$0x1FB80] =	vst v63  }
0x56: {  	_ =	swait.ge [sflag:s20], $0x4000  }
0x57: {  	[sflag:s20] =	ssyncset.done $0x0  }
0x58: {  	[sflag:s20] =	ssyncadd.s32 $0xFFFFC000  }
0x59: {  	_ =	swait.ge [sflag:s20], $0x4000  }
0x5a: {  	[sflag:s20] =	ssyncset.done $0x0  }
0x5b: {  	[sflag:s20] =	ssyncadd.s32 $0xFFFFC000  }
0x5c: {  	_ =	swait.ge [sflag:s20], $0x4000  }
0x5d: {  	[sflag:s20] =	ssyncset.done $0x0  }
0x5e: {  	[sflag:s20] =	ssyncadd.s32 $0xFFFFC000  }
0x5f: {  	_ =	swait.ge [sflag:s20], $0x4000  }
0x60: {  	[sflag:s20] =	ssyncset.done $0x0  }
0x61: {  	s1 =	simm.s32 @p0 $0xD;
	[sflag:s20] =	ssyncadd.s32 $0xFFFFC000  }
0x62: {  	_ =	swait.ge @p0 [sflag:s1], $0x400  }
0x63: {  	[sflag:s1] =	ssyncset.done @p0 $0x0  }
0x64: {  	[sflag:s1] =	ssyncadd.s32 @p0 $0xFFFFFC00;
	s1 =	simm.s32 @!p0 $0xD  }
0x65: {  	_ =	swait.ge @!p0 [sflag:s1], $0x3C00  }
0x66: {  	[sflag:s1] =	ssyncset.done @!p0 $0x0  }
0x67: {  	[sflag:s1] =	ssyncadd.s32 @!p0 $0xFFFFC400  }
0x68: {  	s23 =	simm.s32 $0x7;
	[bflag:$0x0] =	sbarrier.arrive $0xFFFF  }
0x69: {  	_ =	swait.ge [sflag:s23], $0x4000  }
0x6a: {  	[sflag:s23] =	ssyncset.done $0x0  }
0x6b: {  	s26 =	simm.s32 $0x4;
	[sflag:s23] =	ssyncadd.s32 $0xFFFFC000  }
0x6c: {  	_ =	swait.ge [sflag:s26], $0x80  }
0x6d: {  	[sflag:s26] =	ssyncset.done $0x0  }
0x6e: {  	[sflag:s26] =	ssyncadd.s32 $0xFFFFFF80  }
0x6f: {  	[spmem:s3] =	stream.indirect.scatter.add.f32 [tilespmem:s5], [sflag:$0xA], $0x80, s12, s17, $0xb8;
	[tilespmem:$0x1FB80] =	vst v63  }
0x70: {  	s29 =	rddreg [dreg:$0xb]  }
0x71: {  	[tilespmem:s9], [sflag:$0x1] =	stream.linear.gather [hbm4b:s29+s4], $0x80, $0x38;
	[tilespmem:$0x1FB80] =	vst v63  }
0x72: {  	s21 =	simm.s32 $0x13B00;
	s22 =	simm.s32 $0x3;
	s30 =	rddreg [dreg:$0xc]  }
0x73: {  	[tilespmem:s21], [sflag:$0x6] =	stream.linear.gather [hbm4b:s30+s4], $0x80, $0x38;
	[tilespmem:$0x1FB80] =	vst v63  }
0x74: {  	_ =	swait.ge [sflag:s22], $0x80  }
0x75: {  	[sflag:s22] =	ssyncset.done $0x0  }
0x76: {  	s23 =	simm.s32 $0x8;
	[sflag:s22] =	ssyncadd.s32 $0xFFFFFF80  }
0x77: {  	[tilespmem:s15], [sflag:$0x9] =	stream.indirect.gather [hbm4b:s2+s17], $0x80, s11, s17, $0xb8;
	[tilespmem:$0x1FB80] =	vst v63  }
0x78: {  	_ =	swait.ge [sflag:s23], $0x4000  }
0x79: {  	[sflag:s23] =	ssyncset.done $0x0  }
0x7a: {  	s26 =	simm.s32 $0x5;
	[sflag:s23] =	ssyncadd.s32 $0xFFFFC000  }
0x7b: {  	_ =	swait.ge [sflag:s26], $0x80  }
0x7c: {  	[sflag:s26] =	ssyncset.done $0x0  }
0x7d: {  	s29 =	simm.s32 $0xA;
	[sflag:s26] =	ssyncadd.s32 $0xFFFFFF80  }
0x7e: {  	[spmem:s3] =	stream.indirect.scatter.add.f32 [tilespmem:s6], [sflag:$0xB], $0x80, s14, s17, $0xb8;
	[tilespmem:$0x1FB80] =	vst v63  }
0x7f: {  	_ =	swait.ge [sflag:s29], $0x4000  }
0x80: {  	[sflag:s29] =	ssyncset.done $0x0  }
0x81: {  	s30 =	rddreg [dreg:$0xd];
	[sflag:s29] =	ssyncadd.s32 $0xFFFFC000  }
0x82: {  	[tilespmem:s10], [sflag:$0x2] =	stream.linear.gather [hbm4b:s30+s4], $0x80, $0x38;
	[tilespmem:$0x1FB80] =	vst v63  }
0x83: {  	s22 =	rddreg [dreg:$0xe]  }
0x84: {  	[tilespmem:s12], [sflag:$0x4] =	stream.linear.gather [hbm4b:s22+s4], $0x80, $0x38;
	[tilespmem:$0x1FB80] =	vst v63  }
0x85: {  	_ =	swait.ge [sflag:s16], $0x80  }
0x86: {  	[sflag:s16] =	ssyncset.done $0x0  }
0x87: {  	s23 =	simm.s32 $0x9;
	[sflag:s16] =	ssyncadd.s32 $0xFFFFFF80  }
0x88: {  	[tilespmem:s5], [sflag:$0x7] =	stream.indirect.gather [hbm4b:s2+s17], $0x80, s9, s17, $0xb8;
	[tilespmem:$0x1FB80] =	vst v63  }
0x89: {  	_ =	swait.ge [sflag:s23], $0x4000  }
0x8a: {  	[sflag:s23] =	ssyncset.done $0x0  }
0x8b: {  	s26 =	simm.s32 $0x6;
	[sflag:s23] =	ssyncadd.s32 $0xFFFFC000  }
0x8c: {  	_ =	swait.ge [sflag:s26], $0x80  }
0x8d: {  	[sflag:s26] =	ssyncset.done $0x0  }
0x8e: {  	[sflag:s26] =	ssyncadd.s32 $0xFFFFFF80  }
0x8f: {  	[spmem:s3] =	stream.indirect.scatter.add.f32 [tilespmem:s15], [sflag:$0xC], $0x80, s21, s17, $0xb8;
	[tilespmem:$0x1FB80] =	vst v63  }
0x90: {  	_ =	swait.ge [sflag:s31], $0x4000  }
0x91: {  	[sflag:s31] =	ssyncset.done $0x0  }
0x92: {  	s29 =	rddreg [dreg:$0x1a];
	[sflag:s31] =	ssyncadd.s32 $0xFFFFC000  }
0x93: {  	[tilespmem:s11], [sflag:$0x3] =	stream.linear.gather [hbm4b:s29+s4], $0x80, $0x38;
	[tilespmem:$0x1FB80] =	vst v63  }
0x94: {  	s30 =	rddreg [dreg:$0xf]  }
0x95: {  	[tilespmem:s14], [sflag:$0x5] =	stream.linear.gather [hbm4b:s30+s4], $0x80, $0x38;
	[tilespmem:$0x1FB80] =	vst v63  }
0x96: {  	_ =	swait.ge [sflag:s8], $0x80  }
0x97: {  	p1 =	sle.u32 s7, $0x3;
	[sflag:s8] =	ssyncset.done $0x0  }
0x98: {  	s1 =	simm.s32 @!p1 $0x7;
	[sflag:s8] =	ssyncadd.s32 $0xFFFFFF80  }
0x99: {  	[tilespmem:s6], [sflag:$0x8] =	stream.indirect.gather [hbm4b:s2+s17], $0x80, s10, s17, $0xb8;
	[tilespmem:$0x1FB80] =	vst v63  }
0x9a: {  	_ =	swait.ge @!p1 [sflag:s1], $0x4000  }
0x9b: {  	[sflag:s1] =	ssyncset.done @!p1 $0x0  }
0x9c: {  	p3 =	sle.u32 @!p1 s7, $0x5;
	s5 =	simm.s32 @!p1 $0x4;
	[sflag:s1] =	ssyncadd.s32 @!p1 $0xFFFFC000  }
0x9d: {  	p2 =	sle.u32 @!p1 s7, $0x6;
	p3 =	por p3, p1;
	_ =	swait.ge @!p1 [sflag:s5], $0x80  }
0x9e: {  	s12 =	simm.s32 @!p1 $0x13A00;
	s11 =	simm.s32 @!p1 $0x80;
	[sflag:s5] =	ssyncset.done @!p1 $0x0  }
0x9f: {  	s6 =	simm.s32 @!p1 $0xC;
	s1 =	simm.s32 @!p1 $0x13B80;
	[sflag:s5] =	ssyncadd.s32 @!p1 $0xFFFFFF80  }
0xa0: {  	[spmem:s3] =	stream.indirect.scatter.add.f32 @!p1 [tilespmem:s1], [sflag:$0xA], $0x80, s12, s11, $0xb8;
	[tilespmem:$0x1FB80] =	vst v63  }
0xa1: {  	p2 =	por p2, p1;
	s14 =	simm.s32 @!p3 $0x0;
	_ =	swait.ge @!p1 [sflag:s6], $0x4000  }
0xa2: {  	s5 =	simm.s32 @!p2 $0x0;
	s1 =	simm.s32 @!p2 $0x13880;
	[sflag:s6] =	ssyncset.done @!p1 $0x0  }
0xa3: {  	s12 =	sadd.s32 @!p2 s19, s24;
	s11 =	rddreg [dreg:$0x4];
	[sflag:s6] =	ssyncadd.s32 @!p1 $0xFFFFC000  }
0xa4: {  	[tilespmem:s1], [sflag:$0x1] =	stream.linear.gather @!p2 [hbm4b:s12+s5], $0x80, $0x38;
	[tilespmem:$0x1FB80] =	vst v63  }
0xa5: {  	s6 =	simm.s32 @!p3 $0x3;
	s1 =	simm.s32 @!p3 $0x13B00;
	s5 =	sadd.s32 @!p3 s18, s11  }
0xa6: {  	[tilespmem:s1], [sflag:$0x6] =	stream.linear.gather @!p3 [hbm4b:s5+s14], $0x80, $0x38;
	[tilespmem:$0x1FB80] =	vst v63  }
0xa7: {  	p1 =	sle.u32 s7, $0x4;
	_ =	swait.ge @!p3 [sflag:s6], $0x80  }
0xa8: {  	s11 =	simm.s32 @!p1 $0x8;
	s1 =	simm.s32 @!p3 $0x80;
	[sflag:s6] =	ssyncset.done @!p3 $0x0  }
0xa9: {  	s5 =	simm.s32 @!p3 $0x13980;
	[sflag:s6] =	ssyncadd.s32 @!p3 $0xFFFFFF80;
	s6 =	simm.s32 @!p3 $0x1BB80  }
0xaa: {  	[tilespmem:s6], [sflag:$0x9] =	stream.indirect.gather @!p3 [hbm4b:s2+s1], $0x80, s5, s1, $0xb8;
	[tilespmem:$0x1FB80] =	vst v63  }
0xab: {  	_ =	swait.ge @!p1 [sflag:s11], $0x4000  }
0xac: {  	[sflag:s11] =	ssyncset.done @!p1 $0x0  }
0xad: {  	s23 =	sadd.s32 $0x30, s18;
	s1 =	simm.s32 @!p1 $0x5;
	[sflag:s11] =	ssyncadd.s32 @!p1 $0xFFFFC000  }
0xae: {  	p2 =	sle.u32 @!p1 s7, $0x7;
	s12 =	simm.s32 @!p1 $0x13A80;
	_ =	swait.ge @!p1 [sflag:s1], $0x80  }
0xaf: {  	s5 =	simm.s32 @!p1 $0x17B80;
	s6 =	simm.s32 @!p1 $0xA;
	[sflag:s1] =	ssyncset.done @!p1 $0x0  }
0xb0: {  	p3 =	sle.u32 @!p1 s7, $0x6;
	s11 =	simm.s32 @!p1 $0x80;
	[sflag:s1] =	ssyncadd.s32 @!p1 $0xFFFFFF80  }
0xb1: {  	[spmem:s3] =	stream.indirect.scatter.add.f32 @!p1 [tilespmem:s5], [sflag:$0xB], $0x80, s12, s11, $0xb8;
	[tilespmem:$0x1FB80] =	vst v63  }
0xb2: {  	p2 =	por p2, p1;
	p3 =	por p3, p1;
	_ =	swait.ge @!p1 [sflag:s6], $0x4000  }
0xb3: {  	s1 =	simm.s32 @!p2 $0x0;
	s5 =	simm.s32 @!p2 $0x13900;
	[sflag:s6] =	ssyncset.done @!p1 $0x0  }
0xb4: {  	s11 =	sadd.s32 @!p3 s18, s24;
	[sflag:s6] =	ssyncadd.s32 @!p1 $0xFFFFC000;
	s6 =	sadd.s32 @!p2 s19, s25  }
0xb5: {  	[tilespmem:s5], [sflag:$0x2] =	stream.linear.gather @!p2 [hbm4b:s6+s1], $0x80, $0x38;
	[tilespmem:$0x1FB80] =	vst v63  }
0xb6: {  	s1 =	simm.s32 @!p3 $0x0;
	s5 =	simm.s32 @!p3 $0x1;
	s6 =	simm.s32 @!p3 $0x13A00  }
0xb7: {  	[tilespmem:s6], [sflag:$0x4] =	stream.linear.gather @!p3 [hbm4b:s11+s1], $0x80, $0x38;
	[tilespmem:$0x1FB80] =	vst v63  }
0xb8: {  	s14 =	simm.s32 $0xE;
	p1 =	sle.u32 s7, $0x5;
	_ =	swait.ge @!p3 [sflag:s5], $0x80  }
0xb9: {  	s1 =	simm.s32 @!p3 $0x80;
	s6 =	simm.s32 @!p3 $0x13B80;
	[sflag:s5] =	ssyncset.done @!p3 $0x0  }
0xba: {  	s11 =	simm.s32 @!p3 $0x13880;
	[sflag:s5] =	ssyncadd.s32 @!p3 $0xFFFFFF80;
	s5 =	simm.s32 @!p1 $0x9  }
0xbb: {  	[tilespmem:s6], [sflag:$0x7] =	stream.indirect.gather @!p3 [hbm4b:s2+s1], $0x80, s11, s1, $0xb8;
	[tilespmem:$0x1FB80] =	vst v63  }
0xbc: {  	s12 =	simm.s32 $0xB;
	p2 =	sle.u32 @!p1 s7, $0x8;
	_ =	swait.ge @!p1 [sflag:s5], $0x4000  }
0xbd: {  	s21 =	simm.s32 @!p1 $0x80;
	s22 =	simm.s32 @!p1 $0x13B00;
	[sflag:s5] =	ssyncset.done @!p1 $0x0  }
0xbe: {  	p2 =	por p2, p1;
	s1 =	simm.s32 @!p1 $0x6;
	[sflag:s5] =	ssyncadd.s32 @!p1 $0xFFFFC000  }
0xbf: {  	s26 =	simm.s32 @!p2 $0x0;
	s28 =	simm.s32 @!p2 $0x13980;
	_ =	swait.ge @!p1 [sflag:s1], $0x80  }
0xc0: {  	p3 =	sle.u32 @!p1 s7, $0x7;
	s6 =	simm.s32 @!p1 $0xB;
	[sflag:s1] =	ssyncset.done @!p1 $0x0  }
0xc1: {  	p6 =	por p3, p1;
	s5 =	simm.s32 @!p1 $0x1BB80;
	[sflag:s1] =	ssyncadd.s32 @!p1 $0xFFFFFF80  }
0xc2: {  	[spmem:s3] =	stream.indirect.scatter.add.f32 @!p1 [tilespmem:s5], [sflag:$0xC], $0x80, s22, s21, $0xb8;
	[tilespmem:$0x1FB80] =	vst v63  }
0xc3: {  	s11 =	sadd.s32 $0x30, s19;
	s21 =	simm.s32 @!p6 $0x17B80;
	_ =	swait.ge @!p1 [sflag:s6], $0x4000  }
0xc4: {  	s22 =	simm.s32 @!p6 $0x13900;
	s5 =	smov.u32 s19;
	[sflag:s6] =	ssyncset.done @!p1 $0x0  }
0xc5: {  	s1 =	rddreg [dreg:$0x5];
	[sflag:s6] =	ssyncadd.s32 @!p1 $0xFFFFC000;
	s6 =	smov.u32 s18  }
.LBB2_4:
0xc6: {  	s29 =	sadd.s32 $0xFFFFFFFB, s12;
	s30 =	simm.s32 @!p6 $0x13A80  }
0xc7: {  	s1 =	sadd.s32 @!p2 s5, s1;
	s5 =	simm.s32 @!p6 $0x2;
	p1 =	sge.u32 s29, s7  }
0xc8: {  	[tilespmem:s28], [sflag:$0x3] =	stream.linear.gather @!p2 [hbm4b:s1+s26], $0x80, $0x38;
	[tilespmem:$0x1FB80] =	vst v63  }
0xc9: {  	s6 =	sadd.s32 @!p6 s6, s25;
	s26 =	simm.s32 @!p6 $0x0;
	s1 =	sadd.s32 @!p1 $0xFFFFFFFE, s12  }
0xca: {  	[tilespmem:s30], [sflag:$0x5] =	stream.linear.gather @!p6 [hbm4b:s6+s26], $0x80, $0x38;
	[tilespmem:$0x1FB80] =	vst v63  }
0xcb: {  	s9 =	simm.s32 @!p6 $0x80;
	p2 =	sge.u32 @!p1 s1, s7;
	_ =	swait.ge @!p6 [sflag:s5], $0x80  }
0xcc: {  	s1 =	sadd.s32 @!p1 $0xFFFFFFFD, s12;
	p3 =	por p2, p1;
	[sflag:s5] =	ssyncset.done @!p6 $0x0  }
0xcd: {  	p2 =	sge.u32 @!p1 s1, s7;
	s1 =	simm.s32 @!p1 $0x7;
	[sflag:s5] =	ssyncadd.s32 @!p6 $0xFFFFFF80  }
0xce: {  	[tilespmem:s21], [sflag:$0x8] =	stream.indirect.gather @!p6 [hbm4b:s2+s9], $0x80, s22, s9, $0xb8;
	[tilespmem:$0x1FB80] =	vst v63  }
0xcf: {  	_ =	swait.ge @!p1 [sflag:s1], $0x4000  }
0xd0: {  	[sflag:s1] =	ssyncset.done @!p1 $0x0  }
0xd1: {  	s6 =	simm.s32 @!p1 $0x4;
	[sflag:s1] =	ssyncadd.s32 @!p1 $0xFFFFC000  }
0xd2: {  	s28 =	simm.s32 @!p1 $0xC;
	_ =	swait.ge @!p1 [sflag:s6], $0x80  }
0xd3: {  	s29 =	simm.s32 @!p1 $0x13A00;
	s26 =	simm.s32 @!p1 $0x13B80;
	[sflag:s6] =	ssyncset.done @!p1 $0x0  }
0xd4: {  	s30 =	simm.s32 @!p3 $0x0;
	s1 =	simm.s32 @!p1 $0x80;
	[sflag:s6] =	ssyncadd.s32 @!p1 $0xFFFFFF80  }
0xd5: {  	[spmem:s3] =	stream.indirect.scatter.add.f32 @!p1 [tilespmem:s26], [sflag:$0xA], $0x80, s29, s1, $0xb8;
	[tilespmem:$0x1FB80] =	vst v63  }
0xd6: {  	p2 =	por p2, p1;
	s9 =	simm.s32 @!p3 $0x13880;
	_ =	swait.ge @!p1 [sflag:s28], $0x4000  }
0xd7: {  	s22 =	sadd.s32 $0xFFFFFFFC, s12;
	s1 =	sadd.s32 @!p3 s11, s24;
	[sflag:s28] =	ssyncset.done @!p1 $0x0  }
0xd8: {  	s26 =	simm.s32 @!p2 $0x0;
	[sflag:s28] =	ssyncadd.s32 @!p1 $0xFFFFC000;
	p1 =	sge.u32 s22, s7  }
0xd9: {  	[tilespmem:s9], [sflag:$0x1] =	stream.linear.gather @!p3 [hbm4b:s1+s30], $0x80, $0x38;
	[tilespmem:$0x1FB80] =	vst v63  }
0xda: {  	s29 =	simm.s32 @!p2 $0x13B00;
	s28 =	rddreg [dreg:$0x4];
	s1 =	sadd.s32 @!p1 $0xFFFFFFFF, s12  }
0xdb: {  	s9 =	sadd.s32 @!p1 $0xFFFFFFFE, s12;
	s22 =	sadd.s32 @!p2 s23, s28;
	s28 =	simm.s32 @!p2 $0x3  }
0xdc: {  	[tilespmem:s29], [sflag:$0x6] =	stream.linear.gather @!p2 [hbm4b:s22+s26], $0x80, $0x38;
	[tilespmem:$0x1FB80] =	vst v63  }
0xdd: {  	p3 =	sge.u32 @!p1 s9, s7;
	s9 =	simm.s32 @!p2 $0x80;
	_ =	swait.ge @!p2 [sflag:s28], $0x80  }
0xde: {  	p6 =	sge.u32 @!p1 s1, s7;
	s1 =	simm.s32 @!p2 $0x13980;
	[sflag:s28] =	ssyncset.done @!p2 $0x0  }
0xdf: {  	s22 =	simm.s32 @!p2 $0x1BB80;
	s26 =	simm.s32 @!p1 $0x8;
	[sflag:s28] =	ssyncadd.s32 @!p2 $0xFFFFFF80  }
0xe0: {  	[tilespmem:s22], [sflag:$0x9] =	stream.indirect.gather @!p2 [hbm4b:s2+s9], $0x80, s1, s9, $0xb8;
	[tilespmem:$0x1FB80] =	vst v63  }
0xe1: {  	s5 =	smov.u32 s11;
	_ =	swait.ge @!p1 [sflag:s26], $0x4000  }
0xe2: {  	s21 =	smov.u32 s14;
	s14 =	sadd.s32 $0x3, s14;
	[sflag:s26] =	ssyncset.done @!p1 $0x0  }
0xe3: {  	p5 =	sne.s32 s14, $0x56;
	s1 =	simm.s32 @!p1 $0x5;
	[sflag:s26] =	ssyncadd.s32 @!p1 $0xFFFFC000  }
0xe4: {  	s30 =	sadd.s32 $0xFFFFFFFD, s12;
	p6 =	por p6, p1;
	_ =	swait.ge @!p1 [sflag:s1], $0x80  }
0xe5: {  	s28 =	simm.s32 @!p1 $0x13A80;
	s9 =	simm.s32 @!p1 $0x17B80;
	[sflag:s1] =	ssyncset.done @!p1 $0x0  }
0xe6: {  	s22 =	simm.s32 @!p1 $0xA;
	s26 =	simm.s32 @!p1 $0x80;
	[sflag:s1] =	ssyncadd.s32 @!p1 $0xFFFFFF80  }
0xe7: {  	[spmem:s3] =	stream.indirect.scatter.add.f32 @!p1 [tilespmem:s9], [sflag:$0xB], $0x80, s28, s26, $0xb8;
	[tilespmem:$0x1FB80] =	vst v63  }
0xe8: {  	p3 =	por p3, p1;
	s29 =	simm.s32 @!p6 $0x0;
	_ =	swait.ge @!p1 [sflag:s22], $0x4000  }
0xe9: {  	s1 =	simm.s32 @!p6 $0x13900;
	s9 =	sadd.s32 @!p3 s23, s24;
	[sflag:s22] =	ssyncset.done @!p1 $0x0  }
0xea: {  	s26 =	simm.s32 @!p3 $0x0;
	[sflag:s22] =	ssyncadd.s32 @!p1 $0xFFFFC000;
	s22 =	sadd.s32 @!p6 s11, s25  }
0xeb: {  	[tilespmem:s1], [sflag:$0x2] =	stream.linear.gather @!p6 [hbm4b:s22+s29], $0x80, $0x38;
	[tilespmem:$0x1FB80] =	vst v63  }
0xec: {  	s28 =	simm.s32 @!p3 $0x1;
	p1 =	sge.u32 s30, s7;
	s1 =	simm.s32 @!p3 $0x13A00  }
0xed: {  	[tilespmem:s1], [sflag:$0x4] =	stream.linear.gather @!p3 [hbm4b:s9+s26], $0x80, $0x38;
	[tilespmem:$0x1FB80] =	vst v63  }
0xee: {  	s22 =	simm.s32 @!p3 $0x80;
	s29 =	simm.s32 @!p3 $0x13B80;
	_ =	swait.ge @!p3 [sflag:s28], $0x80  }
0xef: {  	p2 =	sge.u32 @!p1 s12, s7;
	s1 =	simm.s32 @!p3 $0x13880;
	[sflag:s28] =	ssyncset.done @!p3 $0x0  }
0xf0: {  	s9 =	sadd.s32 @!p1 $0xFFFFFFFF, s12;
	s12 =	simm.s32 @!p1 $0x9;
	[sflag:s28] =	ssyncadd.s32 @!p3 $0xFFFFFF80  }
0xf1: {  	[tilespmem:s29], [sflag:$0x7] =	stream.indirect.gather @!p3 [hbm4b:s2+s22], $0x80, s1, s22, $0xb8;
	[tilespmem:$0x1FB80] =	vst v63  }
0xf2: {  	s6 =	smov.u32 s23;
	s23 =	sadd.s32 $0x30, s23;
	_ =	swait.ge @!p1 [sflag:s12], $0x4000  }
0xf3: {  	s11 =	sadd.s32 $0x30, s11;
	p2 =	por p2, p1;
	[sflag:s12] =	ssyncset.done @!p1 $0x0  }
0xf4: {  	s26 =	simm.s32 @!p1 $0x80;
	s1 =	simm.s32 @!p1 $0x6;
	[sflag:s12] =	ssyncadd.s32 @!p1 $0xFFFFC000  }
0xf5: {  	p6 =	sge.u32 @!p1 s9, s7;
	s9 =	simm.s32 @!p1 $0x1BB80;
	_ =	swait.ge @!p1 [sflag:s1], $0x80  }
0xf6: {  	p6 =	por p6, p1;
	s28 =	simm.s32 @!p1 $0x13B00;
	[sflag:s1] =	ssyncset.done @!p1 $0x0  }
.Ltmp1:
0xf7: {  	s22 =	simm.s32 @!p1 $0xB;
	[sflag:s1] =	ssyncadd.s32 @!p1 $0xFFFFFF80;
	(pc) =	sbr.rel @p5 .LBB2_4-.Ltmp1, $4  }
0xf8: {  	[spmem:s3] =	stream.indirect.scatter.add.f32 @!p1 [tilespmem:s9], [sflag:$0xC], $0x80, s28, s26, $0xb8;
	[tilespmem:$0x1FB80] =	vst v63  }
0xf9: {  	s12 =	smov.u32 s21;
	s21 =	simm.s32 @!p6 $0x17B80;
	_ =	swait.ge @!p1 [sflag:s22], $0x4000  }
0xfa: {  	s26 =	simm.s32 @!p2 $0x0;
	s28 =	simm.s32 @!p2 $0x13980;
	[sflag:s22] =	ssyncset.done @!p1 $0x0  }
0xfb: {  	s1 =	rddreg [dreg:$0x5];
	[sflag:s22] =	ssyncadd.s32 @!p1 $0xFFFFC000;
	s22 =	simm.s32 @!p6 $0x13900  }
0xfc: {  	s1 =	sadd.s32 @!p2 s5, s1  }
0xfd: {  	[tilespmem:s28], [sflag:$0x3] =	stream.linear.gather @!p2 [hbm4b:s1+s26], $0x80, $0x38;
	[tilespmem:$0x1FB80] =	vst v63  }
0xfe: {  	s5 =	sadd.s32 @!p6 s6, s25;
	s6 =	simm.s32 @!p6 $0x0;
	s1 =	simm.s32 @!p6 $0x13A80  }
0xff: {  	[tilespmem:s1], [sflag:$0x5] =	stream.linear.gather @!p6 [hbm4b:s5+s6], $0x80, $0x38;
	[tilespmem:$0x1FB80] =	vst v63  }
0x100: {  	s1 =	simm.s32 @!p6 $0x2  }
0x101: {  	_ =	swait.ge @!p6 [sflag:s1], $0x80  }
0x102: {  	s14 =	sadd.s32 $0xFFFFFFFB, s12;
	[sflag:s1] =	ssyncset.done @!p6 $0x0  }
0x103: {  	p1 =	sge.u32 s14, s7;
	[sflag:s1] =	ssyncadd.s32 @!p6 $0xFFFFFF80;
	s1 =	simm.s32 @!p6 $0x80  }
0x104: {  	[tilespmem:s21], [sflag:$0x8] =	stream.indirect.gather @!p6 [hbm4b:s2+s1], $0x80, s22, s1, $0xb8;
	[tilespmem:$0x1FB80] =	vst v63  }
0x105: {  	s1 =	simm.s32 @!p1 $0x7  }
0x106: {  	_ =	swait.ge @!p1 [sflag:s1], $0x4000  }
0x107: {  	[sflag:s1] =	ssyncset.done @!p1 $0x0  }
0x108: {  	s5 =	simm.s32 @!p1 $0x4;
	[sflag:s1] =	ssyncadd.s32 @!p1 $0xFFFFC000  }
0x109: {  	_ =	swait.ge @!p1 [sflag:s5], $0x80  }
0x10a: {  	s6 =	simm.s32 @!p1 $0x80;
	[sflag:s5] =	ssyncset.done @!p1 $0x0  }
0x10b: {  	s1 =	simm.s32 @!p1 $0x13B80;
	[sflag:s5] =	ssyncadd.s32 @!p1 $0xFFFFFF80;
	s5 =	simm.s32 @!p1 $0x13A00  }
0x10c: {  	[spmem:s3] =	stream.indirect.scatter.add.f32 @!p1 [tilespmem:s1], [sflag:$0xA], $0x80, s5, s6, $0xb8;
	[tilespmem:$0x1FB80] =	vst v63  }
0x10d: {  	s1 =	sadd.s32 @!p1 $0xFFFFFFFE, s12  }
0x10e: {  	p2 =	sge.u32 @!p1 s1, s7;
	s1 =	simm.s32 @!p1 $0xC  }
0x10f: {  	p2 =	por p2, p1;
	_ =	swait.ge @!p1 [sflag:s1], $0x4000  }
0x110: {  	s5 =	simm.s32 @!p2 $0x13880;
	[sflag:s1] =	ssyncset.done @!p1 $0x0  }
0x111: {  	s6 =	simm.s32 @!p2 $0x0;
	[sflag:s1] =	ssyncadd.s32 @!p1 $0xFFFFC000;
	s1 =	sadd.s32 @!p2 s11, s24  }
0x112: {  	[tilespmem:s5], [sflag:$0x1] =	stream.linear.gather @!p2 [hbm4b:s1+s6], $0x80, $0x38;
	[tilespmem:$0x1FB80] =	vst v63  }
0x113: {  	s1 =	sadd.s32 @!p1 $0xFFFFFFFD, s12  }
0x114: {  	p2 =	sge.u32 @!p1 s1, s7  }
0x115: {  	s5 =	rddreg [dreg:$0x4];
	p2 =	por p2, p1  }
0x116: {  	s1 =	simm.s32 @!p2 $0x0;
	s6 =	simm.s32 @!p2 $0x13B00;
	s5 =	sadd.s32 @!p2 s23, s5  }
0x117: {  	[tilespmem:s6], [sflag:$0x6] =	stream.linear.gather @!p2 [hbm4b:s5+s1], $0x80, $0x38;
	[tilespmem:$0x1FB80] =	vst v63  }
0x118: {  	s1 =	simm.s32 @!p2 $0x3  }
0x119: {  	s21 =	sadd.s32 $0xFFFFFFFC, s12;
	_ =	swait.ge @!p2 [sflag:s1], $0x80  }
0x11a: {  	p1 =	sge.u32 s21, s7;
	s5 =	simm.s32 @!p2 $0x80;
	[sflag:s1] =	ssyncset.done @!p2 $0x0  }
0x11b: {  	s6 =	simm.s32 @!p2 $0x13980;
	[sflag:s1] =	ssyncadd.s32 @!p2 $0xFFFFFF80;
	s1 =	simm.s32 @!p2 $0x1BB80  }
0x11c: {  	[tilespmem:s1], [sflag:$0x9] =	stream.indirect.gather @!p2 [hbm4b:s2+s5], $0x80, s6, s5, $0xb8;
	[tilespmem:$0x1FB80] =	vst v63  }
0x11d: {  	s1 =	simm.s32 @!p1 $0x8  }
0x11e: {  	_ =	swait.ge @!p1 [sflag:s1], $0x4000  }
0x11f: {  	[sflag:s1] =	ssyncset.done @!p1 $0x0  }
0x120: {  	s5 =	simm.s32 @!p1 $0x5;
	[sflag:s1] =	ssyncadd.s32 @!p1 $0xFFFFC000  }
0x121: {  	_ =	swait.ge @!p1 [sflag:s5], $0x80  }
0x122: {  	s6 =	simm.s32 @!p1 $0x80;
	[sflag:s5] =	ssyncset.done @!p1 $0x0  }
0x123: {  	s1 =	simm.s32 @!p1 $0x17B80;
	[sflag:s5] =	ssyncadd.s32 @!p1 $0xFFFFFF80;
	s5 =	simm.s32 @!p1 $0x13A80  }
0x124: {  	[spmem:s3] =	stream.indirect.scatter.add.f32 @!p1 [tilespmem:s1], [sflag:$0xB], $0x80, s5, s6, $0xb8;
	[tilespmem:$0x1FB80] =	vst v63  }
0x125: {  	s1 =	simm.s32 @!p1 $0xA  }
0x126: {  	s5 =	sadd.s32 @!p1 $0xFFFFFFFF, s12;
	s6 =	sadd.s32 @!p1 $0xFFFFFFFE, s12;
	_ =	swait.ge @!p1 [sflag:s1], $0x4000  }
0x127: {  	p2 =	sge.u32 @!p1 s6, s7;
	p3 =	sge.u32 @!p1 s5, s7;
	[sflag:s1] =	ssyncset.done @!p1 $0x0  }
0x128: {  	p3 =	por p3, p1;
	p2 =	por p2, p1;
	[sflag:s1] =	ssyncadd.s32 @!p1 $0xFFFFC000  }
0x129: {  	s1 =	simm.s32 @!p3 $0x0;
	s5 =	simm.s32 @!p3 $0x13900;
	s6 =	sadd.s32 @!p3 s11, s25  }
0x12a: {  	[tilespmem:s5], [sflag:$0x2] =	stream.linear.gather @!p3 [hbm4b:s6+s1], $0x80, $0x38;
	[tilespmem:$0x1FB80] =	vst v63  }
0x12b: {  	s1 =	sadd.s32 @!p2 s23, s24;
	s5 =	simm.s32 @!p2 $0x0;
	s6 =	simm.s32 @!p2 $0x13A00  }
0x12c: {  	[tilespmem:s6], [sflag:$0x4] =	stream.linear.gather @!p2 [hbm4b:s1+s5], $0x80, $0x38;
	[tilespmem:$0x1FB80] =	vst v63  }
0x12d: {  	s1 =	simm.s32 @!p2 $0x1  }
0x12e: {  	s22 =	sadd.s32 $0xFFFFFFFD, s12;
	_ =	swait.ge @!p2 [sflag:s1], $0x80  }
0x12f: {  	p1 =	sge.u32 s22, s7;
	s6 =	simm.s32 @!p2 $0x80;
	[sflag:s1] =	ssyncset.done @!p2 $0x0  }
0x130: {  	s5 =	simm.s32 @!p2 $0x13B80;
	[sflag:s1] =	ssyncadd.s32 @!p2 $0xFFFFFF80;
	s1 =	simm.s32 @!p2 $0x13880  }
0x131: {  	[tilespmem:s5], [sflag:$0x7] =	stream.indirect.gather @!p2 [hbm4b:s2+s6], $0x80, s1, s6, $0xb8;
	[tilespmem:$0x1FB80] =	vst v63  }
0x132: {  	s1 =	simm.s32 @!p1 $0x9  }
0x133: {  	_ =	swait.ge @!p1 [sflag:s1], $0x4000  }
0x134: {  	[sflag:s1] =	ssyncset.done @!p1 $0x0  }
0x135: {  	s5 =	simm.s32 @!p1 $0x6;
	[sflag:s1] =	ssyncadd.s32 @!p1 $0xFFFFC000  }
0x136: {  	_ =	swait.ge @!p1 [sflag:s5], $0x80  }
0x137: {  	s6 =	simm.s32 @!p1 $0x80;
	[sflag:s5] =	ssyncset.done @!p1 $0x0  }
0x138: {  	s1 =	simm.s32 @!p1 $0x1BB80;
	[sflag:s5] =	ssyncadd.s32 @!p1 $0xFFFFFF80;
	s5 =	simm.s32 @!p1 $0x13B00  }
0x139: {  	[spmem:s3] =	stream.indirect.scatter.add.f32 @!p1 [tilespmem:s1], [sflag:$0xC], $0x80, s5, s6, $0xb8;
	[tilespmem:$0x1FB80] =	vst v63  }
0x13a: {  	p2 =	sge.u32 @!p1 s12, s7;
	s1 =	simm.s32 @!p1 $0xB  }
0x13b: {  	p2 =	por p2, p1;
	_ =	swait.ge @!p1 [sflag:s1], $0x4000  }
0x13c: {  	s6 =	simm.s32 @!p2 $0x13980;
	s5 =	rddreg [dreg:$0x5];
	[sflag:s1] =	ssyncset.done @!p1 $0x0  }
0x13d: {  	[sflag:s1] =	ssyncadd.s32 @!p1 $0xFFFFC000;
	s1 =	simm.s32 @!p2 $0x0;
	s5 =	sadd.s32 @!p2 s11, s5  }
0x13e: {  	[tilespmem:s6], [sflag:$0x3] =	stream.linear.gather @!p2 [hbm4b:s5+s1], $0x80, $0x38;
	[tilespmem:$0x1FB80] =	vst v63  }
0x13f: {  	s1 =	sadd.s32 @!p1 $0xFFFFFFFF, s12  }
0x140: {  	p2 =	sge.u32 @!p1 s1, s7  }
0x141: {  	p1 =	por p2, p1  }
0x142: {  	s1 =	simm.s32 @!p1 $0x13A80;
	s5 =	sadd.s32 @!p1 s23, s25;
	s6 =	simm.s32 @!p1 $0x0  }
0x143: {  	[tilespmem:s1], [sflag:$0x5] =	stream.linear.gather @!p1 [hbm4b:s5+s6], $0x80, $0x38;
	[tilespmem:$0x1FB80] =	vst v63  }
0x144: {  	s1 =	simm.s32 @!p1 $0x2  }
0x145: {  	_ =	swait.ge @!p1 [sflag:s1], $0x80  }
0x146: {  	s5 =	simm.s32 @!p1 $0x17B80;
	[sflag:s1] =	ssyncset.done @!p1 $0x0  }
0x147: {  	s6 =	simm.s32 @!p1 $0x13900;
	[sflag:s1] =	ssyncadd.s32 @!p1 $0xFFFFFF80;
	s1 =	simm.s32 @!p1 $0x80  }
0x148: {  	[tilespmem:s5], [sflag:$0x8] =	stream.indirect.gather @!p1 [hbm4b:s2+s1], $0x80, s6, s1, $0xb8;
	[tilespmem:$0x1FB80] =	vst v63  }
0x149: {  	_ =	swait.ge [sflag:s31], $0x4000  }
0x14a: {  	[sflag:s31] =	ssyncset.done $0x0  }
0x14b: {  	[sflag:s31] =	ssyncadd.s32 $0xFFFFC000  }
0x14c: {  	[bflag:$0x0] =	sbarrier.arrive $0xFFFF  }
0x14d: {  	s26 =	sld [smem:$0x7FB];
	_ =	sdelay $0x2  }
0x14e: {  	p1 =	seq.s32 s26, $0x1  }
0x14f: {  	s6 =	rddreg [dreg:$0x13];
	s1 =	sshrl.u32 @!p1 s13, $0x3;
	s5 =	simm.s32 @!p1 $0x1FCE  }
0x150: {  	[hbm:s6], [sflag:s5] =	dma.local @!p1 [spmem:s1], $0x2080  }
0x151: {  	s1 =	simm.s32 @!p1 $0xE  }
0x152: {  	_ =	swait.ge @!p1 [sflag:s1], $0x2080  }
0x153: {  	s28 =	sld [smem:$0x7FC];
	_ =	sdelay $0x2  }
0x154: {  	s9 =	stileid.u32;
	p2 =	seq.s32 s28, $0x1  }
0x155: {  	[sflag:s1] =	ssyncset.done @!p1 $0x0;
	s6 =	rddreg [dreg:$0x12];
	s5 =	sshll.u32 @!p2 s9, $0x6  }
0x156: {  	[sflag:s1] =	ssyncadd.s32 @!p1 $0xFFFFDF80;
	s1 =	sor.u32 @!p2 $0x1C0E, s5;
	s5 =	sshrl.u32 @!p2 s13, $0x3  }
0x157: {  	[hbm:s6], [sflag:s1] =	dma.local @!p2 [spmem:s5], $0x2780  }
0x158: {  	s1 =	simm.s32 @!p2 $0xE  }
0x159: {  	_ =	swait.ge @!p2 [sflag:s1], $0x2780  }
0x15a: {  	s29 =	sld [smem:$0x7FD];
	_ =	sdelay $0x2  }
0x15b: {  	[sflag:s1] =	ssyncset.done @!p2 $0x0;
	s6 =	rddreg [dreg:$0x11];
	p1 =	seq.s32 s29, $0x1  }
0x15c: {  	[sflag:s1] =	ssyncadd.s32 @!p2 $0xFFFFD880;
	s1 =	sshrl.u32 @!p1 s13, $0x3;
	s5 =	simm.s32 @!p1 $0x1FCE  }
0x15d: {  	[hbm:s6], [sflag:s5] =	dma.local @!p1 [spmem:s1], $0x2080  }
0x15e: {  	s1 =	simm.s32 @!p1 $0xE  }
0x15f: {  	_ =	swait.ge @!p1 [sflag:s1], $0x2080  }
0x160: {  	s5 =	sshll.u32 @!p4 s9, $0x6;
	[sflag:s1] =	ssyncset.done @!p1 $0x0;
	s9 =	rddreg [dreg:$0x10]  }
0x161: {  	[sflag:s1] =	ssyncadd.s32 @!p1 $0xFFFFDF80;
	s1 =	sor.u32 @!p4 $0x1C0E, s5;
	s5 =	sshrl.u32 @!p4 s13, $0x3  }
0x162: {  	[hbm:s9], [sflag:s1] =	dma.local @!p4 [spmem:s5], $0x2780  }
0x163: {  	s1 =	simm.s32 @!p4 $0xE  }
0x164: {  	_ =	swait.ge @!p4 [sflag:s1], $0x2780  }
0x165: {  	s0 =	sadd.s32 $0x1, s0;
	s30 =	rddreg [dreg:$0x14]  }
0x166: {  	p1 =	sne.s32 s0, s30  }
.Ltmp2:
0x167: {  	_ = 	snop;
	(pc) =	sbr.rel @p1 .LBB2_1-.Ltmp2, $4  }
0x168: {  	_ = 	snop  }
0x169: {  	s14 =	simm.s32 $0x13A80  }
0x16a: {  	s11 =	simm.s32 $0x13980;
	s12 =	simm.s32 $0x13A00;
	[sflag:s1] =	ssyncset.done @!p4 $0x0  }
0x16b: {  	s6 =	stileid.u32;
	s9 =	simm.s32 $0x13880;
	[sflag:s1] =	ssyncadd.s32 @!p4 $0xFFFFD880  }
0x16c: {  	_ =	sfence.sel $0x180000  }
0x16d: {  	[bflag:$0x0] =	sbarrier.arrive $0xFFFF  }
0x16e: {  	_ =	strace $0x9000004A  }
0x16f: {  	[bflag:$0x2] =	sbarrier.arrive $0xFFFF  }
0x170: {  	p0 =	sne.s32 s6, $0x0;
	s0 =	rddreg [dreg:$0x3]  }
0x171: {  	s0 =	sadd.s32 @!p0 $0x100000, s0  }
0x172: {  	[sflag:s0] =	ssyncadd.tile.s32 @!p0 $0x1;
	_ =	shalt  }
.Lfunc_end2:
_tile_overlayer_lowered:
.L_overlay_start_2:
0x173: {  	(tag) =	ssettag $0x2  }
0x174: {  	s0 =	rddreg [dreg:$0x0];
	s2 =	stileid.u32  }
0x175: {  	s1 =	rddreg [dreg:$0x1];
	p0 =	sne.s32 s2, $0x0  }
0x176: {  	s3 =	rddreg [dreg:$0x2];
	[bflag:$0x3] =	sbarrier.arrive $0xFFFF;
	s2 =	simm.s32 @!p0 $0x1C0E  }
0x177: {  	[timem:s3], [sflag:s2] =	dma.local @!p0 [hbm:s0], s1  }
0x178: {  	s0 =	simm.s32 @!p0 $0xE  }
0x179: {  	_ =	swait.ge @!p0 [sflag:s0], s1  }
0x17a: {  	s1 =	ssub.s32 @!p0 $0x0, s1;
	[sflag:s0] =	ssyncset.done @!p0 $0x0  }
0x17b: {  	[sflag:s0] =	ssyncadd.s32 @!p0 s1  }
0x17c: {  	[bflag:$0x3] =	sbarrier.arrive $0xFFFF  }
0x17d: {  	_ =	shalt  }

</sc_bundles>
